<compile_context>
chip_gen: v7x
topology: tpu7x:2x2x1
jax: 0.10.2.dev20260603
libtpu: 0.0.44.dev20260713+nightly
codegen_flags: <defaults>
</compile_context>

<pallas_src>
import functools

import jax
import jax.numpy as jnp
from jax import lax
from jax.experimental import pallas as pl
from jax.experimental.pallas import tpu as pltpu
from jax.experimental.pallas import tpu_sc as plsc

N = 10000
E = 320000
D = 128
G = 128
L = 3
BN_SCALE = float(1.0 / (1.0 + 1e-5) ** 0.5)


NB = 2000
NSTEPS = N // NB

ER = E // 128
EBR = ER


def _prep_body(x_ref, atom_ref, vne_ref, bond_ref, hin0_ref, tbl_ref):
    step = pl.program_id(0)
    iota128 = lax.broadcasted_iota(jnp.int32, (NB, 128), 1)
    acc = jnp.zeros((NB, D), jnp.float32)
    for f in range(9):
        col = x_ref[:, pl.ds(f, 1)]
        oh = (col == iota128).astype(jnp.float32)
        acc = acc + lax.dot(oh, atom_ref[f], preferred_element_type=jnp.float32)
    hin0_ref[...] = acc + vne_ref[...]

    @pl.when(step == 0)
    def _():
        b0 = bond_ref[0]
        b1 = bond_ref[1]
        b2 = bond_ref[2]
        b12 = (b1[:, None, :] + b2[None, :, :]).reshape(256, D)
        for i in range(16):
            tbl_ref[pl.ds(i * 256, 256), :] = b12 + b0[i, :][None, :]


def _fidx_body(ea_ref, fidx_ref):
    a = ea_ref[...]
    fidx_ref[...] = a[0] * 256 + a[1] * 16 + a[2]


def _layer_body(hin_ref, agg_ref, batch_ref, w1_ref, b1_ref, w2_ref, b2_ref,
                eps_ref, h_ref, *maybe_pooled, last):
    pooled_ref = maybe_pooled[0] if maybe_pooled else None
    step = pl.program_id(0)
    hin = hin_ref[...]
    pre = (1.0 + eps_ref[0, 0]) * hin + agg_ref[0] + agg_ref[1]
    t = lax.dot_general(pre, w1_ref[...], (((1,), (1,)), ((), ())),
                        preferred_element_type=jnp.float32)
    t = jnp.maximum((t + b1_ref[...]) * BN_SCALE, 0.0)
    h = lax.dot_general(t, w2_ref[...], (((1,), (1,)), ((), ())),
                        preferred_element_type=jnp.float32)
    h = (h + b2_ref[...]) * BN_SCALE
    if not last:
        h = jnp.maximum(h, 0.0)
    h_ref[...] = h
    if not last:
        oh = (batch_ref[...] == lax.broadcasted_iota(jnp.int32, (NB, G), 1)
              ).astype(jnp.float32)
        p = lax.dot_general(oh, hin, (((0,), (0,)), ((), ())),
                            preferred_element_type=jnp.float32)

        @pl.when(step == 0)
        def _():
            pooled_ref[...] = p

        @pl.when(step > 0)
        def _():
            pooled_ref[...] = pooled_ref[...] + p


def _vn_body(pooled_ref, vncur_ref, w1_ref, b1_ref, w2_ref, b2_ref,
             batch_ref, h_ref, vnnext_ref, hinnext_ref, vscr_ref):
    step = pl.program_id(0)

    @pl.when(step == 0)
    def _():
        pt = pooled_ref[...] + vncur_ref[...]
        t2 = lax.dot_general(pt, w1_ref[...], (((1,), (1,)), ((), ())),
                             preferred_element_type=jnp.float32)
        t2 = jnp.maximum((t2 + b1_ref[...]) * BN_SCALE, 0.0)
        v = lax.dot_general(t2, w2_ref[...], (((1,), (1,)), ((), ())),
                            preferred_element_type=jnp.float32)
        v = jnp.maximum((v + b2_ref[...]) * BN_SCALE, 0.0)
        vnnext_ref[...] = v
        vscr_ref[...] = v

    oh = (batch_ref[...] == lax.broadcasted_iota(jnp.int32, (NB, G), 1)
          ).astype(jnp.float32)
    hinnext_ref[...] = h_ref[...] + lax.dot(oh, vscr_ref[...],
                                            preferred_element_type=jnp.float32)



NC = 2
NS = 16
NW = NC * NS
EC = 128
NCHUNK = E // EC
RPT = 624
RREM = N - NS * RPT


def _sc_agg_body(hin, tbl, src, dst, fidx, zeros, out,
                 src_v, dst_v, fidx_v, msg_v, ea_v, agg_sh, sem, sem2):
    cid = lax.axis_index("c")
    sid = lax.axis_index("s")
    wid = sid * NC + cid

    lo = sid * RPT
    pltpu.sync_copy(zeros.at[pl.ds(lo, RPT)], agg_sh.at[pl.ds(lo, RPT)])

    @pl.when(sid == NS - 1)
    def _():
        pltpu.sync_copy(zeros.at[pl.ds(NS * RPT, RREM)],
                        agg_sh.at[pl.ds(NS * RPT, RREM)])

    plsc.subcore_barrier()

    nchunks = 78 + jnp.where(wid < NCHUNK - 78 * NW, 1, 0)

    def chunk(i, carry):
        off = (wid + i * NW) * EC
        pltpu.sync_copy(src.at[pl.ds(off, EC)], src_v)
        pltpu.sync_copy(fidx.at[pl.ds(off, EC)], fidx_v)
        pltpu.sync_copy(dst.at[pl.ds(off, EC)], dst_v)
        pltpu.async_copy(hin.at[src_v], msg_v, sem).wait()
        pltpu.async_copy(tbl.at[fidx_v], ea_v, sem2).wait()

        def erow(e, c2):
            for k in range(8):
                s_ = pl.ds(k * 16, 16)
                msg_v[e, s_] = jnp.maximum(msg_v[e, s_] + ea_v[e, s_], 0.0)
            return c2

        lax.fori_loop(0, EC, erow, 0, unroll=False)
        pltpu.sync_copy(msg_v, agg_sh.at[dst_v], add=True)
        return carry

    lax.fori_loop(0, nchunks, chunk, 0, unroll=False)
    plsc.subcore_barrier()
    pltpu.sync_copy(agg_sh.at[pl.ds(lo, RPT)],
                    out.at[pl.ds(cid * N + lo, RPT)])

    @pl.when(sid == NS - 1)
    def _():
        pltpu.sync_copy(agg_sh.at[pl.ds(NS * RPT, RREM)],
                        out.at[pl.ds(cid * N + NS * RPT, RREM)])


def _sc_agg(hin, tbl, src, dst, fidx, zeros):
    mesh = plsc.VectorSubcoreMesh(core_axis_name="c", subcore_axis_name="s")
    f = pl.kernel(
        _sc_agg_body,
        out_type=jax.ShapeDtypeStruct((2 * N, D), jnp.float32),
        mesh=mesh,
        scratch_types=[
            pltpu.VMEM((EC,), jnp.int32),
            pltpu.VMEM((EC,), jnp.int32),
            pltpu.VMEM((EC,), jnp.int32),
            pltpu.VMEM((EC, D), jnp.float32),
            pltpu.VMEM((EC, D), jnp.float32),
            pltpu.VMEM_SHARED((N, D), jnp.float32),
            pltpu.SemaphoreType.DMA,
            pltpu.SemaphoreType.DMA,
        ],
    )
    return f(hin, tbl, src, dst, fidx, zeros)




def _prep(x, atom_emb, vn_emb, bond_emb):
    return pl.pallas_call(
        _prep_body,
        grid=(NSTEPS,),
        in_specs=[
            pl.BlockSpec((NB, 9), lambda i: (i, 0)),
            pl.BlockSpec((9, 128, D), lambda i: (0, 0, 0)),
            pl.BlockSpec((1, D), lambda i: (0, 0)),
            pl.BlockSpec((3, 16, D), lambda i: (0, 0, 0)),
        ],
        out_specs=[
            pl.BlockSpec((NB, D), lambda i: (i, 0)),
            pl.BlockSpec((4096, D), lambda i: (0, 0)),
        ],
        out_shape=[
            jax.ShapeDtypeStruct((N, D), jnp.float32),
            jax.ShapeDtypeStruct((4096, D), jnp.float32),
        ],
    )(x, atom_emb, vn_emb, bond_emb)


def _fidx(eat):
    return pl.pallas_call(
        _fidx_body,
        grid=(ER // EBR,),
        in_specs=[pl.BlockSpec((3, EBR, 128), lambda i: (0, i, 0))],
        out_specs=pl.BlockSpec((EBR, 128), lambda i: (i, 0)),
        out_shape=jax.ShapeDtypeStruct((ER, 128), jnp.int32),
    )(eat)


def _layer(hin, agg2, batch2, w1, b1, w2, b2, eps, last):
    out_specs = [pl.BlockSpec((NB, D), lambda i: (i, 0))]
    out_shape = [jax.ShapeDtypeStruct((N, D), jnp.float32)]
    if not last:
        out_specs.append(pl.BlockSpec((G, D), lambda i: (0, 0)))
        out_shape.append(jax.ShapeDtypeStruct((G, D), jnp.float32))
    res = pl.pallas_call(
        functools.partial(_layer_body, last=last),
        grid=(NSTEPS,),
        in_specs=[
            pl.BlockSpec((NB, D), lambda i: (i, 0)),
            pl.BlockSpec((2, NB, D), lambda i: (0, i, 0)),
            pl.BlockSpec((NB, 1), lambda i: (i, 0)),
            pl.BlockSpec((D, D), lambda i: (0, 0)),
            pl.BlockSpec((1, D), lambda i: (0, 0)),
            pl.BlockSpec((D, D), lambda i: (0, 0)),
            pl.BlockSpec((1, D), lambda i: (0, 0)),
            pl.BlockSpec(memory_space=pltpu.SMEM),
        ],
        out_specs=out_specs,
        out_shape=out_shape,
    )(hin, agg2, batch2, w1, b1, w2, b2, eps)
    if last:
        return res[0], None
    return res[0], res[1]


def _vn_apply(pooled, vncur, w1, b1, w2, b2, batch2, h):
    return pl.pallas_call(
        _vn_body,
        grid=(NSTEPS,),
        in_specs=[
            pl.BlockSpec((G, D), lambda i: (0, 0)),
            pl.BlockSpec((G, D), lambda i: (0, 0)),
            pl.BlockSpec((D, D), lambda i: (0, 0)),
            pl.BlockSpec((1, D), lambda i: (0, 0)),
            pl.BlockSpec((D, D), lambda i: (0, 0)),
            pl.BlockSpec((1, D), lambda i: (0, 0)),
            pl.BlockSpec((NB, 1), lambda i: (i, 0)),
            pl.BlockSpec((NB, D), lambda i: (i, 0)),
        ],
        out_specs=[
            pl.BlockSpec((G, D), lambda i: (0, 0)),
            pl.BlockSpec((NB, D), lambda i: (i, 0)),
        ],
        out_shape=[
            jax.ShapeDtypeStruct((G, D), jnp.float32),
            jax.ShapeDtypeStruct((N, D), jnp.float32),
        ],
        scratch_shapes=[pltpu.VMEM((G, D), jnp.float32)],
    )(pooled, vncur, w1, b1, w2, b2, batch2, h)


def kernel(x, edge_index, edge_attr, batch, atom_emb, bond_emb, vn_emb,
           gin_lin1_W, gin_lin1_b, gin_lin2_W, gin_lin2_b, gin_eps,
           vn_lin1_W, vn_lin1_b, vn_lin2_W, vn_lin2_b):
    src = edge_index[0]
    dst = edge_index[1]
    eat = edge_attr.T.reshape(3, ER, 128)
    batch2 = batch.reshape(N, 1)
    zeros = jnp.zeros((N, D), jnp.float32)

    hin0, tbl = _prep(x, atom_emb, vn_emb, bond_emb)
    fidx = _fidx(eat).reshape(E)

    vn = jnp.broadcast_to(vn_emb, (G, D))
    hin = hin0
    h_list = [hin0]
    for layer in range(L):
        last = layer == L - 1
        agg2 = _sc_agg(hin, tbl, src, dst, fidx, zeros).reshape(2, N, D)
        eps = gin_eps[layer].reshape(1, 1)
        h, pooled = _layer(hin, agg2, batch2,
                           gin_lin1_W[layer], gin_lin1_b[layer].reshape(1, D),
                           gin_lin2_W[layer], gin_lin2_b[layer].reshape(1, D),
                           eps, last)
        if last:
            h_list.append(h)
        else:
            vn, hin = _vn_apply(pooled, vn,
                                vn_lin1_W[layer], vn_lin1_b[layer].reshape(1, D),
                                vn_lin2_W[layer], vn_lin2_b[layer].reshape(1, D),
                                batch2, h)
            h_list.append(hin)
    return jnp.stack(h_list)

# --- scband reference (transcript-rebuilt; emitter-appended) ---
"""Pipeline reference for scband-global-node-72387378807010 (READ-ONLY COPY).

The authoritative reference and input builder live on the scoring server;
editing this copy changes nothing except your own understanding.
"""

import jax, jax.numpy as jnp
import numpy as np

N = 10000
E = 320000
D = 128
L = 3
G = 128
BN_EPS = 1e-5


def _bn_eval(h):
    # BatchNorm1d in eval mode with default running stats (mean=0, var=1) and affine gamma=1, beta=0
    return h / jnp.sqrt(1.0 + BN_EPS)


def setup_inputs(seed: int = 0) -> dict:
    key = jax.random.key(seed)
    ks = jax.random.split(key, 20)
    x = jax.random.randint(ks[0], (N, 9), 0, 128, dtype=jnp.int32)
    edge_index = jax.random.randint(ks[1], (2, E), 0, N, dtype=jnp.int32)
    edge_attr = jax.random.randint(ks[2], (E, 3), 0, 16, dtype=jnp.int32)
    batch = jnp.sort(jax.random.randint(ks[3], (N,), 0, G, dtype=jnp.int32))
    atom_emb = jax.random.normal(ks[4], (9, 128, D), dtype=jnp.float32) * 0.02
    bond_emb = jax.random.normal(ks[5], (3, 16, D), dtype=jnp.float32) * 0.02
    vn_emb = jnp.zeros((1, D), dtype=jnp.float32)
    gin_lin1_W = jax.random.normal(ks[6], (L, D, D), dtype=jnp.float32) * 0.05
    gin_lin1_b = jax.random.normal(ks[7], (L, D), dtype=jnp.float32) * 0.01
    gin_lin2_W = jax.random.normal(ks[8], (L, D, D), dtype=jnp.float32) * 0.05
    gin_lin2_b = jax.random.normal(ks[9], (L, D), dtype=jnp.float32) * 0.01
    gin_eps = jnp.zeros((L,), dtype=jnp.float32)
    vn_lin1_W = jax.random.normal(ks[10], (L - 1, D, D), dtype=jnp.float32) * 0.05
    vn_lin1_b = jax.random.normal(ks[11], (L - 1, D), dtype=jnp.float32) * 0.01
    vn_lin2_W = jax.random.normal(ks[12], (L - 1, D, D), dtype=jnp.float32) * 0.05
    vn_lin2_b = jax.random.normal(ks[13], (L - 1, D), dtype=jnp.float32) * 0.01
    return {
        "x": x, "edge_index": edge_index, "edge_attr": edge_attr, "batch": batch,
        "atom_emb": atom_emb, "bond_emb": bond_emb, "vn_emb": vn_emb,
        "gin_lin1_W": gin_lin1_W, "gin_lin1_b": gin_lin1_b,
        "gin_lin2_W": gin_lin2_W, "gin_lin2_b": gin_lin2_b, "gin_eps": gin_eps,
        "vn_lin1_W": vn_lin1_W, "vn_lin1_b": vn_lin1_b,
        "vn_lin2_W": vn_lin2_W, "vn_lin2_b": vn_lin2_b,
    }


def reference(x, edge_index, edge_attr, batch, atom_emb, bond_emb, vn_emb,
              gin_lin1_W, gin_lin1_b, gin_lin2_W, gin_lin2_b, gin_eps,
              vn_lin1_W, vn_lin1_b, vn_lin2_W, vn_lin2_b):
    # BondEncoder: sum of per-feature embedding lookups
    ea = bond_emb[0][edge_attr[:, 0]] + bond_emb[1][edge_attr[:, 1]] + bond_emb[2][edge_attr[:, 2]]
    # AtomEncoder: sum of per-feature embedding lookups
    h0 = jnp.zeros((N, D), dtype=jnp.float32)
    for f in range(9):
        h0 = h0 + atom_emb[f][x[:, f]]
    # virtual node embedding (one per graph)
    vn = vn_emb[jnp.zeros((G,), dtype=jnp.int32)]  # [G, D]
    src = edge_index[0]
    dst = edge_index[1]
    h_list = [h0]
    for layer in range(L):
        h_in = h_list[layer] + vn[batch]
        h_list[layer] = h_in
        # GIN conv: aggr='add' of relu(x_j + edge_attr) at target node
        msg = jax.nn.relu(h_in[src] + ea)
        agg = jnp.zeros((N, D), dtype=jnp.float32).at[dst].add(msg)
        pre = (1.0 + gin_eps[layer]) * h_in + agg
        t = pre @ gin_lin1_W[layer].T + gin_lin1_b[layer]
        t = jax.nn.relu(_bn_eval(t))
        h = t @ gin_lin2_W[layer].T + gin_lin2_b[layer]
        # outer batch norm
        h = _bn_eval(h)
        # dropout is identity in eval mode
        if layer < L - 1:
            h = jax.nn.relu(h)
        h_list.append(h)
        if layer < L - 1:
            pooled = jax.ops.segment_sum(h_in, batch, num_segments=G) + vn
            t2 = pooled @ vn_lin1_W[layer].T + vn_lin1_b[layer]
            t2 = jax.nn.relu(_bn_eval(t2))
            t2 = t2 @ vn_lin2_W[layer].T + vn_lin2_b[layer]
            vn = jax.nn.relu(_bn_eval(t2))
    return jnp.stack(h_list)  # [L+1, N, D], stacked h_list

if __name__ == "__main__":
    import jax
    _d = setup_inputs()
    print(jax.jit(kernel)(*tuple(_d.values())))

</pallas_src>

<mosaic_0001>
#map = affine_map<(d0, d1) -> (0, 0)>
#map1 = affine_map<(d0, d1) -> (0)>
module attributes {stable_mosaic.version = 14 : i64} {
  func.func @_sc_agg_body(%arg0: i32, %arg1: i32, %arg2: memref<10000x128xf32, #tpu.memory_space<hbm>>, %arg3: memref<4096x128xf32, #tpu.memory_space<hbm>>, %arg4: memref<320000xi32, #tpu.memory_space<hbm>>, %arg5: memref<320000xi32, #tpu.memory_space<hbm>>, %arg6: memref<320000xi32, #tpu.memory_space<hbm>>, %arg7: memref<10000x128xf32, #tpu.memory_space<hbm>>, %arg8: memref<20000x128xf32, #tpu.memory_space<hbm>>, %arg9: memref<128xi32, #tpu.memory_space<vmem>>, %arg10: memref<128xi32, #tpu.memory_space<vmem>>, %arg11: memref<128xi32, #tpu.memory_space<vmem>>, %arg12: memref<128x128xf32, #tpu.memory_space<vmem>>, %arg13: memref<128x128xf32, #tpu.memory_space<vmem>>, %arg14: memref<10000x128xf32, #tpu.memory_space<vmem_shared>>, %arg15: memref<!tpu.dma_semaphore, #tpu.memory_space<semaphore_mem>>, %arg16: memref<!tpu.dma_semaphore, #tpu.memory_space<semaphore_mem>>) attributes {dimension_semantics = [#tpu.dimension_semantics<core_parallel>, #tpu.dimension_semantics<subcore_parallel>], iteration_bounds = array<i64: 2, 16>, scalar_prefetch = 0 : i64, scratch_operands = 8 : i64, tpu.core_type = #tpu.core_type<sc_vector_subcore>, window_params = [{transform_indices = #map}, {transform_indices = #map}, {transform_indices = #map1}, {transform_indices = #map1}, {transform_indices = #map1}, {transform_indices = #map}, {transform_indices = #map}]} {
    %mul3A = arith.constant 2 : i32
    %mul3A_0 = arith.muli %arg1, %mul3A : i32
    %add3A = arith.addi %mul3A_0, %arg0 : i32
    %mul3A_1 = arith.constant 624 : i32
    %mul3A_2 = arith.muli %arg1, %mul3A_1 : i32
    "tpu.region"() ({
      %run_scoped3A = tpu.sem_alloc : memref<!tpu.dma_semaphore, #tpu.memory_space<semaphore_mem>>
      %dma_start3A = arith.constant 0 : i32
      %dma_start3A_27 = tpu.memref_slice %arg14[%mul3A_2, %dma_start3A] : memref<10000x128xf32, #tpu.memory_space<vmem_shared>> -> memref<624x128xf32, #tpu.memory_space<vmem_shared>>
      %dma_start3A_28 = arith.constant 0 : i32
      %dma_start3A_29 = tpu.memref_slice %arg7[%mul3A_2, %dma_start3A_28] : memref<10000x128xf32, #tpu.memory_space<hbm>> -> memref<624x128xf32, #tpu.memory_space<hbm>>
      tpu.enqueue_dma source(%dma_start3A_29 : memref<624x128xf32, #tpu.memory_space<hbm>>) target(%dma_start3A_27 : memref<624x128xf32, #tpu.memory_space<vmem_shared>>) target_semaphore(%run_scoped3A : memref<!tpu.dma_semaphore, #tpu.memory_space<semaphore_mem>>)
      %dma_wait3A = arith.constant 0 : i32
      %dma_wait3A_30 = tpu.memref_slice %arg14[%mul3A_2, %dma_wait3A] : memref<10000x128xf32, #tpu.memory_space<vmem_shared>> -> memref<624x128xf32, #tpu.memory_space<vmem_shared>>
      %dma_wait3A_31 = arith.constant 0 : i32
      %dma_wait3A_32 = tpu.memref_slice %arg7[%mul3A_2, %dma_wait3A_31] : memref<10000x128xf32, #tpu.memory_space<hbm>> -> memref<624x128xf32, #tpu.memory_space<hbm>>
      tpu.wait_dma2 semaphore(%run_scoped3A : memref<!tpu.dma_semaphore, #tpu.memory_space<semaphore_mem>>) src(%dma_wait3A_32 : memref<624x128xf32, #tpu.memory_space<hbm>>) dst(%dma_wait3A_30 : memref<624x128xf32, #tpu.memory_space<vmem_shared>>)
      tpu.yield
    }) : () -> ()
    %eq3A = arith.constant 15 : i32
    %eq3A_3 = arith.cmpi eq, %arg1, %eq3A : i32
    %convert_element_type3A = arith.extui %eq3A_3 : i1 to i32
    %cond3A = arith.constant 0 : i32
    %cond3A_4 = arith.cmpi ne, %convert_element_type3A, %cond3A : i32
    scf.if %cond3A_4 {
      "tpu.region"() ({
        %run_scoped3A = tpu.sem_alloc : memref<!tpu.dma_semaphore, #tpu.memory_space<semaphore_mem>>
        %dma_start3A = arith.constant 9984 : i32
        %dma_start3A_27 = arith.constant 0 : i32
        %dma_start3A_28 = tpu.memref_slice %arg14[%dma_start3A, %dma_start3A_27] : memref<10000x128xf32, #tpu.memory_space<vmem_shared>> -> memref<16x128xf32, #tpu.memory_space<vmem_shared>>
        %dma_start3A_29 = arith.constant 9984 : i32
        %dma_start3A_30 = arith.constant 0 : i32
        %dma_start3A_31 = tpu.memref_slice %arg7[%dma_start3A_29, %dma_start3A_30] : memref<10000x128xf32, #tpu.memory_space<hbm>> -> memref<16x128xf32, #tpu.memory_space<hbm>>
        tpu.enqueue_dma source(%dma_start3A_31 : memref<16x128xf32, #tpu.memory_space<hbm>>) target(%dma_start3A_28 : memref<16x128xf32, #tpu.memory_space<vmem_shared>>) target_semaphore(%run_scoped3A : memref<!tpu.dma_semaphore, #tpu.memory_space<semaphore_mem>>)
        %dma_wait3A = arith.constant 9984 : i32
        %dma_wait3A_32 = arith.constant 0 : i32
        %dma_wait3A_33 = tpu.memref_slice %arg14[%dma_wait3A, %dma_wait3A_32] : memref<10000x128xf32, #tpu.memory_space<vmem_shared>> -> memref<16x128xf32, #tpu.memory_space<vmem_shared>>
        %dma_wait3A_34 = arith.constant 9984 : i32
        %dma_wait3A_35 = arith.constant 0 : i32
        %dma_wait3A_36 = tpu.memref_slice %arg7[%dma_wait3A_34, %dma_wait3A_35] : memref<10000x128xf32, #tpu.memory_space<hbm>> -> memref<16x128xf32, #tpu.memory_space<hbm>>
        tpu.wait_dma2 semaphore(%run_scoped3A : memref<!tpu.dma_semaphore, #tpu.memory_space<semaphore_mem>>) src(%dma_wait3A_36 : memref<16x128xf32, #tpu.memory_space<hbm>>) dst(%dma_wait3A_33 : memref<16x128xf32, #tpu.memory_space<vmem_shared>>)
        tpu.yield
      }) : () -> ()
    } else {
    }
    %barrier3A = arith.constant 0 : index
    tpu.barrier barrier_id(%barrier3A)
    %lt3A = arith.constant 4 : i32
    %lt3A_5 = arith.cmpi slt, %add3A, %lt3A : i32
    %jit3A = arith.constant 1 : i32
    %jit3A_6 = arith.constant 0 : i32
    %select_n3A = arith.select %lt3A_5, %jit3A, %jit3A_6 : i32
    %add3A_7 = arith.constant 78 : i32
    %add3A_8 = arith.addi %add3A_7, %select_n3A : i32
    %while3A = arith.constant 0 : i32
    %while3A_9 = arith.constant 0 : i32
    %while3A_10 = arith.subi %add3A_8, %while3A_9 : i32
    %while3A_11 = arith.addi %while3A_9, %while3A_10 : i32
    %while3A_12 = arith.constant 1 : i32
    %while3A_13 = arith.divsi %while3A_10, %while3A_12 : i32
    %while3A_14 = arith.muli %while3A_13, %while3A_12 : i32
    %while3A_15 = arith.addi %while3A_9, %while3A_14 : i32
    %while3A_16 = arith.constant 1 : i32
    scf.for %while3A_27 = %while3A_9 to %while3A_15 step %while3A_16  : i32 {
      %mul3A_28 = arith.constant 32 : i32
      %mul3A_29 = arith.muli %while3A_27, %mul3A_28 : i32
      %add3A_30 = arith.addi %add3A, %mul3A_29 : i32
      %mul3A_31 = arith.constant 128 : i32
      %mul3A_32 = arith.muli %add3A_30, %mul3A_31 : i32
      "tpu.region"() ({
        %run_scoped3A = tpu.sem_alloc : memref<!tpu.dma_semaphore, #tpu.memory_space<semaphore_mem>>
        %dma_start3A_48 = tpu.memref_slice %arg4[%mul3A_32] : memref<320000xi32, #tpu.memory_space<hbm>> -> memref<128xi32, #tpu.memory_space<hbm>>
        %dma_start3A_49 = tpu.memref_slice %arg4[%mul3A_32] : memref<320000xi32, #tpu.memory_space<hbm>> -> memref<128xi32, #tpu.memory_space<hbm>>
        tpu.enqueue_dma source(%dma_start3A_49 : memref<128xi32, #tpu.memory_space<hbm>>) target(%arg9 : memref<128xi32, #tpu.memory_space<vmem>>) target_semaphore(%run_scoped3A : memref<!tpu.dma_semaphore, #tpu.memory_space<semaphore_mem>>)
        %dma_wait3A_50 = tpu.memref_slice %arg4[%mul3A_32] : memref<320000xi32, #tpu.memory_space<hbm>> -> memref<128xi32, #tpu.memory_space<hbm>>
        %dma_wait3A_51 = tpu.memref_slice %arg4[%mul3A_32] : memref<320000xi32, #tpu.memory_space<hbm>> -> memref<128xi32, #tpu.memory_space<hbm>>
        tpu.wait_dma2 semaphore(%run_scoped3A : memref<!tpu.dma_semaphore, #tpu.memory_space<semaphore_mem>>) src(%dma_wait3A_51 : memref<128xi32, #tpu.memory_space<hbm>>) dst(%arg9 : memref<128xi32, #tpu.memory_space<vmem>>)
        tpu.yield
      }) : () -> ()
      "tpu.region"() ({
        %run_scoped3A = tpu.sem_alloc : memref<!tpu.dma_semaphore, #tpu.memory_space<semaphore_mem>>
        %dma_start3A_48 = tpu.memref_slice %arg6[%mul3A_32] : memref<320000xi32, #tpu.memory_space<hbm>> -> memref<128xi32, #tpu.memory_space<hbm>>
        %dma_start3A_49 = tpu.memref_slice %arg6[%mul3A_32] : memref<320000xi32, #tpu.memory_space<hbm>> -> memref<128xi32, #tpu.memory_space<hbm>>
        tpu.enqueue_dma source(%dma_start3A_49 : memref<128xi32, #tpu.memory_space<hbm>>) target(%arg11 : memref<128xi32, #tpu.memory_space<vmem>>) target_semaphore(%run_scoped3A : memref<!tpu.dma_semaphore, #tpu.memory_space<semaphore_mem>>)
        %dma_wait3A_50 = tpu.memref_slice %arg6[%mul3A_32] : memref<320000xi32, #tpu.memory_space<hbm>> -> memref<128xi32, #tpu.memory_space<hbm>>
        %dma_wait3A_51 = tpu.memref_slice %arg6[%mul3A_32] : memref<320000xi32, #tpu.memory_space<hbm>> -> memref<128xi32, #tpu.memory_space<hbm>>
        tpu.wait_dma2 semaphore(%run_scoped3A : memref<!tpu.dma_semaphore, #tpu.memory_space<semaphore_mem>>) src(%dma_wait3A_51 : memref<128xi32, #tpu.memory_space<hbm>>) dst(%arg11 : memref<128xi32, #tpu.memory_space<vmem>>)
        tpu.yield
      }) : () -> ()
      "tpu.region"() ({
        %run_scoped3A = tpu.sem_alloc : memref<!tpu.dma_semaphore, #tpu.memory_space<semaphore_mem>>
        %dma_start3A_48 = tpu.memref_slice %arg5[%mul3A_32] : memref<320000xi32, #tpu.memory_space<hbm>> -> memref<128xi32, #tpu.memory_space<hbm>>
        %dma_start3A_49 = tpu.memref_slice %arg5[%mul3A_32] : memref<320000xi32, #tpu.memory_space<hbm>> -> memref<128xi32, #tpu.memory_space<hbm>>
        tpu.enqueue_dma source(%dma_start3A_49 : memref<128xi32, #tpu.memory_space<hbm>>) target(%arg10 : memref<128xi32, #tpu.memory_space<vmem>>) target_semaphore(%run_scoped3A : memref<!tpu.dma_semaphore, #tpu.memory_space<semaphore_mem>>)
        %dma_wait3A_50 = tpu.memref_slice %arg5[%mul3A_32] : memref<320000xi32, #tpu.memory_space<hbm>> -> memref<128xi32, #tpu.memory_space<hbm>>
        %dma_wait3A_51 = tpu.memref_slice %arg5[%mul3A_32] : memref<320000xi32, #tpu.memory_space<hbm>> -> memref<128xi32, #tpu.memory_space<hbm>>
        tpu.wait_dma2 semaphore(%run_scoped3A : memref<!tpu.dma_semaphore, #tpu.memory_space<semaphore_mem>>) src(%dma_wait3A_51 : memref<128xi32, #tpu.memory_space<hbm>>) dst(%arg10 : memref<128xi32, #tpu.memory_space<vmem>>)
        tpu.yield
      }) : () -> ()
      %dma_start3A = arith.constant 0 : i32
      %dma_start3A_33 = arith.constant 0 : i32
      %dma_start3A_34 = tpu.memref_slice %arg2[%dma_start3A, %dma_start3A_33] : memref<10000x128xf32, #tpu.memory_space<hbm>> -> memref<10000x128xf32, #tpu.memory_space<hbm>>
      tpu.enqueue_indirect_dma source(%dma_start3A_34 : memref<10000x128xf32, #tpu.memory_space<hbm>>) target(%arg12 : memref<128x128xf32, #tpu.memory_space<vmem>>) offsets(%arg9 : memref<128xi32, #tpu.memory_space<vmem>>) semaphore(%arg15 : memref<!tpu.dma_semaphore, #tpu.memory_space<semaphore_mem>>)
      %dma_wait3A = arith.constant 0 : i32
      %dma_wait3A_35 = arith.constant 0 : i32
      %dma_wait3A_36 = tpu.memref_slice %arg2[%dma_wait3A, %dma_wait3A_35] : memref<10000x128xf32, #tpu.memory_space<hbm>> -> memref<10000x128xf32, #tpu.memory_space<hbm>>
      tpu.wait_indirect_dma semaphore(%arg15 : memref<!tpu.dma_semaphore, #tpu.memory_space<semaphore_mem>>) src(%dma_wait3A_36 : memref<10000x128xf32, #tpu.memory_space<hbm>>) dst(%arg12 : memref<128x128xf32, #tpu.memory_space<vmem>>)
      %dma_start3A_37 = arith.constant 0 : i32
      %dma_start3A_38 = arith.constant 0 : i32
      %dma_start3A_39 = tpu.memref_slice %arg3[%dma_start3A_37, %dma_start3A_38] : memref<4096x128xf32, #tpu.memory_space<hbm>> -> memref<4096x128xf32, #tpu.memory_space<hbm>>
      tpu.enqueue_indirect_dma source(%dma_start3A_39 : memref<4096x128xf32, #tpu.memory_space<hbm>>) target(%arg13 : memref<128x128xf32, #tpu.memory_space<vmem>>) offsets(%arg11 : memref<128xi32, #tpu.memory_space<vmem>>) semaphore(%arg16 : memref<!tpu.dma_semaphore, #tpu.memory_space<semaphore_mem>>)
      %dma_wait3A_40 = arith.constant 0 : i32
      %dma_wait3A_41 = arith.constant 0 : i32
      %dma_wait3A_42 = tpu.memref_slice %arg3[%dma_wait3A_40, %dma_wait3A_41] : memref<4096x128xf32, #tpu.memory_space<hbm>> -> memref<4096x128xf32, #tpu.memory_space<hbm>>
      tpu.wait_indirect_dma semaphore(%arg16 : memref<!tpu.dma_semaphore, #tpu.memory_space<semaphore_mem>>) src(%dma_wait3A_42 : memref<4096x128xf32, #tpu.memory_space<hbm>>) dst(%arg13 : memref<128x128xf32, #tpu.memory_space<vmem>>)
      %scan3A = arith.constant 0 : i32
      %scan3A_43 = arith.constant 0 : i32
      %scan3A_44 = arith.constant 128 : i32
      %scan3A_45 = arith.addi %scan3A_43, %scan3A_44 : i32
      %scan3A_46 = arith.constant 1 : i32
      scf.for %scan3A_48 = %scan3A_43 to %scan3A_45 step %scan3A_46  : i32 {
        %get3A = arith.index_cast %scan3A_48 : i32 to index
        %get3A_49 = arith.constant 0 : index
        %get3A_50 = tpu.vector_load %arg12[%get3A, %get3A_49] {strides = array<i32>} : memref<128x128xf32, #tpu.memory_space<vmem>>, vector<1x16xf32>,
        %get3A_51 = vector.shape_cast %get3A_50 : vector<1x16xf32> to vector<16xf32>
        %get3A_52 = arith.index_cast %scan3A_48 : i32 to index
        %get3A_53 = arith.constant 0 : index
        %get3A_54 = tpu.vector_load %arg13[%get3A_52, %get3A_53] {strides = array<i32>} : memref<128x128xf32, #tpu.memory_space<vmem>>, vector<1x16xf32>,
        %get3A_55 = vector.shape_cast %get3A_54 : vector<1x16xf32> to vector<16xf32>
        %add3A_56 = arith.addf %get3A_51, %get3A_55 : vector<16xf32>
        %max3A = arith.constant 0.000000e+00 : f32
        %max3A_57 = vector.broadcast %max3A : f32 to vector<16xf32>
        %max3A_58 = arith.maximumf %add3A_56, %max3A_57 : vector<16xf32>
        %swap3A = arith.index_cast %scan3A_48 : i32 to index
        %swap3A_59 = arith.constant 0 : index
        %swap3A_60 = tpu.vector_load %arg12[%swap3A, %swap3A_59] {strides = array<i32>} : memref<128x128xf32, #tpu.memory_space<vmem>>, vector<1x16xf32>,
        %swap3A_61 = vector.shape_cast %swap3A_60 : vector<1x16xf32> to vector<16xf32>
        %swap3A_62 = vector.shape_cast %max3A_58 : vector<16xf32> to vector<1x16xf32>
        tpu.vector_store %arg12[%swap3A, %swap3A_59], %swap3A_62 {strides = array<i32>} : memref<128x128xf32, #tpu.memory_space<vmem>>, vector<1x16xf32>,
        %get3A_63 = arith.index_cast %scan3A_48 : i32 to index
        %get3A_64 = arith.constant 16 : index
        %get3A_65 = tpu.vector_load %arg12[%get3A_63, %get3A_64] {strides = array<i32>} : memref<128x128xf32, #tpu.memory_space<vmem>>, vector<1x16xf32>,
        %get3A_66 = vector.shape_cast %get3A_65 : vector<1x16xf32> to vector<16xf32>
        %get3A_67 = arith.index_cast %scan3A_48 : i32 to index
        %get3A_68 = arith.constant 16 : index
        %get3A_69 = tpu.vector_load %arg13[%get3A_67, %get3A_68] {strides = array<i32>} : memref<128x128xf32, #tpu.memory_space<vmem>>, vector<1x16xf32>,
        %get3A_70 = vector.shape_cast %get3A_69 : vector<1x16xf32> to vector<16xf32>
        %add3A_71 = arith.addf %get3A_66, %get3A_70 : vector<16xf32>
        %max3A_72 = arith.constant 0.000000e+00 : f32
        %max3A_73 = vector.broadcast %max3A_72 : f32 to vector<16xf32>
        %max3A_74 = arith.maximumf %add3A_71, %max3A_73 : vector<16xf32>
        %swap3A_75 = arith.index_cast %scan3A_48 : i32 to index
        %swap3A_76 = arith.constant 16 : index
        %swap3A_77 = tpu.vector_load %arg12[%swap3A_75, %swap3A_76] {strides = array<i32>} : memref<128x128xf32, #tpu.memory_space<vmem>>, vector<1x16xf32>,
        %swap3A_78 = vector.shape_cast %swap3A_77 : vector<1x16xf32> to vector<16xf32>
        %swap3A_79 = vector.shape_cast %max3A_74 : vector<16xf32> to vector<1x16xf32>
        tpu.vector_store %arg12[%swap3A_75, %swap3A_76], %swap3A_79 {strides = array<i32>} : memref<128x128xf32, #tpu.memory_space<vmem>>, vector<1x16xf32>,
        %get3A_80 = arith.index_cast %scan3A_48 : i32 to index
        %get3A_81 = arith.constant 32 : index
        %get3A_82 = tpu.vector_load %arg12[%get3A_80, %get3A_81] {strides = array<i32>} : memref<128x128xf32, #tpu.memory_space<vmem>>, vector<1x16xf32>,
        %get3A_83 = vector.shape_cast %get3A_82 : vector<1x16xf32> to vector<16xf32>
        %get3A_84 = arith.index_cast %scan3A_48 : i32 to index
        %get3A_85 = arith.constant 32 : index
        %get3A_86 = tpu.vector_load %arg13[%get3A_84, %get3A_85] {strides = array<i32>} : memref<128x128xf32, #tpu.memory_space<vmem>>, vector<1x16xf32>,
        %get3A_87 = vector.shape_cast %get3A_86 : vector<1x16xf32> to vector<16xf32>
        %add3A_88 = arith.addf %get3A_83, %get3A_87 : vector<16xf32>
        %max3A_89 = arith.constant 0.000000e+00 : f32
        %max3A_90 = vector.broadcast %max3A_89 : f32 to vector<16xf32>
        %max3A_91 = arith.maximumf %add3A_88, %max3A_90 : vector<16xf32>
        %swap3A_92 = arith.index_cast %scan3A_48 : i32 to index
        %swap3A_93 = arith.constant 32 : index
        %swap3A_94 = tpu.vector_load %arg12[%swap3A_92, %swap3A_93] {strides = array<i32>} : memref<128x128xf32, #tpu.memory_space<vmem>>, vector<1x16xf32>,
        %swap3A_95 = vector.shape_cast %swap3A_94 : vector<1x16xf32> to vector<16xf32>
        %swap3A_96 = vector.shape_cast %max3A_91 : vector<16xf32> to vector<1x16xf32>
        tpu.vector_store %arg12[%swap3A_92, %swap3A_93], %swap3A_96 {strides = array<i32>} : memref<128x128xf32, #tpu.memory_space<vmem>>, vector<1x16xf32>,
        %get3A_97 = arith.index_cast %scan3A_48 : i32 to index
        %get3A_98 = arith.constant 48 : index
        %get3A_99 = tpu.vector_load %arg12[%get3A_97, %get3A_98] {strides = array<i32>} : memref<128x128xf32, #tpu.memory_space<vmem>>, vector<1x16xf32>,
        %get3A_100 = vector.shape_cast %get3A_99 : vector<1x16xf32> to vector<16xf32>
        %get3A_101 = arith.index_cast %scan3A_48 : i32 to index
        %get3A_102 = arith.constant 48 : index
        %get3A_103 = tpu.vector_load %arg13[%get3A_101, %get3A_102] {strides = array<i32>} : memref<128x128xf32, #tpu.memory_space<vmem>>, vector<1x16xf32>,
        %get3A_104 = vector.shape_cast %get3A_103 : vector<1x16xf32> to vector<16xf32>
        %add3A_105 = arith.addf %get3A_100, %get3A_104 : vector<16xf32>
        %max3A_106 = arith.constant 0.000000e+00 : f32
        %max3A_107 = vector.broadcast %max3A_106 : f32 to vector<16xf32>
        %max3A_108 = arith.maximumf %add3A_105, %max3A_107 : vector<16xf32>
        %swap3A_109 = arith.index_cast %scan3A_48 : i32 to index
        %swap3A_110 = arith.constant 48 : index
        %swap3A_111 = tpu.vector_load %arg12[%swap3A_109, %swap3A_110] {strides = array<i32>} : memref<128x128xf32, #tpu.memory_space<vmem>>, vector<1x16xf32>,
        %swap3A_112 = vector.shape_cast %swap3A_111 : vector<1x16xf32> to vector<16xf32>
        %swap3A_113 = vector.shape_cast %max3A_108 : vector<16xf32> to vector<1x16xf32>
        tpu.vector_store %arg12[%swap3A_109, %swap3A_110], %swap3A_113 {strides = array<i32>} : memref<128x128xf32, #tpu.memory_space<vmem>>, vector<1x16xf32>,
        %get3A_114 = arith.index_cast %scan3A_48 : i32 to index
        %get3A_115 = arith.constant 64 : index
        %get3A_116 = tpu.vector_load %arg12[%get3A_114, %get3A_115] {strides = array<i32>} : memref<128x128xf32, #tpu.memory_space<vmem>>, vector<1x16xf32>,
        %get3A_117 = vector.shape_cast %get3A_116 : vector<1x16xf32> to vector<16xf32>
        %get3A_118 = arith.index_cast %scan3A_48 : i32 to index
        %get3A_119 = arith.constant 64 : index
        %get3A_120 = tpu.vector_load %arg13[%get3A_118, %get3A_119] {strides = array<i32>} : memref<128x128xf32, #tpu.memory_space<vmem>>, vector<1x16xf32>,
        %get3A_121 = vector.shape_cast %get3A_120 : vector<1x16xf32> to vector<16xf32>
        %add3A_122 = arith.addf %get3A_117, %get3A_121 : vector<16xf32>
        %max3A_123 = arith.constant 0.000000e+00 : f32
        %max3A_124 = vector.broadcast %max3A_123 : f32 to vector<16xf32>
        %max3A_125 = arith.maximumf %add3A_122, %max3A_124 : vector<16xf32>
        %swap3A_126 = arith.index_cast %scan3A_48 : i32 to index
        %swap3A_127 = arith.constant 64 : index
        %swap3A_128 = tpu.vector_load %arg12[%swap3A_126, %swap3A_127] {strides = array<i32>} : memref<128x128xf32, #tpu.memory_space<vmem>>, vector<1x16xf32>,
        %swap3A_129 = vector.shape_cast %swap3A_128 : vector<1x16xf32> to vector<16xf32>
        %swap3A_130 = vector.shape_cast %max3A_125 : vector<16xf32> to vector<1x16xf32>
        tpu.vector_store %arg12[%swap3A_126, %swap3A_127], %swap3A_130 {strides = array<i32>} : memref<128x128xf32, #tpu.memory_space<vmem>>, vector<1x16xf32>,
        %get3A_131 = arith.index_cast %scan3A_48 : i32 to index
        %get3A_132 = arith.constant 80 : index
        %get3A_133 = tpu.vector_load %arg12[%get3A_131, %get3A_132] {strides = array<i32>} : memref<128x128xf32, #tpu.memory_space<vmem>>, vector<1x16xf32>,
        %get3A_134 = vector.shape_cast %get3A_133 : vector<1x16xf32> to vector<16xf32>
        %get3A_135 = arith.index_cast %scan3A_48 : i32 to index
        %get3A_136 = arith.constant 80 : index
        %get3A_137 = tpu.vector_load %arg13[%get3A_135, %get3A_136] {strides = array<i32>} : memref<128x128xf32, #tpu.memory_space<vmem>>, vector<1x16xf32>,
        %get3A_138 = vector.shape_cast %get3A_137 : vector<1x16xf32> to vector<16xf32>
        %add3A_139 = arith.addf %get3A_134, %get3A_138 : vector<16xf32>
        %max3A_140 = arith.constant 0.000000e+00 : f32
        %max3A_141 = vector.broadcast %max3A_140 : f32 to vector<16xf32>
        %max3A_142 = arith.maximumf %add3A_139, %max3A_141 : vector<16xf32>
        %swap3A_143 = arith.index_cast %scan3A_48 : i32 to index
        %swap3A_144 = arith.constant 80 : index
        %swap3A_145 = tpu.vector_load %arg12[%swap3A_143, %swap3A_144] {strides = array<i32>} : memref<128x128xf32, #tpu.memory_space<vmem>>, vector<1x16xf32>,
        %swap3A_146 = vector.shape_cast %swap3A_145 : vector<1x16xf32> to vector<16xf32>
        %swap3A_147 = vector.shape_cast %max3A_142 : vector<16xf32> to vector<1x16xf32>
        tpu.vector_store %arg12[%swap3A_143, %swap3A_144], %swap3A_147 {strides = array<i32>} : memref<128x128xf32, #tpu.memory_space<vmem>>, vector<1x16xf32>,
        %get3A_148 = arith.index_cast %scan3A_48 : i32 to index
        %get3A_149 = arith.constant 96 : index
        %get3A_150 = tpu.vector_load %arg12[%get3A_148, %get3A_149] {strides = array<i32>} : memref<128x128xf32, #tpu.memory_space<vmem>>, vector<1x16xf32>,
        %get3A_151 = vector.shape_cast %get3A_150 : vector<1x16xf32> to vector<16xf32>
        %get3A_152 = arith.index_cast %scan3A_48 : i32 to index
        %get3A_153 = arith.constant 96 : index
        %get3A_154 = tpu.vector_load %arg13[%get3A_152, %get3A_153] {strides = array<i32>} : memref<128x128xf32, #tpu.memory_space<vmem>>, vector<1x16xf32>,
        %get3A_155 = vector.shape_cast %get3A_154 : vector<1x16xf32> to vector<16xf32>
        %add3A_156 = arith.addf %get3A_151, %get3A_155 : vector<16xf32>
        %max3A_157 = arith.constant 0.000000e+00 : f32
        %max3A_158 = vector.broadcast %max3A_157 : f32 to vector<16xf32>
        %max3A_159 = arith.maximumf %add3A_156, %max3A_158 : vector<16xf32>
        %swap3A_160 = arith.index_cast %scan3A_48 : i32 to index
        %swap3A_161 = arith.constant 96 : index
        %swap3A_162 = tpu.vector_load %arg12[%swap3A_160, %swap3A_161] {strides = array<i32>} : memref<128x128xf32, #tpu.memory_space<vmem>>, vector<1x16xf32>,
        %swap3A_163 = vector.shape_cast %swap3A_162 : vector<1x16xf32> to vector<16xf32>
        %swap3A_164 = vector.shape_cast %max3A_159 : vector<16xf32> to vector<1x16xf32>
        tpu.vector_store %arg12[%swap3A_160, %swap3A_161], %swap3A_164 {strides = array<i32>} : memref<128x128xf32, #tpu.memory_space<vmem>>, vector<1x16xf32>,
        %get3A_165 = arith.index_cast %scan3A_48 : i32 to index
        %get3A_166 = arith.constant 112 : index
        %get3A_167 = tpu.vector_load %arg12[%get3A_165, %get3A_166] {strides = array<i32>} : memref<128x128xf32, #tpu.memory_space<vmem>>, vector<1x16xf32>,
        %get3A_168 = vector.shape_cast %get3A_167 : vector<1x16xf32> to vector<16xf32>
        %get3A_169 = arith.index_cast %scan3A_48 : i32 to index
        %get3A_170 = arith.constant 112 : index
        %get3A_171 = tpu.vector_load %arg13[%get3A_169, %get3A_170] {strides = array<i32>} : memref<128x128xf32, #tpu.memory_space<vmem>>, vector<1x16xf32>,
        %get3A_172 = vector.shape_cast %get3A_171 : vector<1x16xf32> to vector<16xf32>
        %add3A_173 = arith.addf %get3A_168, %get3A_172 : vector<16xf32>
        %max3A_174 = arith.constant 0.000000e+00 : f32
        %max3A_175 = vector.broadcast %max3A_174 : f32 to vector<16xf32>
        %max3A_176 = arith.maximumf %add3A_173, %max3A_175 : vector<16xf32>
        %swap3A_177 = arith.index_cast %scan3A_48 : i32 to index
        %swap3A_178 = arith.constant 112 : index
        %swap3A_179 = tpu.vector_load %arg12[%swap3A_177, %swap3A_178] {strides = array<i32>} : memref<128x128xf32, #tpu.memory_space<vmem>>, vector<1x16xf32>,
        %swap3A_180 = vector.shape_cast %swap3A_179 : vector<1x16xf32> to vector<16xf32>
        %swap3A_181 = vector.shape_cast %max3A_176 : vector<16xf32> to vector<1x16xf32>
        tpu.vector_store %arg12[%swap3A_177, %swap3A_178], %swap3A_181 {strides = array<i32>} : memref<128x128xf32, #tpu.memory_space<vmem>>, vector<1x16xf32>,
      }
      %scan3A_47 = arith.constant 128 : i32
      "tpu.region"() ({
        %run_scoped3A = tpu.sem_alloc : memref<!tpu.dma_semaphore, #tpu.memory_space<semaphore_mem>>
        %dma_start3A_48 = arith.constant 0 : i32
        %dma_start3A_49 = arith.constant 0 : i32
        %dma_start3A_50 = tpu.memref_slice %arg14[%dma_start3A_48, %dma_start3A_49] : memref<10000x128xf32, #tpu.memory_space<vmem_shared>> -> memref<10000x128xf32, #tpu.memory_space<vmem_shared>>
        tpu.enqueue_indirect_dma source(%arg12 : memref<128x128xf32, #tpu.memory_space<vmem>>) target(%dma_start3A_50 : memref<10000x128xf32, #tpu.memory_space<vmem_shared>>) offsets(%arg10 : memref<128xi32, #tpu.memory_space<vmem>>) semaphore(%run_scoped3A : memref<!tpu.dma_semaphore, #tpu.memory_space<semaphore_mem>>) {add = true}
        %dma_wait3A_51 = arith.constant 0 : i32
        %dma_wait3A_52 = arith.constant 0 : i32
        %dma_wait3A_53 = tpu.memref_slice %arg14[%dma_wait3A_51, %dma_wait3A_52] : memref<10000x128xf32, #tpu.memory_space<vmem_shared>> -> memref<10000x128xf32, #tpu.memory_space<vmem_shared>>
        tpu.wait_indirect_dma semaphore(%run_scoped3A : memref<!tpu.dma_semaphore, #tpu.memory_space<semaphore_mem>>) src(%arg12 : memref<128x128xf32, #tpu.memory_space<vmem>>) dst(%dma_wait3A_53 : memref<10000x128xf32, #tpu.memory_space<vmem_shared>>)
        tpu.yield
      }) : () -> ()
    }
    %while3A_17 = arith.constant 1 : i32
    scf.for %while3A_27 = %while3A_15 to %while3A_11 step %while3A_17  : i32 {
      %mul3A_28 = arith.constant 32 : i32
      %mul3A_29 = arith.muli %while3A_27, %mul3A_28 : i32
      %add3A_30 = arith.addi %add3A, %mul3A_29 : i32
      %mul3A_31 = arith.constant 128 : i32
      %mul3A_32 = arith.muli %add3A_30, %mul3A_31 : i32
      "tpu.region"() ({
        %run_scoped3A = tpu.sem_alloc : memref<!tpu.dma_semaphore, #tpu.memory_space<semaphore_mem>>
        %dma_start3A_48 = tpu.memref_slice %arg4[%mul3A_32] : memref<320000xi32, #tpu.memory_space<hbm>> -> memref<128xi32, #tpu.memory_space<hbm>>
        %dma_start3A_49 = tpu.memref_slice %arg4[%mul3A_32] : memref<320000xi32, #tpu.memory_space<hbm>> -> memref<128xi32, #tpu.memory_space<hbm>>
        tpu.enqueue_dma source(%dma_start3A_49 : memref<128xi32, #tpu.memory_space<hbm>>) target(%arg9 : memref<128xi32, #tpu.memory_space<vmem>>) target_semaphore(%run_scoped3A : memref<!tpu.dma_semaphore, #tpu.memory_space<semaphore_mem>>)
        %dma_wait3A_50 = tpu.memref_slice %arg4[%mul3A_32] : memref<320000xi32, #tpu.memory_space<hbm>> -> memref<128xi32, #tpu.memory_space<hbm>>
        %dma_wait3A_51 = tpu.memref_slice %arg4[%mul3A_32] : memref<320000xi32, #tpu.memory_space<hbm>> -> memref<128xi32, #tpu.memory_space<hbm>>
        tpu.wait_dma2 semaphore(%run_scoped3A : memref<!tpu.dma_semaphore, #tpu.memory_space<semaphore_mem>>) src(%dma_wait3A_51 : memref<128xi32, #tpu.memory_space<hbm>>) dst(%arg9 : memref<128xi32, #tpu.memory_space<vmem>>)
        tpu.yield
      }) : () -> ()
      "tpu.region"() ({
        %run_scoped3A = tpu.sem_alloc : memref<!tpu.dma_semaphore, #tpu.memory_space<semaphore_mem>>
        %dma_start3A_48 = tpu.memref_slice %arg6[%mul3A_32] : memref<320000xi32, #tpu.memory_space<hbm>> -> memref<128xi32, #tpu.memory_space<hbm>>
        %dma_start3A_49 = tpu.memref_slice %arg6[%mul3A_32] : memref<320000xi32, #tpu.memory_space<hbm>> -> memref<128xi32, #tpu.memory_space<hbm>>
        tpu.enqueue_dma source(%dma_start3A_49 : memref<128xi32, #tpu.memory_space<hbm>>) target(%arg11 : memref<128xi32, #tpu.memory_space<vmem>>) target_semaphore(%run_scoped3A : memref<!tpu.dma_semaphore, #tpu.memory_space<semaphore_mem>>)
        %dma_wait3A_50 = tpu.memref_slice %arg6[%mul3A_32] : memref<320000xi32, #tpu.memory_space<hbm>> -> memref<128xi32, #tpu.memory_space<hbm>>
        %dma_wait3A_51 = tpu.memref_slice %arg6[%mul3A_32] : memref<320000xi32, #tpu.memory_space<hbm>> -> memref<128xi32, #tpu.memory_space<hbm>>
        tpu.wait_dma2 semaphore(%run_scoped3A : memref<!tpu.dma_semaphore, #tpu.memory_space<semaphore_mem>>) src(%dma_wait3A_51 : memref<128xi32, #tpu.memory_space<hbm>>) dst(%arg11 : memref<128xi32, #tpu.memory_space<vmem>>)
        tpu.yield
      }) : () -> ()
      "tpu.region"() ({
        %run_scoped3A = tpu.sem_alloc : memref<!tpu.dma_semaphore, #tpu.memory_space<semaphore_mem>>
        %dma_start3A_48 = tpu.memref_slice %arg5[%mul3A_32] : memref<320000xi32, #tpu.memory_space<hbm>> -> memref<128xi32, #tpu.memory_space<hbm>>
        %dma_start3A_49 = tpu.memref_slice %arg5[%mul3A_32] : memref<320000xi32, #tpu.memory_space<hbm>> -> memref<128xi32, #tpu.memory_space<hbm>>
        tpu.enqueue_dma source(%dma_start3A_49 : memref<128xi32, #tpu.memory_space<hbm>>) target(%arg10 : memref<128xi32, #tpu.memory_space<vmem>>) target_semaphore(%run_scoped3A : memref<!tpu.dma_semaphore, #tpu.memory_space<semaphore_mem>>)
        %dma_wait3A_50 = tpu.memref_slice %arg5[%mul3A_32] : memref<320000xi32, #tpu.memory_space<hbm>> -> memref<128xi32, #tpu.memory_space<hbm>>
        %dma_wait3A_51 = tpu.memref_slice %arg5[%mul3A_32] : memref<320000xi32, #tpu.memory_space<hbm>> -> memref<128xi32, #tpu.memory_space<hbm>>
        tpu.wait_dma2 semaphore(%run_scoped3A : memref<!tpu.dma_semaphore, #tpu.memory_space<semaphore_mem>>) src(%dma_wait3A_51 : memref<128xi32, #tpu.memory_space<hbm>>) dst(%arg10 : memref<128xi32, #tpu.memory_space<vmem>>)
        tpu.yield
      }) : () -> ()
      %dma_start3A = arith.constant 0 : i32
      %dma_start3A_33 = arith.constant 0 : i32
      %dma_start3A_34 = tpu.memref_slice %arg2[%dma_start3A, %dma_start3A_33] : memref<10000x128xf32, #tpu.memory_space<hbm>> -> memref<10000x128xf32, #tpu.memory_space<hbm>>
      tpu.enqueue_indirect_dma source(%dma_start3A_34 : memref<10000x128xf32, #tpu.memory_space<hbm>>) target(%arg12 : memref<128x128xf32, #tpu.memory_space<vmem>>) offsets(%arg9 : memref<128xi32, #tpu.memory_space<vmem>>) semaphore(%arg15 : memref<!tpu.dma_semaphore, #tpu.memory_space<semaphore_mem>>)
      %dma_wait3A = arith.constant 0 : i32
      %dma_wait3A_35 = arith.constant 0 : i32
      %dma_wait3A_36 = tpu.memref_slice %arg2[%dma_wait3A, %dma_wait3A_35] : memref<10000x128xf32, #tpu.memory_space<hbm>> -> memref<10000x128xf32, #tpu.memory_space<hbm>>
      tpu.wait_indirect_dma semaphore(%arg15 : memref<!tpu.dma_semaphore, #tpu.memory_space<semaphore_mem>>) src(%dma_wait3A_36 : memref<10000x128xf32, #tpu.memory_space<hbm>>) dst(%arg12 : memref<128x128xf32, #tpu.memory_space<vmem>>)
      %dma_start3A_37 = arith.constant 0 : i32
      %dma_start3A_38 = arith.constant 0 : i32
      %dma_start3A_39 = tpu.memref_slice %arg3[%dma_start3A_37, %dma_start3A_38] : memref<4096x128xf32, #tpu.memory_space<hbm>> -> memref<4096x128xf32, #tpu.memory_space<hbm>>
      tpu.enqueue_indirect_dma source(%dma_start3A_39 : memref<4096x128xf32, #tpu.memory_space<hbm>>) target(%arg13 : memref<128x128xf32, #tpu.memory_space<vmem>>) offsets(%arg11 : memref<128xi32, #tpu.memory_space<vmem>>) semaphore(%arg16 : memref<!tpu.dma_semaphore, #tpu.memory_space<semaphore_mem>>)
      %dma_wait3A_40 = arith.constant 0 : i32
      %dma_wait3A_41 = arith.constant 0 : i32
      %dma_wait3A_42 = tpu.memref_slice %arg3[%dma_wait3A_40, %dma_wait3A_41] : memref<4096x128xf32, #tpu.memory_space<hbm>> -> memref<4096x128xf32, #tpu.memory_space<hbm>>
      tpu.wait_indirect_dma semaphore(%arg16 : memref<!tpu.dma_semaphore, #tpu.memory_space<semaphore_mem>>) src(%dma_wait3A_42 : memref<4096x128xf32, #tpu.memory_space<hbm>>) dst(%arg13 : memref<128x128xf32, #tpu.memory_space<vmem>>)
      %scan3A = arith.constant 0 : i32
      %scan3A_43 = arith.constant 0 : i32
      %scan3A_44 = arith.constant 128 : i32
      %scan3A_45 = arith.addi %scan3A_43, %scan3A_44 : i32
      %scan3A_46 = arith.constant 1 : i32
      scf.for %scan3A_48 = %scan3A_43 to %scan3A_45 step %scan3A_46  : i32 {
        %get3A = arith.index_cast %scan3A_48 : i32 to index
        %get3A_49 = arith.constant 0 : index
        %get3A_50 = tpu.vector_load %arg12[%get3A, %get3A_49] {strides = array<i32>} : memref<128x128xf32, #tpu.memory_space<vmem>>, vector<1x16xf32>,
        %get3A_51 = vector.shape_cast %get3A_50 : vector<1x16xf32> to vector<16xf32>
        %get3A_52 = arith.index_cast %scan3A_48 : i32 to index
        %get3A_53 = arith.constant 0 : index
        %get3A_54 = tpu.vector_load %arg13[%get3A_52, %get3A_53] {strides = array<i32>} : memref<128x128xf32, #tpu.memory_space<vmem>>, vector<1x16xf32>,
        %get3A_55 = vector.shape_cast %get3A_54 : vector<1x16xf32> to vector<16xf32>
        %add3A_56 = arith.addf %get3A_51, %get3A_55 : vector<16xf32>
        %max3A = arith.constant 0.000000e+00 : f32
        %max3A_57 = vector.broadcast %max3A : f32 to vector<16xf32>
        %max3A_58 = arith.maximumf %add3A_56, %max3A_57 : vector<16xf32>
        %swap3A = arith.index_cast %scan3A_48 : i32 to index
        %swap3A_59 = arith.constant 0 : index
        %swap3A_60 = tpu.vector_load %arg12[%swap3A, %swap3A_59] {strides = array<i32>} : memref<128x128xf32, #tpu.memory_space<vmem>>, vector<1x16xf32>,
        %swap3A_61 = vector.shape_cast %swap3A_60 : vector<1x16xf32> to vector<16xf32>
        %swap3A_62 = vector.shape_cast %max3A_58 : vector<16xf32> to vector<1x16xf32>
        tpu.vector_store %arg12[%swap3A, %swap3A_59], %swap3A_62 {strides = array<i32>} : memref<128x128xf32, #tpu.memory_space<vmem>>, vector<1x16xf32>,
        %get3A_63 = arith.index_cast %scan3A_48 : i32 to index
        %get3A_64 = arith.constant 16 : index
        %get3A_65 = tpu.vector_load %arg12[%get3A_63, %get3A_64] {strides = array<i32>} : memref<128x128xf32, #tpu.memory_space<vmem>>, vector<1x16xf32>,
        %get3A_66 = vector.shape_cast %get3A_65 : vector<1x16xf32> to vector<16xf32>
        %get3A_67 = arith.index_cast %scan3A_48 : i32 to index
        %get3A_68 = arith.constant 16 : index
        %get3A_69 = tpu.vector_load %arg13[%get3A_67, %get3A_68] {strides = array<i32>} : memref<128x128xf32, #tpu.memory_space<vmem>>, vector<1x16xf32>,
        %get3A_70 = vector.shape_cast %get3A_69 : vector<1x16xf32> to vector<16xf32>
        %add3A_71 = arith.addf %get3A_66, %get3A_70 : vector<16xf32>
        %max3A_72 = arith.constant 0.000000e+00 : f32
        %max3A_73 = vector.broadcast %max3A_72 : f32 to vector<16xf32>
        %max3A_74 = arith.maximumf %add3A_71, %max3A_73 : vector<16xf32>
        %swap3A_75 = arith.index_cast %scan3A_48 : i32 to index
        %swap3A_76 = arith.constant 16 : index
        %swap3A_77 = tpu.vector_load %arg12[%swap3A_75, %swap3A_76] {strides = array<i32>} : memref<128x128xf32, #tpu.memory_space<vmem>>, vector<1x16xf32>,
        %swap3A_78 = vector.shape_cast %swap3A_77 : vector<1x16xf32> to vector<16xf32>
        %swap3A_79 = vector.shape_cast %max3A_74 : vector<16xf32> to vector<1x16xf32>
        tpu.vector_store %arg12[%swap3A_75, %swap3A_76], %swap3A_79 {strides = array<i32>} : memref<128x128xf32, #tpu.memory_space<vmem>>, vector<1x16xf32>,
        %get3A_80 = arith.index_cast %scan3A_48 : i32 to index
        %get3A_81 = arith.constant 32 : index
        %get3A_82 = tpu.vector_load %arg12[%get3A_80, %get3A_81] {strides = array<i32>} : memref<128x128xf32, #tpu.memory_space<vmem>>, vector<1x16xf32>,
        %get3A_83 = vector.shape_cast %get3A_82 : vector<1x16xf32> to vector<16xf32>
        %get3A_84 = arith.index_cast %scan3A_48 : i32 to index
        %get3A_85 = arith.constant 32 : index
        %get3A_86 = tpu.vector_load %arg13[%get3A_84, %get3A_85] {strides = array<i32>} : memref<128x128xf32, #tpu.memory_space<vmem>>, vector<1x16xf32>,
        %get3A_87 = vector.shape_cast %get3A_86 : vector<1x16xf32> to vector<16xf32>
        %add3A_88 = arith.addf %get3A_83, %get3A_87 : vector<16xf32>
        %max3A_89 = arith.constant 0.000000e+00 : f32
        %max3A_90 = vector.broadcast %max3A_89 : f32 to vector<16xf32>
        %max3A_91 = arith.maximumf %add3A_88, %max3A_90 : vector<16xf32>
        %swap3A_92 = arith.index_cast %scan3A_48 : i32 to index
        %swap3A_93 = arith.constant 32 : index
        %swap3A_94 = tpu.vector_load %arg12[%swap3A_92, %swap3A_93] {strides = array<i32>} : memref<128x128xf32, #tpu.memory_space<vmem>>, vector<1x16xf32>,
        %swap3A_95 = vector.shape_cast %swap3A_94 : vector<1x16xf32> to vector<16xf32>
        %swap3A_96 = vector.shape_cast %max3A_91 : vector<16xf32> to vector<1x16xf32>
        tpu.vector_store %arg12[%swap3A_92, %swap3A_93], %swap3A_96 {strides = array<i32>} : memref<128x128xf32, #tpu.memory_space<vmem>>, vector<1x16xf32>,
        %get3A_97 = arith.index_cast %scan3A_48 : i32 to index
        %get3A_98 = arith.constant 48 : index
        %get3A_99 = tpu.vector_load %arg12[%get3A_97, %get3A_98] {strides = array<i32>} : memref<128x128xf32, #tpu.memory_space<vmem>>, vector<1x16xf32>,
        %get3A_100 = vector.shape_cast %get3A_99 : vector<1x16xf32> to vector<16xf32>
        %get3A_101 = arith.index_cast %scan3A_48 : i32 to index
        %get3A_102 = arith.constant 48 : index
        %get3A_103 = tpu.vector_load %arg13[%get3A_101, %get3A_102] {strides = array<i32>} : memref<128x128xf32, #tpu.memory_space<vmem>>, vector<1x16xf32>,
        %get3A_104 = vector.shape_cast %get3A_103 : vector<1x16xf32> to vector<16xf32>
        %add3A_105 = arith.addf %get3A_100, %get3A_104 : vector<16xf32>
        %max3A_106 = arith.constant 0.000000e+00 : f32
        %max3A_107 = vector.broadcast %max3A_106 : f32 to vector<16xf32>
        %max3A_108 = arith.maximumf %add3A_105, %max3A_107 : vector<16xf32>
        %swap3A_109 = arith.index_cast %scan3A_48 : i32 to index
        %swap3A_110 = arith.constant 48 : index
        %swap3A_111 = tpu.vector_load %arg12[%swap3A_109, %swap3A_110] {strides = array<i32>} : memref<128x128xf32, #tpu.memory_space<vmem>>, vector<1x16xf32>,
        %swap3A_112 = vector.shape_cast %swap3A_111 : vector<1x16xf32> to vector<16xf32>
        %swap3A_113 = vector.shape_cast %max3A_108 : vector<16xf32> to vector<1x16xf32>
        tpu.vector_store %arg12[%swap3A_109, %swap3A_110], %swap3A_113 {strides = array<i32>} : memref<128x128xf32, #tpu.memory_space<vmem>>, vector<1x16xf32>,
        %get3A_114 = arith.index_cast %scan3A_48 : i32 to index
        %get3A_115 = arith.constant 64 : index
        %get3A_116 = tpu.vector_load %arg12[%get3A_114, %get3A_115] {strides = array<i32>} : memref<128x128xf32, #tpu.memory_space<vmem>>, vector<1x16xf32>,
        %get3A_117 = vector.shape_cast %get3A_116 : vector<1x16xf32> to vector<16xf32>
        %get3A_118 = arith.index_cast %scan3A_48 : i32 to index
        %get3A_119 = arith.constant 64 : index
        %get3A_120 = tpu.vector_load %arg13[%get3A_118, %get3A_119] {strides = array<i32>} : memref<128x128xf32, #tpu.memory_space<vmem>>, vector<1x16xf32>,
        %get3A_121 = vector.shape_cast %get3A_120 : vector<1x16xf32> to vector<16xf32>
        %add3A_122 = arith.addf %get3A_117, %get3A_121 : vector<16xf32>
        %max3A_123 = arith.constant 0.000000e+00 : f32
        %max3A_124 = vector.broadcast %max3A_123 : f32 to vector<16xf32>
        %max3A_125 = arith.maximumf %add3A_122, %max3A_124 : vector<16xf32>
        %swap3A_126 = arith.index_cast %scan3A_48 : i32 to index
        %swap3A_127 = arith.constant 64 : index
        %swap3A_128 = tpu.vector_load %arg12[%swap3A_126, %swap3A_127] {strides = array<i32>} : memref<128x128xf32, #tpu.memory_space<vmem>>, vector<1x16xf32>,
        %swap3A_129 = vector.shape_cast %swap3A_128 : vector<1x16xf32> to vector<16xf32>
        %swap3A_130 = vector.shape_cast %max3A_125 : vector<16xf32> to vector<1x16xf32>
        tpu.vector_store %arg12[%swap3A_126, %swap3A_127], %swap3A_130 {strides = array<i32>} : memref<128x128xf32, #tpu.memory_space<vmem>>, vector<1x16xf32>,
        %get3A_131 = arith.index_cast %scan3A_48 : i32 to index
        %get3A_132 = arith.constant 80 : index
        %get3A_133 = tpu.vector_load %arg12[%get3A_131, %get3A_132] {strides = array<i32>} : memref<128x128xf32, #tpu.memory_space<vmem>>, vector<1x16xf32>,
        %get3A_134 = vector.shape_cast %get3A_133 : vector<1x16xf32> to vector<16xf32>
        %get3A_135 = arith.index_cast %scan3A_48 : i32 to index
        %get3A_136 = arith.constant 80 : index
        %get3A_137 = tpu.vector_load %arg13[%get3A_135, %get3A_136] {strides = array<i32>} : memref<128x128xf32, #tpu.memory_space<vmem>>, vector<1x16xf32>,
        %get3A_138 = vector.shape_cast %get3A_137 : vector<1x16xf32> to vector<16xf32>
        %add3A_139 = arith.addf %get3A_134, %get3A_138 : vector<16xf32>
        %max3A_140 = arith.constant 0.000000e+00 : f32
        %max3A_141 = vector.broadcast %max3A_140 : f32 to vector<16xf32>
        %max3A_142 = arith.maximumf %add3A_139, %max3A_141 : vector<16xf32>
        %swap3A_143 = arith.index_cast %scan3A_48 : i32 to index
        %swap3A_144 = arith.constant 80 : index
        %swap3A_145 = tpu.vector_load %arg12[%swap3A_143, %swap3A_144] {strides = array<i32>} : memref<128x128xf32, #tpu.memory_space<vmem>>, vector<1x16xf32>,
        %swap3A_146 = vector.shape_cast %swap3A_145 : vector<1x16xf32> to vector<16xf32>
        %swap3A_147 = vector.shape_cast %max3A_142 : vector<16xf32> to vector<1x16xf32>
        tpu.vector_store %arg12[%swap3A_143, %swap3A_144], %swap3A_147 {strides = array<i32>} : memref<128x128xf32, #tpu.memory_space<vmem>>, vector<1x16xf32>,
        %get3A_148 = arith.index_cast %scan3A_48 : i32 to index
        %get3A_149 = arith.constant 96 : index
        %get3A_150 = tpu.vector_load %arg12[%get3A_148, %get3A_149] {strides = array<i32>} : memref<128x128xf32, #tpu.memory_space<vmem>>, vector<1x16xf32>,
        %get3A_151 = vector.shape_cast %get3A_150 : vector<1x16xf32> to vector<16xf32>
        %get3A_152 = arith.index_cast %scan3A_48 : i32 to index
        %get3A_153 = arith.constant 96 : index
        %get3A_154 = tpu.vector_load %arg13[%get3A_152, %get3A_153] {strides = array<i32>} : memref<128x128xf32, #tpu.memory_space<vmem>>, vector<1x16xf32>,
        %get3A_155 = vector.shape_cast %get3A_154 : vector<1x16xf32> to vector<16xf32>
        %add3A_156 = arith.addf %get3A_151, %get3A_155 : vector<16xf32>
        %max3A_157 = arith.constant 0.000000e+00 : f32
        %max3A_158 = vector.broadcast %max3A_157 : f32 to vector<16xf32>
        %max3A_159 = arith.maximumf %add3A_156, %max3A_158 : vector<16xf32>
        %swap3A_160 = arith.index_cast %scan3A_48 : i32 to index
        %swap3A_161 = arith.constant 96 : index
        %swap3A_162 = tpu.vector_load %arg12[%swap3A_160, %swap3A_161] {strides = array<i32>} : memref<128x128xf32, #tpu.memory_space<vmem>>, vector<1x16xf32>,
        %swap3A_163 = vector.shape_cast %swap3A_162 : vector<1x16xf32> to vector<16xf32>
        %swap3A_164 = vector.shape_cast %max3A_159 : vector<16xf32> to vector<1x16xf32>
        tpu.vector_store %arg12[%swap3A_160, %swap3A_161], %swap3A_164 {strides = array<i32>} : memref<128x128xf32, #tpu.memory_space<vmem>>, vector<1x16xf32>,
        %get3A_165 = arith.index_cast %scan3A_48 : i32 to index
        %get3A_166 = arith.constant 112 : index
        %get3A_167 = tpu.vector_load %arg12[%get3A_165, %get3A_166] {strides = array<i32>} : memref<128x128xf32, #tpu.memory_space<vmem>>, vector<1x16xf32>,
        %get3A_168 = vector.shape_cast %get3A_167 : vector<1x16xf32> to vector<16xf32>
        %get3A_169 = arith.index_cast %scan3A_48 : i32 to index
        %get3A_170 = arith.constant 112 : index
        %get3A_171 = tpu.vector_load %arg13[%get3A_169, %get3A_170] {strides = array<i32>} : memref<128x128xf32, #tpu.memory_space<vmem>>, vector<1x16xf32>,
        %get3A_172 = vector.shape_cast %get3A_171 : vector<1x16xf32> to vector<16xf32>
        %add3A_173 = arith.addf %get3A_168, %get3A_172 : vector<16xf32>
        %max3A_174 = arith.constant 0.000000e+00 : f32
        %max3A_175 = vector.broadcast %max3A_174 : f32 to vector<16xf32>
        %max3A_176 = arith.maximumf %add3A_173, %max3A_175 : vector<16xf32>
        %swap3A_177 = arith.index_cast %scan3A_48 : i32 to index
        %swap3A_178 = arith.constant 112 : index
        %swap3A_179 = tpu.vector_load %arg12[%swap3A_177, %swap3A_178] {strides = array<i32>} : memref<128x128xf32, #tpu.memory_space<vmem>>, vector<1x16xf32>,
        %swap3A_180 = vector.shape_cast %swap3A_179 : vector<1x16xf32> to vector<16xf32>
        %swap3A_181 = vector.shape_cast %max3A_176 : vector<16xf32> to vector<1x16xf32>
        tpu.vector_store %arg12[%swap3A_177, %swap3A_178], %swap3A_181 {strides = array<i32>} : memref<128x128xf32, #tpu.memory_space<vmem>>, vector<1x16xf32>,
      }
      %scan3A_47 = arith.constant 128 : i32
      "tpu.region"() ({
        %run_scoped3A = tpu.sem_alloc : memref<!tpu.dma_semaphore, #tpu.memory_space<semaphore_mem>>
        %dma_start3A_48 = arith.constant 0 : i32
        %dma_start3A_49 = arith.constant 0 : i32
        %dma_start3A_50 = tpu.memref_slice %arg14[%dma_start3A_48, %dma_start3A_49] : memref<10000x128xf32, #tpu.memory_space<vmem_shared>> -> memref<10000x128xf32, #tpu.memory_space<vmem_shared>>
        tpu.enqueue_indirect_dma source(%arg12 : memref<128x128xf32, #tpu.memory_space<vmem>>) target(%dma_start3A_50 : memref<10000x128xf32, #tpu.memory_space<vmem_shared>>) offsets(%arg10 : memref<128xi32, #tpu.memory_space<vmem>>) semaphore(%run_scoped3A : memref<!tpu.dma_semaphore, #tpu.memory_space<semaphore_mem>>) {add = true}
        %dma_wait3A_51 = arith.constant 0 : i32
        %dma_wait3A_52 = arith.constant 0 : i32
        %dma_wait3A_53 = tpu.memref_slice %arg14[%dma_wait3A_51, %dma_wait3A_52] : memref<10000x128xf32, #tpu.memory_space<vmem_shared>> -> memref<10000x128xf32, #tpu.memory_space<vmem_shared>>
        tpu.wait_indirect_dma semaphore(%run_scoped3A : memref<!tpu.dma_semaphore, #tpu.memory_space<semaphore_mem>>) src(%arg12 : memref<128x128xf32, #tpu.memory_space<vmem>>) dst(%dma_wait3A_53 : memref<10000x128xf32, #tpu.memory_space<vmem_shared>>)
        tpu.yield
      }) : () -> ()
    }
    %barrier3A_18 = arith.constant 0 : index
    tpu.barrier barrier_id(%barrier3A_18)
    %mul3A_19 = arith.constant 10000 : i32
    %mul3A_20 = arith.muli %arg0, %mul3A_19 : i32
    %add3A_21 = arith.addi %mul3A_20, %mul3A_2 : i32
    "tpu.region"() ({
      %run_scoped3A = tpu.sem_alloc : memref<!tpu.dma_semaphore, #tpu.memory_space<semaphore_mem>>
      %dma_start3A = arith.constant 0 : i32
      %dma_start3A_27 = tpu.memref_slice %arg8[%add3A_21, %dma_start3A] : memref<20000x128xf32, #tpu.memory_space<hbm>> -> memref<624x128xf32, #tpu.memory_space<hbm>>
      %dma_start3A_28 = arith.constant 0 : i32
      %dma_start3A_29 = tpu.memref_slice %arg14[%mul3A_2, %dma_start3A_28] : memref<10000x128xf32, #tpu.memory_space<vmem_shared>> -> memref<624x128xf32, #tpu.memory_space<vmem_shared>>
      tpu.enqueue_dma source(%dma_start3A_29 : memref<624x128xf32, #tpu.memory_space<vmem_shared>>) target(%dma_start3A_27 : memref<624x128xf32, #tpu.memory_space<hbm>>) target_semaphore(%run_scoped3A : memref<!tpu.dma_semaphore, #tpu.memory_space<semaphore_mem>>)
      %dma_wait3A = arith.constant 0 : i32
      %dma_wait3A_30 = tpu.memref_slice %arg8[%add3A_21, %dma_wait3A] : memref<20000x128xf32, #tpu.memory_space<hbm>> -> memref<624x128xf32, #tpu.memory_space<hbm>>
      %dma_wait3A_31 = arith.constant 0 : i32
      %dma_wait3A_32 = tpu.memref_slice %arg14[%mul3A_2, %dma_wait3A_31] : memref<10000x128xf32, #tpu.memory_space<vmem_shared>> -> memref<624x128xf32, #tpu.memory_space<vmem_shared>>
      tpu.wait_dma2 semaphore(%run_scoped3A : memref<!tpu.dma_semaphore, #tpu.memory_space<semaphore_mem>>) src(%dma_wait3A_32 : memref<624x128xf32, #tpu.memory_space<vmem_shared>>) dst(%dma_wait3A_30 : memref<624x128xf32, #tpu.memory_space<hbm>>)
      tpu.yield
    }) : () -> ()
    %eq3A_22 = arith.constant 15 : i32
    %eq3A_23 = arith.cmpi eq, %arg1, %eq3A_22 : i32
    %convert_element_type3A_24 = arith.extui %eq3A_23 : i1 to i32
    %cond3A_25 = arith.constant 0 : i32
    %cond3A_26 = arith.cmpi ne, %convert_element_type3A_24, %cond3A_25 : i32
    scf.if %cond3A_26 {
      %mul3A_27 = arith.constant 10000 : i32
      %mul3A_28 = arith.muli %arg0, %mul3A_27 : i32
      %add3A_29 = arith.constant 9984 : i32
      %add3A_30 = arith.addi %mul3A_28, %add3A_29 : i32
      "tpu.region"() ({
        %run_scoped3A = tpu.sem_alloc : memref<!tpu.dma_semaphore, #tpu.memory_space<semaphore_mem>>
        %dma_start3A = arith.constant 0 : i32
        %dma_start3A_31 = tpu.memref_slice %arg8[%add3A_30, %dma_start3A] : memref<20000x128xf32, #tpu.memory_space<hbm>> -> memref<16x128xf32, #tpu.memory_space<hbm>>
        %dma_start3A_32 = arith.constant 9984 : i32
        %dma_start3A_33 = arith.constant 0 : i32
        %dma_start3A_34 = tpu.memref_slice %arg14[%dma_start3A_32, %dma_start3A_33] : memref<10000x128xf32, #tpu.memory_space<vmem_shared>> -> memref<16x128xf32, #tpu.memory_space<vmem_shared>>
        tpu.enqueue_dma source(%dma_start3A_34 : memref<16x128xf32, #tpu.memory_space<vmem_shared>>) target(%dma_start3A_31 : memref<16x128xf32, #tpu.memory_space<hbm>>) target_semaphore(%run_scoped3A : memref<!tpu.dma_semaphore, #tpu.memory_space<semaphore_mem>>)
        %dma_wait3A = arith.constant 0 : i32
        %dma_wait3A_35 = tpu.memref_slice %arg8[%add3A_30, %dma_wait3A] : memref<20000x128xf32, #tpu.memory_space<hbm>> -> memref<16x128xf32, #tpu.memory_space<hbm>>
        %dma_wait3A_36 = arith.constant 9984 : i32
        %dma_wait3A_37 = arith.constant 0 : i32
        %dma_wait3A_38 = tpu.memref_slice %arg14[%dma_wait3A_36, %dma_wait3A_37] : memref<10000x128xf32, #tpu.memory_space<vmem_shared>> -> memref<16x128xf32, #tpu.memory_space<vmem_shared>>
        tpu.wait_dma2 semaphore(%run_scoped3A : memref<!tpu.dma_semaphore, #tpu.memory_space<semaphore_mem>>) src(%dma_wait3A_38 : memref<16x128xf32, #tpu.memory_space<vmem_shared>>) dst(%dma_wait3A_35 : memref<16x128xf32, #tpu.memory_space<hbm>>)
        tpu.yield
      }) : () -> ()
    } else {
    }
    return
  }
}

#map = affine_map<(d0, d1) -> (0, 0)>
#map1 = affine_map<(d0, d1) -> (0)>
module attributes {stable_mosaic.version = 14 : i64} {
  func.func @_sc_agg_body(%arg0: i32, %arg1: i32, %arg2: memref<10000x128xf32, #tpu.memory_space<hbm>>, %arg3: memref<4096x128xf32, #tpu.memory_space<hbm>>, %arg4: memref<320000xi32, #tpu.memory_space<hbm>>, %arg5: memref<320000xi32, #tpu.memory_space<hbm>>, %arg6: memref<320000xi32, #tpu.memory_space<hbm>>, %arg7: memref<10000x128xf32, #tpu.memory_space<hbm>>, %arg8: memref<20000x128xf32, #tpu.memory_space<hbm>>, %arg9: memref<128xi32, #tpu.memory_space<vmem>>, %arg10: memref<128xi32, #tpu.memory_space<vmem>>, %arg11: memref<128xi32, #tpu.memory_space<vmem>>, %arg12: memref<128x128xf32, #tpu.memory_space<vmem>>, %arg13: memref<128x128xf32, #tpu.memory_space<vmem>>, %arg14: memref<10000x128xf32, #tpu.memory_space<vmem_shared>>, %arg15: memref<!tpu.dma_semaphore, #tpu.memory_space<semaphore_mem>>, %arg16: memref<!tpu.dma_semaphore, #tpu.memory_space<semaphore_mem>>) attributes {dimension_semantics = [#tpu.dimension_semantics<core_parallel>, #tpu.dimension_semantics<subcore_parallel>], iteration_bounds = array<i64: 2, 16>, scalar_prefetch = 0 : i64, scratch_operands = 8 : i64, tpu.core_type = #tpu.core_type<sc_vector_subcore>, window_params = [{transform_indices = #map}, {transform_indices = #map}, {transform_indices = #map1}, {transform_indices = #map1}, {transform_indices = #map1}, {transform_indices = #map}, {transform_indices = #map}]} {
    %mul3A = arith.constant 2 : i32
    %mul3A_0 = arith.muli %arg1, %mul3A : i32
    %add3A = arith.addi %mul3A_0, %arg0 : i32
    %mul3A_1 = arith.constant 624 : i32
    %mul3A_2 = arith.muli %arg1, %mul3A_1 : i32
    "tpu.region"() ({
      %run_scoped3A = tpu.sem_alloc : memref<!tpu.dma_semaphore, #tpu.memory_space<semaphore_mem>>
      %dma_start3A = arith.constant 0 : i32
      %dma_start3A_27 = tpu.memref_slice %arg14[%mul3A_2, %dma_start3A] : memref<10000x128xf32, #tpu.memory_space<vmem_shared>> -> memref<624x128xf32, #tpu.memory_space<vmem_shared>>
      %dma_start3A_28 = arith.constant 0 : i32
      %dma_start3A_29 = tpu.memref_slice %arg7[%mul3A_2, %dma_start3A_28] : memref<10000x128xf32, #tpu.memory_space<hbm>> -> memref<624x128xf32, #tpu.memory_space<hbm>>
      tpu.enqueue_dma source(%dma_start3A_29 : memref<624x128xf32, #tpu.memory_space<hbm>>) target(%dma_start3A_27 : memref<624x128xf32, #tpu.memory_space<vmem_shared>>) target_semaphore(%run_scoped3A : memref<!tpu.dma_semaphore, #tpu.memory_space<semaphore_mem>>)
      %dma_wait3A = arith.constant 0 : i32
      %dma_wait3A_30 = tpu.memref_slice %arg14[%mul3A_2, %dma_wait3A] : memref<10000x128xf32, #tpu.memory_space<vmem_shared>> -> memref<624x128xf32, #tpu.memory_space<vmem_shared>>
      %dma_wait3A_31 = arith.constant 0 : i32
      %dma_wait3A_32 = tpu.memref_slice %arg7[%mul3A_2, %dma_wait3A_31] : memref<10000x128xf32, #tpu.memory_space<hbm>> -> memref<624x128xf32, #tpu.memory_space<hbm>>
      tpu.wait_dma2 semaphore(%run_scoped3A : memref<!tpu.dma_semaphore, #tpu.memory_space<semaphore_mem>>) src(%dma_wait3A_32 : memref<624x128xf32, #tpu.memory_space<hbm>>) dst(%dma_wait3A_30 : memref<624x128xf32, #tpu.memory_space<vmem_shared>>)
      tpu.yield
    }) : () -> ()
    %eq3A = arith.constant 15 : i32
    %eq3A_3 = arith.cmpi eq, %arg1, %eq3A : i32
    %convert_element_type3A = arith.extui %eq3A_3 : i1 to i32
    %cond3A = arith.constant 0 : i32
    %cond3A_4 = arith.cmpi ne, %convert_element_type3A, %cond3A : i32
    scf.if %cond3A_4 {
      "tpu.region"() ({
        %run_scoped3A = tpu.sem_alloc : memref<!tpu.dma_semaphore, #tpu.memory_space<semaphore_mem>>
        %dma_start3A = arith.constant 9984 : i32
        %dma_start3A_27 = arith.constant 0 : i32
        %dma_start3A_28 = tpu.memref_slice %arg14[%dma_start3A, %dma_start3A_27] : memref<10000x128xf32, #tpu.memory_space<vmem_shared>> -> memref<16x128xf32, #tpu.memory_space<vmem_shared>>
        %dma_start3A_29 = arith.constant 9984 : i32
        %dma_start3A_30 = arith.constant 0 : i32
        %dma_start3A_31 = tpu.memref_slice %arg7[%dma_start3A_29, %dma_start3A_30] : memref<10000x128xf32, #tpu.memory_space<hbm>> -> memref<16x128xf32, #tpu.memory_space<hbm>>
        tpu.enqueue_dma source(%dma_start3A_31 : memref<16x128xf32, #tpu.memory_space<hbm>>) target(%dma_start3A_28 : memref<16x128xf32, #tpu.memory_space<vmem_shared>>) target_semaphore(%run_scoped3A : memref<!tpu.dma_semaphore, #tpu.memory_space<semaphore_mem>>)
        %dma_wait3A = arith.constant 9984 : i32
        %dma_wait3A_32 = arith.constant 0 : i32
        %dma_wait3A_33 = tpu.memref_slice %arg14[%dma_wait3A, %dma_wait3A_32] : memref<10000x128xf32, #tpu.memory_space<vmem_shared>> -> memref<16x128xf32, #tpu.memory_space<vmem_shared>>
        %dma_wait3A_34 = arith.constant 9984 : i32
        %dma_wait3A_35 = arith.constant 0 : i32
        %dma_wait3A_36 = tpu.memref_slice %arg7[%dma_wait3A_34, %dma_wait3A_35] : memref<10000x128xf32, #tpu.memory_space<hbm>> -> memref<16x128xf32, #tpu.memory_space<hbm>>
        tpu.wait_dma2 semaphore(%run_scoped3A : memref<!tpu.dma_semaphore, #tpu.memory_space<semaphore_mem>>) src(%dma_wait3A_36 : memref<16x128xf32, #tpu.memory_space<hbm>>) dst(%dma_wait3A_33 : memref<16x128xf32, #tpu.memory_space<vmem_shared>>)
        tpu.yield
      }) : () -> ()
    } else {
    }
    %barrier3A = arith.constant 0 : index
    tpu.barrier barrier_id(%barrier3A)
    %lt3A = arith.constant 4 : i32
    %lt3A_5 = arith.cmpi slt, %add3A, %lt3A : i32
    %jit3A = arith.constant 1 : i32
    %jit3A_6 = arith.constant 0 : i32
    %select_n3A = arith.select %lt3A_5, %jit3A, %jit3A_6 : i32
    %add3A_7 = arith.constant 78 : i32
    %add3A_8 = arith.addi %add3A_7, %select_n3A : i32
    %while3A = arith.constant 0 : i32
    %while3A_9 = arith.constant 0 : i32
    %while3A_10 = arith.subi %add3A_8, %while3A_9 : i32
    %while3A_11 = arith.addi %while3A_9, %while3A_10 : i32
    %while3A_12 = arith.constant 1 : i32
    %while3A_13 = arith.divsi %while3A_10, %while3A_12 : i32
    %while3A_14 = arith.muli %while3A_13, %while3A_12 : i32
    %while3A_15 = arith.addi %while3A_9, %while3A_14 : i32
    %while3A_16 = arith.constant 1 : i32
    scf.for %while3A_27 = %while3A_9 to %while3A_15 step %while3A_16  : i32 {
      %mul3A_28 = arith.constant 32 : i32
      %mul3A_29 = arith.muli %while3A_27, %mul3A_28 : i32
      %add3A_30 = arith.addi %add3A, %mul3A_29 : i32
      %mul3A_31 = arith.constant 128 : i32
      %mul3A_32 = arith.muli %add3A_30, %mul3A_31 : i32
      "tpu.region"() ({
        %run_scoped3A = tpu.sem_alloc : memref<!tpu.dma_semaphore, #tpu.memory_space<semaphore_mem>>
        %dma_start3A_48 = tpu.memref_slice %arg4[%mul3A_32] : memref<320000xi32, #tpu.memory_space<hbm>> -> memref<128xi32, #tpu.memory_space<hbm>>
        %dma_start3A_49 = tpu.memref_slice %arg4[%mul3A_32] : memref<320000xi32, #tpu.memory_space<hbm>> -> memref<128xi32, #tpu.memory_space<hbm>>
        tpu.enqueue_dma source(%dma_start3A_49 : memref<128xi32, #tpu.memory_space<hbm>>) target(%arg9 : memref<128xi32, #tpu.memory_space<vmem>>) target_semaphore(%run_scoped3A : memref<!tpu.dma_semaphore, #tpu.memory_space<semaphore_mem>>)
        %dma_wait3A_50 = tpu.memref_slice %arg4[%mul3A_32] : memref<320000xi32, #tpu.memory_space<hbm>> -> memref<128xi32, #tpu.memory_space<hbm>>
        %dma_wait3A_51 = tpu.memref_slice %arg4[%mul3A_32] : memref<320000xi32, #tpu.memory_space<hbm>> -> memref<128xi32, #tpu.memory_space<hbm>>
        tpu.wait_dma2 semaphore(%run_scoped3A : memref<!tpu.dma_semaphore, #tpu.memory_space<semaphore_mem>>) src(%dma_wait3A_51 : memref<128xi32, #tpu.memory_space<hbm>>) dst(%arg9 : memref<128xi32, #tpu.memory_space<vmem>>)
        tpu.yield
      }) : () -> ()
      "tpu.region"() ({
        %run_scoped3A = tpu.sem_alloc : memref<!tpu.dma_semaphore, #tpu.memory_space<semaphore_mem>>
        %dma_start3A_48 = tpu.memref_slice %arg6[%mul3A_32] : memref<320000xi32, #tpu.memory_space<hbm>> -> memref<128xi32, #tpu.memory_space<hbm>>
        %dma_start3A_49 = tpu.memref_slice %arg6[%mul3A_32] : memref<320000xi32, #tpu.memory_space<hbm>> -> memref<128xi32, #tpu.memory_space<hbm>>
        tpu.enqueue_dma source(%dma_start3A_49 : memref<128xi32, #tpu.memory_space<hbm>>) target(%arg11 : memref<128xi32, #tpu.memory_space<vmem>>) target_semaphore(%run_scoped3A : memref<!tpu.dma_semaphore, #tpu.memory_space<semaphore_mem>>)
        %dma_wait3A_50 = tpu.memref_slice %arg6[%mul3A_32] : memref<320000xi32, #tpu.memory_space<hbm>> -> memref<128xi32, #tpu.memory_space<hbm>>
        %dma_wait3A_51 = tpu.memref_slice %arg6[%mul3A_32] : memref<320000xi32, #tpu.memory_space<hbm>> -> memref<128xi32, #tpu.memory_space<hbm>>
        tpu.wait_dma2 semaphore(%run_scoped3A : memref<!tpu.dma_semaphore, #tpu.memory_space<semaphore_mem>>) src(%dma_wait3A_51 : memref<128xi32, #tpu.memory_space<hbm>>) dst(%arg11 : memref<128xi32, #tpu.memory_space<vmem>>)
        tpu.yield
      }) : () -> ()
      "tpu.region"() ({
        %run_scoped3A = tpu.sem_alloc : memref<!tpu.dma_semaphore, #tpu.memory_space<semaphore_mem>>
        %dma_start3A_48 = tpu.memref_slice %arg5[%mul3A_32] : memref<320000xi32, #tpu.memory_space<hbm>> -> memref<128xi32, #tpu.memory_space<hbm>>
        %dma_start3A_49 = tpu.memref_slice %arg5[%mul3A_32] : memref<320000xi32, #tpu.memory_space<hbm>> -> memref<128xi32, #tpu.memory_space<hbm>>
        tpu.enqueue_dma source(%dma_start3A_49 : memref<128xi32, #tpu.memory_space<hbm>>) target(%arg10 : memref<128xi32, #tpu.memory_space<vmem>>) target_semaphore(%run_scoped3A : memref<!tpu.dma_semaphore, #tpu.memory_space<semaphore_mem>>)
        %dma_wait3A_50 = tpu.memref_slice %arg5[%mul3A_32] : memref<320000xi32, #tpu.memory_space<hbm>> -> memref<128xi32, #tpu.memory_space<hbm>>
        %dma_wait3A_51 = tpu.memref_slice %arg5[%mul3A_32] : memref<320000xi32, #tpu.memory_space<hbm>> -> memref<128xi32, #tpu.memory_space<hbm>>
        tpu.wait_dma2 semaphore(%run_scoped3A : memref<!tpu.dma_semaphore, #tpu.memory_space<semaphore_mem>>) src(%dma_wait3A_51 : memref<128xi32, #tpu.memory_space<hbm>>) dst(%arg10 : memref<128xi32, #tpu.memory_space<vmem>>)
        tpu.yield
      }) : () -> ()
      %dma_start3A = arith.constant 0 : i32
      %dma_start3A_33 = arith.constant 0 : i32
      %dma_start3A_34 = tpu.memref_slice %arg2[%dma_start3A, %dma_start3A_33] : memref<10000x128xf32, #tpu.memory_space<hbm>> -> memref<10000x128xf32, #tpu.memory_space<hbm>>
      tpu.enqueue_indirect_dma source(%dma_start3A_34 : memref<10000x128xf32, #tpu.memory_space<hbm>>) target(%arg12 : memref<128x128xf32, #tpu.memory_space<vmem>>) offsets(%arg9 : memref<128xi32, #tpu.memory_space<vmem>>) semaphore(%arg15 : memref<!tpu.dma_semaphore, #tpu.memory_space<semaphore_mem>>)
      %dma_wait3A = arith.constant 0 : i32
      %dma_wait3A_35 = arith.constant 0 : i32
      %dma_wait3A_36 = tpu.memref_slice %arg2[%dma_wait3A, %dma_wait3A_35] : memref<10000x128xf32, #tpu.memory_space<hbm>> -> memref<10000x128xf32, #tpu.memory_space<hbm>>
      tpu.wait_indirect_dma semaphore(%arg15 : memref<!tpu.dma_semaphore, #tpu.memory_space<semaphore_mem>>) src(%dma_wait3A_36 : memref<10000x128xf32, #tpu.memory_space<hbm>>) dst(%arg12 : memref<128x128xf32, #tpu.memory_space<vmem>>)
      %dma_start3A_37 = arith.constant 0 : i32
      %dma_start3A_38 = arith.constant 0 : i32
      %dma_start3A_39 = tpu.memref_slice %arg3[%dma_start3A_37, %dma_start3A_38] : memref<4096x128xf32, #tpu.memory_space<hbm>> -> memref<4096x128xf32, #tpu.memory_space<hbm>>
      tpu.enqueue_indirect_dma source(%dma_start3A_39 : memref<4096x128xf32, #tpu.memory_space<hbm>>) target(%arg13 : memref<128x128xf32, #tpu.memory_space<vmem>>) offsets(%arg11 : memref<128xi32, #tpu.memory_space<vmem>>) semaphore(%arg16 : memref<!tpu.dma_semaphore, #tpu.memory_space<semaphore_mem>>)
      %dma_wait3A_40 = arith.constant 0 : i32
      %dma_wait3A_41 = arith.constant 0 : i32
      %dma_wait3A_42 = tpu.memref_slice %arg3[%dma_wait3A_40, %dma_wait3A_41] : memref<4096x128xf32, #tpu.memory_space<hbm>> -> memref<4096x128xf32, #tpu.memory_space<hbm>>
      tpu.wait_indirect_dma semaphore(%arg16 : memref<!tpu.dma_semaphore, #tpu.memory_space<semaphore_mem>>) src(%dma_wait3A_42 : memref<4096x128xf32, #tpu.memory_space<hbm>>) dst(%arg13 : memref<128x128xf32, #tpu.memory_space<vmem>>)
      %scan3A = arith.constant 0 : i32
      %scan3A_43 = arith.constant 0 : i32
      %scan3A_44 = arith.constant 128 : i32
      %scan3A_45 = arith.addi %scan3A_43, %scan3A_44 : i32
      %scan3A_46 = arith.constant 1 : i32
      scf.for %scan3A_48 = %scan3A_43 to %scan3A_45 step %scan3A_46  : i32 {
        %get3A = arith.index_cast %scan3A_48 : i32 to index
        %get3A_49 = arith.constant 0 : index
        %get3A_50 = tpu.vector_load %arg12[%get3A, %get3A_49] {strides = array<i32>} : memref<128x128xf32, #tpu.memory_space<vmem>>, vector<1x16xf32>,
        %get3A_51 = vector.shape_cast %get3A_50 : vector<1x16xf32> to vector<16xf32>
        %get3A_52 = arith.index_cast %scan3A_48 : i32 to index
        %get3A_53 = arith.constant 0 : index
        %get3A_54 = tpu.vector_load %arg13[%get3A_52, %get3A_53] {strides = array<i32>} : memref<128x128xf32, #tpu.memory_space<vmem>>, vector<1x16xf32>,
        %get3A_55 = vector.shape_cast %get3A_54 : vector<1x16xf32> to vector<16xf32>
        %add3A_56 = arith.addf %get3A_51, %get3A_55 : vector<16xf32>
        %max3A = arith.constant 0.000000e+00 : f32
        %max3A_57 = vector.broadcast %max3A : f32 to vector<16xf32>
        %max3A_58 = arith.maximumf %add3A_56, %max3A_57 : vector<16xf32>
        %swap3A = arith.index_cast %scan3A_48 : i32 to index
        %swap3A_59 = arith.constant 0 : index
        %swap3A_60 = tpu.vector_load %arg12[%swap3A, %swap3A_59] {strides = array<i32>} : memref<128x128xf32, #tpu.memory_space<vmem>>, vector<1x16xf32>,
        %swap3A_61 = vector.shape_cast %swap3A_60 : vector<1x16xf32> to vector<16xf32>
        %swap3A_62 = vector.shape_cast %max3A_58 : vector<16xf32> to vector<1x16xf32>
        tpu.vector_store %arg12[%swap3A, %swap3A_59], %swap3A_62 {strides = array<i32>} : memref<128x128xf32, #tpu.memory_space<vmem>>, vector<1x16xf32>,
        %get3A_63 = arith.index_cast %scan3A_48 : i32 to index
        %get3A_64 = arith.constant 16 : index
        %get3A_65 = tpu.vector_load %arg12[%get3A_63, %get3A_64] {strides = array<i32>} : memref<128x128xf32, #tpu.memory_space<vmem>>, vector<1x16xf32>,
        %get3A_66 = vector.shape_cast %get3A_65 : vector<1x16xf32> to vector<16xf32>
        %get3A_67 = arith.index_cast %scan3A_48 : i32 to index
        %get3A_68 = arith.constant 16 : index
        %get3A_69 = tpu.vector_load %arg13[%get3A_67, %get3A_68] {strides = array<i32>} : memref<128x128xf32, #tpu.memory_space<vmem>>, vector<1x16xf32>,
        %get3A_70 = vector.shape_cast %get3A_69 : vector<1x16xf32> to vector<16xf32>
        %add3A_71 = arith.addf %get3A_66, %get3A_70 : vector<16xf32>
        %max3A_72 = arith.constant 0.000000e+00 : f32
        %max3A_73 = vector.broadcast %max3A_72 : f32 to vector<16xf32>
        %max3A_74 = arith.maximumf %add3A_71, %max3A_73 : vector<16xf32>
        %swap3A_75 = arith.index_cast %scan3A_48 : i32 to index
        %swap3A_76 = arith.constant 16 : index
        %swap3A_77 = tpu.vector_load %arg12[%swap3A_75, %swap3A_76] {strides = array<i32>} : memref<128x128xf32, #tpu.memory_space<vmem>>, vector<1x16xf32>,
        %swap3A_78 = vector.shape_cast %swap3A_77 : vector<1x16xf32> to vector<16xf32>
        %swap3A_79 = vector.shape_cast %max3A_74 : vector<16xf32> to vector<1x16xf32>
        tpu.vector_store %arg12[%swap3A_75, %swap3A_76], %swap3A_79 {strides = array<i32>} : memref<128x128xf32, #tpu.memory_space<vmem>>, vector<1x16xf32>,
        %get3A_80 = arith.index_cast %scan3A_48 : i32 to index
        %get3A_81 = arith.constant 32 : index
        %get3A_82 = tpu.vector_load %arg12[%get3A_80, %get3A_81] {strides = array<i32>} : memref<128x128xf32, #tpu.memory_space<vmem>>, vector<1x16xf32>,
        %get3A_83 = vector.shape_cast %get3A_82 : vector<1x16xf32> to vector<16xf32>
        %get3A_84 = arith.index_cast %scan3A_48 : i32 to index
        %get3A_85 = arith.constant 32 : index
        %get3A_86 = tpu.vector_load %arg13[%get3A_84, %get3A_85] {strides = array<i32>} : memref<128x128xf32, #tpu.memory_space<vmem>>, vector<1x16xf32>,
        %get3A_87 = vector.shape_cast %get3A_86 : vector<1x16xf32> to vector<16xf32>
        %add3A_88 = arith.addf %get3A_83, %get3A_87 : vector<16xf32>
        %max3A_89 = arith.constant 0.000000e+00 : f32
        %max3A_90 = vector.broadcast %max3A_89 : f32 to vector<16xf32>
        %max3A_91 = arith.maximumf %add3A_88, %max3A_90 : vector<16xf32>
        %swap3A_92 = arith.index_cast %scan3A_48 : i32 to index
        %swap3A_93 = arith.constant 32 : index
        %swap3A_94 = tpu.vector_load %arg12[%swap3A_92, %swap3A_93] {strides = array<i32>} : memref<128x128xf32, #tpu.memory_space<vmem>>, vector<1x16xf32>,
        %swap3A_95 = vector.shape_cast %swap3A_94 : vector<1x16xf32> to vector<16xf32>
        %swap3A_96 = vector.shape_cast %max3A_91 : vector<16xf32> to vector<1x16xf32>
        tpu.vector_store %arg12[%swap3A_92, %swap3A_93], %swap3A_96 {strides = array<i32>} : memref<128x128xf32, #tpu.memory_space<vmem>>, vector<1x16xf32>,
        %get3A_97 = arith.index_cast %scan3A_48 : i32 to index
        %get3A_98 = arith.constant 48 : index
        %get3A_99 = tpu.vector_load %arg12[%get3A_97, %get3A_98] {strides = array<i32>} : memref<128x128xf32, #tpu.memory_space<vmem>>, vector<1x16xf32>,
        %get3A_100 = vector.shape_cast %get3A_99 : vector<1x16xf32> to vector<16xf32>
        %get3A_101 = arith.index_cast %scan3A_48 : i32 to index
        %get3A_102 = arith.constant 48 : index
        %get3A_103 = tpu.vector_load %arg13[%get3A_101, %get3A_102] {strides = array<i32>} : memref<128x128xf32, #tpu.memory_space<vmem>>, vector<1x16xf32>,
        %get3A_104 = vector.shape_cast %get3A_103 : vector<1x16xf32> to vector<16xf32>
        %add3A_105 = arith.addf %get3A_100, %get3A_104 : vector<16xf32>
        %max3A_106 = arith.constant 0.000000e+00 : f32
        %max3A_107 = vector.broadcast %max3A_106 : f32 to vector<16xf32>
        %max3A_108 = arith.maximumf %add3A_105, %max3A_107 : vector<16xf32>
        %swap3A_109 = arith.index_cast %scan3A_48 : i32 to index
        %swap3A_110 = arith.constant 48 : index
        %swap3A_111 = tpu.vector_load %arg12[%swap3A_109, %swap3A_110] {strides = array<i32>} : memref<128x128xf32, #tpu.memory_space<vmem>>, vector<1x16xf32>,
        %swap3A_112 = vector.shape_cast %swap3A_111 : vector<1x16xf32> to vector<16xf32>
        %swap3A_113 = vector.shape_cast %max3A_108 : vector<16xf32> to vector<1x16xf32>
        tpu.vector_store %arg12[%swap3A_109, %swap3A_110], %swap3A_113 {strides = array<i32>} : memref<128x128xf32, #tpu.memory_space<vmem>>, vector<1x16xf32>,
        %get3A_114 = arith.index_cast %scan3A_48 : i32 to index
        %get3A_115 = arith.constant 64 : index
        %get3A_116 = tpu.vector_load %arg12[%get3A_114, %get3A_115] {strides = array<i32>} : memref<128x128xf32, #tpu.memory_space<vmem>>, vector<1x16xf32>,
        %get3A_117 = vector.shape_cast %get3A_116 : vector<1x16xf32> to vector<16xf32>
        %get3A_118 = arith.index_cast %scan3A_48 : i32 to index
        %get3A_119 = arith.constant 64 : index
        %get3A_120 = tpu.vector_load %arg13[%get3A_118, %get3A_119] {strides = array<i32>} : memref<128x128xf32, #tpu.memory_space<vmem>>, vector<1x16xf32>,
        %get3A_121 = vector.shape_cast %get3A_120 : vector<1x16xf32> to vector<16xf32>
        %add3A_122 = arith.addf %get3A_117, %get3A_121 : vector<16xf32>
        %max3A_123 = arith.constant 0.000000e+00 : f32
        %max3A_124 = vector.broadcast %max3A_123 : f32 to vector<16xf32>
        %max3A_125 = arith.maximumf %add3A_122, %max3A_124 : vector<16xf32>
        %swap3A_126 = arith.index_cast %scan3A_48 : i32 to index
        %swap3A_127 = arith.constant 64 : index
        %swap3A_128 = tpu.vector_load %arg12[%swap3A_126, %swap3A_127] {strides = array<i32>} : memref<128x128xf32, #tpu.memory_space<vmem>>, vector<1x16xf32>,
        %swap3A_129 = vector.shape_cast %swap3A_128 : vector<1x16xf32> to vector<16xf32>
        %swap3A_130 = vector.shape_cast %max3A_125 : vector<16xf32> to vector<1x16xf32>
        tpu.vector_store %arg12[%swap3A_126, %swap3A_127], %swap3A_130 {strides = array<i32>} : memref<128x128xf32, #tpu.memory_space<vmem>>, vector<1x16xf32>,
        %get3A_131 = arith.index_cast %scan3A_48 : i32 to index
        %get3A_132 = arith.constant 80 : index
        %get3A_133 = tpu.vector_load %arg12[%get3A_131, %get3A_132] {strides = array<i32>} : memref<128x128xf32, #tpu.memory_space<vmem>>, vector<1x16xf32>,
        %get3A_134 = vector.shape_cast %get3A_133 : vector<1x16xf32> to vector<16xf32>
        %get3A_135 = arith.index_cast %scan3A_48 : i32 to index
        %get3A_136 = arith.constant 80 : index
        %get3A_137 = tpu.vector_load %arg13[%get3A_135, %get3A_136] {strides = array<i32>} : memref<128x128xf32, #tpu.memory_space<vmem>>, vector<1x16xf32>,
        %get3A_138 = vector.shape_cast %get3A_137 : vector<1x16xf32> to vector<16xf32>
        %add3A_139 = arith.addf %get3A_134, %get3A_138 : vector<16xf32>
        %max3A_140 = arith.constant 0.000000e+00 : f32
        %max3A_141 = vector.broadcast %max3A_140 : f32 to vector<16xf32>
        %max3A_142 = arith.maximumf %add3A_139, %max3A_141 : vector<16xf32>
        %swap3A_143 = arith.index_cast %scan3A_48 : i32 to index
        %swap3A_144 = arith.constant 80 : index
        %swap3A_145 = tpu.vector_load %arg12[%swap3A_143, %swap3A_144] {strides = array<i32>} : memref<128x128xf32, #tpu.memory_space<vmem>>, vector<1x16xf32>,
        %swap3A_146 = vector.shape_cast %swap3A_145 : vector<1x16xf32> to vector<16xf32>
        %swap3A_147 = vector.shape_cast %max3A_142 : vector<16xf32> to vector<1x16xf32>
        tpu.vector_store %arg12[%swap3A_143, %swap3A_144], %swap3A_147 {strides = array<i32>} : memref<128x128xf32, #tpu.memory_space<vmem>>, vector<1x16xf32>,
        %get3A_148 = arith.index_cast %scan3A_48 : i32 to index
        %get3A_149 = arith.constant 96 : index
        %get3A_150 = tpu.vector_load %arg12[%get3A_148, %get3A_149] {strides = array<i32>} : memref<128x128xf32, #tpu.memory_space<vmem>>, vector<1x16xf32>,
        %get3A_151 = vector.shape_cast %get3A_150 : vector<1x16xf32> to vector<16xf32>
        %get3A_152 = arith.index_cast %scan3A_48 : i32 to index
        %get3A_153 = arith.constant 96 : index
        %get3A_154 = tpu.vector_load %arg13[%get3A_152, %get3A_153] {strides = array<i32>} : memref<128x128xf32, #tpu.memory_space<vmem>>, vector<1x16xf32>,
        %get3A_155 = vector.shape_cast %get3A_154 : vector<1x16xf32> to vector<16xf32>
        %add3A_156 = arith.addf %get3A_151, %get3A_155 : vector<16xf32>
        %max3A_157 = arith.constant 0.000000e+00 : f32
        %max3A_158 = vector.broadcast %max3A_157 : f32 to vector<16xf32>
        %max3A_159 = arith.maximumf %add3A_156, %max3A_158 : vector<16xf32>
        %swap3A_160 = arith.index_cast %scan3A_48 : i32 to index
        %swap3A_161 = arith.constant 96 : index
        %swap3A_162 = tpu.vector_load %arg12[%swap3A_160, %swap3A_161] {strides = array<i32>} : memref<128x128xf32, #tpu.memory_space<vmem>>, vector<1x16xf32>,
        %swap3A_163 = vector.shape_cast %swap3A_162 : vector<1x16xf32> to vector<16xf32>
        %swap3A_164 = vector.shape_cast %max3A_159 : vector<16xf32> to vector<1x16xf32>
        tpu.vector_store %arg12[%swap3A_160, %swap3A_161], %swap3A_164 {strides = array<i32>} : memref<128x128xf32, #tpu.memory_space<vmem>>, vector<1x16xf32>,
        %get3A_165 = arith.index_cast %scan3A_48 : i32 to index
        %get3A_166 = arith.constant 112 : index
        %get3A_167 = tpu.vector_load %arg12[%get3A_165, %get3A_166] {strides = array<i32>} : memref<128x128xf32, #tpu.memory_space<vmem>>, vector<1x16xf32>,
        %get3A_168 = vector.shape_cast %get3A_167 : vector<1x16xf32> to vector<16xf32>
        %get3A_169 = arith.index_cast %scan3A_48 : i32 to index
        %get3A_170 = arith.constant 112 : index
        %get3A_171 = tpu.vector_load %arg13[%get3A_169, %get3A_170] {strides = array<i32>} : memref<128x128xf32, #tpu.memory_space<vmem>>, vector<1x16xf32>,
        %get3A_172 = vector.shape_cast %get3A_171 : vector<1x16xf32> to vector<16xf32>
        %add3A_173 = arith.addf %get3A_168, %get3A_172 : vector<16xf32>
        %max3A_174 = arith.constant 0.000000e+00 : f32
        %max3A_175 = vector.broadcast %max3A_174 : f32 to vector<16xf32>
        %max3A_176 = arith.maximumf %add3A_173, %max3A_175 : vector<16xf32>
        %swap3A_177 = arith.index_cast %scan3A_48 : i32 to index
        %swap3A_178 = arith.constant 112 : index
        %swap3A_179 = tpu.vector_load %arg12[%swap3A_177, %swap3A_178] {strides = array<i32>} : memref<128x128xf32, #tpu.memory_space<vmem>>, vector<1x16xf32>,
        %swap3A_180 = vector.shape_cast %swap3A_179 : vector<1x16xf32> to vector<16xf32>
        %swap3A_181 = vector.shape_cast %max3A_176 : vector<16xf32> to vector<1x16xf32>
        tpu.vector_store %arg12[%swap3A_177, %swap3A_178], %swap3A_181 {strides = array<i32>} : memref<128x128xf32, #tpu.memory_space<vmem>>, vector<1x16xf32>,
      }
      %scan3A_47 = arith.constant 128 : i32
      "tpu.region"() ({
        %run_scoped3A = tpu.sem_alloc : memref<!tpu.dma_semaphore, #tpu.memory_space<semaphore_mem>>
        %dma_start3A_48 = arith.constant 0 : i32
        %dma_start3A_49 = arith.constant 0 : i32
        %dma_start3A_50 = tpu.memref_slice %arg14[%dma_start3A_48, %dma_start3A_49] : memref<10000x128xf32, #tpu.memory_space<vmem_shared>> -> memref<10000x128xf32, #tpu.memory_space<vmem_shared>>
        tpu.enqueue_indirect_dma source(%arg12 : memref<128x128xf32, #tpu.memory_space<vmem>>) target(%dma_start3A_50 : memref<10000x128xf32, #tpu.memory_space<vmem_shared>>) offsets(%arg10 : memref<128xi32, #tpu.memory_space<vmem>>) semaphore(%run_scoped3A : memref<!tpu.dma_semaphore, #tpu.memory_space<semaphore_mem>>) {add = true}
        %dma_wait3A_51 = arith.constant 0 : i32
        %dma_wait3A_52 = arith.constant 0 : i32
        %dma_wait3A_53 = tpu.memref_slice %arg14[%dma_wait3A_51, %dma_wait3A_52] : memref<10000x128xf32, #tpu.memory_space<vmem_shared>> -> memref<10000x128xf32, #tpu.memory_space<vmem_shared>>
        tpu.wait_indirect_dma semaphore(%run_scoped3A : memref<!tpu.dma_semaphore, #tpu.memory_space<semaphore_mem>>) src(%arg12 : memref<128x128xf32, #tpu.memory_space<vmem>>) dst(%dma_wait3A_53 : memref<10000x128xf32, #tpu.memory_space<vmem_shared>>)
        tpu.yield
      }) : () -> ()
    }
    %while3A_17 = arith.constant 1 : i32
    scf.for %while3A_27 = %while3A_15 to %while3A_11 step %while3A_17  : i32 {
      %mul3A_28 = arith.constant 32 : i32
      %mul3A_29 = arith.muli %while3A_27, %mul3A_28 : i32
      %add3A_30 = arith.addi %add3A, %mul3A_29 : i32
      %mul3A_31 = arith.constant 128 : i32
      %mul3A_32 = arith.muli %add3A_30, %mul3A_31 : i32
      "tpu.region"() ({
        %run_scoped3A = tpu.sem_alloc : memref<!tpu.dma_semaphore, #tpu.memory_space<semaphore_mem>>
        %dma_start3A_48 = tpu.memref_slice %arg4[%mul3A_32] : memref<320000xi32, #tpu.memory_space<hbm>> -> memref<128xi32, #tpu.memory_space<hbm>>
        %dma_start3A_49 = tpu.memref_slice %arg4[%mul3A_32] : memref<320000xi32, #tpu.memory_space<hbm>> -> memref<128xi32, #tpu.memory_space<hbm>>
        tpu.enqueue_dma source(%dma_start3A_49 : memref<128xi32, #tpu.memory_space<hbm>>) target(%arg9 : memref<128xi32, #tpu.memory_space<vmem>>) target_semaphore(%run_scoped3A : memref<!tpu.dma_semaphore, #tpu.memory_space<semaphore_mem>>)
        %dma_wait3A_50 = tpu.memref_slice %arg4[%mul3A_32] : memref<320000xi32, #tpu.memory_space<hbm>> -> memref<128xi32, #tpu.memory_space<hbm>>
        %dma_wait3A_51 = tpu.memref_slice %arg4[%mul3A_32] : memref<320000xi32, #tpu.memory_space<hbm>> -> memref<128xi32, #tpu.memory_space<hbm>>
        tpu.wait_dma2 semaphore(%run_scoped3A : memref<!tpu.dma_semaphore, #tpu.memory_space<semaphore_mem>>) src(%dma_wait3A_51 : memref<128xi32, #tpu.memory_space<hbm>>) dst(%arg9 : memref<128xi32, #tpu.memory_space<vmem>>)
        tpu.yield
      }) : () -> ()
      "tpu.region"() ({
        %run_scoped3A = tpu.sem_alloc : memref<!tpu.dma_semaphore, #tpu.memory_space<semaphore_mem>>
        %dma_start3A_48 = tpu.memref_slice %arg6[%mul3A_32] : memref<320000xi32, #tpu.memory_space<hbm>> -> memref<128xi32, #tpu.memory_space<hbm>>
        %dma_start3A_49 = tpu.memref_slice %arg6[%mul3A_32] : memref<320000xi32, #tpu.memory_space<hbm>> -> memref<128xi32, #tpu.memory_space<hbm>>
        tpu.enqueue_dma source(%dma_start3A_49 : memref<128xi32, #tpu.memory_space<hbm>>) target(%arg11 : memref<128xi32, #tpu.memory_space<vmem>>) target_semaphore(%run_scoped3A : memref<!tpu.dma_semaphore, #tpu.memory_space<semaphore_mem>>)
        %dma_wait3A_50 = tpu.memref_slice %arg6[%mul3A_32] : memref<320000xi32, #tpu.memory_space<hbm>> -> memref<128xi32, #tpu.memory_space<hbm>>
        %dma_wait3A_51 = tpu.memref_slice %arg6[%mul3A_32] : memref<320000xi32, #tpu.memory_space<hbm>> -> memref<128xi32, #tpu.memory_space<hbm>>
        tpu.wait_dma2 semaphore(%run_scoped3A : memref<!tpu.dma_semaphore, #tpu.memory_space<semaphore_mem>>) src(%dma_wait3A_51 : memref<128xi32, #tpu.memory_space<hbm>>) dst(%arg11 : memref<128xi32, #tpu.memory_space<vmem>>)
        tpu.yield
      }) : () -> ()
      "tpu.region"() ({
        %run_scoped3A = tpu.sem_alloc : memref<!tpu.dma_semaphore, #tpu.memory_space<semaphore_mem>>
        %dma_start3A_48 = tpu.memref_slice %arg5[%mul3A_32] : memref<320000xi32, #tpu.memory_space<hbm>> -> memref<128xi32, #tpu.memory_space<hbm>>
        %dma_start3A_49 = tpu.memref_slice %arg5[%mul3A_32] : memref<320000xi32, #tpu.memory_space<hbm>> -> memref<128xi32, #tpu.memory_space<hbm>>
        tpu.enqueue_dma source(%dma_start3A_49 : memref<128xi32, #tpu.memory_space<hbm>>) target(%arg10 : memref<128xi32, #tpu.memory_space<vmem>>) target_semaphore(%run_scoped3A : memref<!tpu.dma_semaphore, #tpu.memory_space<semaphore_mem>>)
        %dma_wait3A_50 = tpu.memref_slice %arg5[%mul3A_32] : memref<320000xi32, #tpu.memory_space<hbm>> -> memref<128xi32, #tpu.memory_space<hbm>>
        %dma_wait3A_51 = tpu.memref_slice %arg5[%mul3A_32] : memref<320000xi32, #tpu.memory_space<hbm>> -> memref<128xi32, #tpu.memory_space<hbm>>
        tpu.wait_dma2 semaphore(%run_scoped3A : memref<!tpu.dma_semaphore, #tpu.memory_space<semaphore_mem>>) src(%dma_wait3A_51 : memref<128xi32, #tpu.memory_space<hbm>>) dst(%arg10 : memref<128xi32, #tpu.memory_space<vmem>>)
        tpu.yield
      }) : () -> ()
      %dma_start3A = arith.constant 0 : i32
      %dma_start3A_33 = arith.constant 0 : i32
      %dma_start3A_34 = tpu.memref_slice %arg2[%dma_start3A, %dma_start3A_33] : memref<10000x128xf32, #tpu.memory_space<hbm>> -> memref<10000x128xf32, #tpu.memory_space<hbm>>
      tpu.enqueue_indirect_dma source(%dma_start3A_34 : memref<10000x128xf32, #tpu.memory_space<hbm>>) target(%arg12 : memref<128x128xf32, #tpu.memory_space<vmem>>) offsets(%arg9 : memref<128xi32, #tpu.memory_space<vmem>>) semaphore(%arg15 : memref<!tpu.dma_semaphore, #tpu.memory_space<semaphore_mem>>)
      %dma_wait3A = arith.constant 0 : i32
      %dma_wait3A_35 = arith.constant 0 : i32
      %dma_wait3A_36 = tpu.memref_slice %arg2[%dma_wait3A, %dma_wait3A_35] : memref<10000x128xf32, #tpu.memory_space<hbm>> -> memref<10000x128xf32, #tpu.memory_space<hbm>>
      tpu.wait_indirect_dma semaphore(%arg15 : memref<!tpu.dma_semaphore, #tpu.memory_space<semaphore_mem>>) src(%dma_wait3A_36 : memref<10000x128xf32, #tpu.memory_space<hbm>>) dst(%arg12 : memref<128x128xf32, #tpu.memory_space<vmem>>)
      %dma_start3A_37 = arith.constant 0 : i32
      %dma_start3A_38 = arith.constant 0 : i32
      %dma_start3A_39 = tpu.memref_slice %arg3[%dma_start3A_37, %dma_start3A_38] : memref<4096x128xf32, #tpu.memory_space<hbm>> -> memref<4096x128xf32, #tpu.memory_space<hbm>>
      tpu.enqueue_indirect_dma source(%dma_start3A_39 : memref<4096x128xf32, #tpu.memory_space<hbm>>) target(%arg13 : memref<128x128xf32, #tpu.memory_space<vmem>>) offsets(%arg11 : memref<128xi32, #tpu.memory_space<vmem>>) semaphore(%arg16 : memref<!tpu.dma_semaphore, #tpu.memory_space<semaphore_mem>>)
      %dma_wait3A_40 = arith.constant 0 : i32
      %dma_wait3A_41 = arith.constant 0 : i32
      %dma_wait3A_42 = tpu.memref_slice %arg3[%dma_wait3A_40, %dma_wait3A_41] : memref<4096x128xf32, #tpu.memory_space<hbm>> -> memref<4096x128xf32, #tpu.memory_space<hbm>>
      tpu.wait_indirect_dma semaphore(%arg16 : memref<!tpu.dma_semaphore, #tpu.memory_space<semaphore_mem>>) src(%dma_wait3A_42 : memref<4096x128xf32, #tpu.memory_space<hbm>>) dst(%arg13 : memref<128x128xf32, #tpu.memory_space<vmem>>)
      %scan3A = arith.constant 0 : i32
      %scan3A_43 = arith.constant 0 : i32
      %scan3A_44 = arith.constant 128 : i32
      %scan3A_45 = arith.addi %scan3A_43, %scan3A_44 : i32
      %scan3A_46 = arith.constant 1 : i32
      scf.for %scan3A_48 = %scan3A_43 to %scan3A_45 step %scan3A_46  : i32 {
        %get3A = arith.index_cast %scan3A_48 : i32 to index
        %get3A_49 = arith.constant 0 : index
        %get3A_50 = tpu.vector_load %arg12[%get3A, %get3A_49] {strides = array<i32>} : memref<128x128xf32, #tpu.memory_space<vmem>>, vector<1x16xf32>,
        %get3A_51 = vector.shape_cast %get3A_50 : vector<1x16xf32> to vector<16xf32>
        %get3A_52 = arith.index_cast %scan3A_48 : i32 to index
        %get3A_53 = arith.constant 0 : index
        %get3A_54 = tpu.vector_load %arg13[%get3A_52, %get3A_53] {strides = array<i32>} : memref<128x128xf32, #tpu.memory_space<vmem>>, vector<1x16xf32>,
        %get3A_55 = vector.shape_cast %get3A_54 : vector<1x16xf32> to vector<16xf32>
        %add3A_56 = arith.addf %get3A_51, %get3A_55 : vector<16xf32>
        %max3A = arith.constant 0.000000e+00 : f32
        %max3A_57 = vector.broadcast %max3A : f32 to vector<16xf32>
        %max3A_58 = arith.maximumf %add3A_56, %max3A_57 : vector<16xf32>
        %swap3A = arith.index_cast %scan3A_48 : i32 to index
        %swap3A_59 = arith.constant 0 : index
        %swap3A_60 = tpu.vector_load %arg12[%swap3A, %swap3A_59] {strides = array<i32>} : memref<128x128xf32, #tpu.memory_space<vmem>>, vector<1x16xf32>,
        %swap3A_61 = vector.shape_cast %swap3A_60 : vector<1x16xf32> to vector<16xf32>
        %swap3A_62 = vector.shape_cast %max3A_58 : vector<16xf32> to vector<1x16xf32>
        tpu.vector_store %arg12[%swap3A, %swap3A_59], %swap3A_62 {strides = array<i32>} : memref<128x128xf32, #tpu.memory_space<vmem>>, vector<1x16xf32>,
        %get3A_63 = arith.index_cast %scan3A_48 : i32 to index
        %get3A_64 = arith.constant 16 : index
        %get3A_65 = tpu.vector_load %arg12[%get3A_63, %get3A_64] {strides = array<i32>} : memref<128x128xf32, #tpu.memory_space<vmem>>, vector<1x16xf32>,
        %get3A_66 = vector.shape_cast %get3A_65 : vector<1x16xf32> to vector<16xf32>
        %get3A_67 = arith.index_cast %scan3A_48 : i32 to index
        %get3A_68 = arith.constant 16 : index
        %get3A_69 = tpu.vector_load %arg13[%get3A_67, %get3A_68] {strides = array<i32>} : memref<128x128xf32, #tpu.memory_space<vmem>>, vector<1x16xf32>,
        %get3A_70 = vector.shape_cast %get3A_69 : vector<1x16xf32> to vector<16xf32>
        %add3A_71 = arith.addf %get3A_66, %get3A_70 : vector<16xf32>
        %max3A_72 = arith.constant 0.000000e+00 : f32
        %max3A_73 = vector.broadcast %max3A_72 : f32 to vector<16xf32>
        %max3A_74 = arith.maximumf %add3A_71, %max3A_73 : vector<16xf32>
        %swap3A_75 = arith.index_cast %scan3A_48 : i32 to index
        %swap3A_76 = arith.constant 16 : index
        %swap3A_77 = tpu.vector_load %arg12[%swap3A_75, %swap3A_76] {strides = array<i32>} : memref<128x128xf32, #tpu.memory_space<vmem>>, vector<1x16xf32>,
        %swap3A_78 = vector.shape_cast %swap3A_77 : vector<1x16xf32> to vector<16xf32>
        %swap3A_79 = vector.shape_cast %max3A_74 : vector<16xf32> to vector<1x16xf32>
        tpu.vector_store %arg12[%swap3A_75, %swap3A_76], %swap3A_79 {strides = array<i32>} : memref<128x128xf32, #tpu.memory_space<vmem>>, vector<1x16xf32>,
        %get3A_80 = arith.index_cast %scan3A_48 : i32 to index
        %get3A_81 = arith.constant 32 : index
        %get3A_82 = tpu.vector_load %arg12[%get3A_80, %get3A_81] {strides = array<i32>} : memref<128x128xf32, #tpu.memory_space<vmem>>, vector<1x16xf32>,
        %get3A_83 = vector.shape_cast %get3A_82 : vector<1x16xf32> to vector<16xf32>
        %get3A_84 = arith.index_cast %scan3A_48 : i32 to index
        %get3A_85 = arith.constant 32 : index
        %get3A_86 = tpu.vector_load %arg13[%get3A_84, %get3A_85] {strides = array<i32>} : memref<128x128xf32, #tpu.memory_space<vmem>>, vector<1x16xf32>,
        %get3A_87 = vector.shape_cast %get3A_86 : vector<1x16xf32> to vector<16xf32>
        %add3A_88 = arith.addf %get3A_83, %get3A_87 : vector<16xf32>
        %max3A_89 = arith.constant 0.000000e+00 : f32
        %max3A_90 = vector.broadcast %max3A_89 : f32 to vector<16xf32>
        %max3A_91 = arith.maximumf %add3A_88, %max3A_90 : vector<16xf32>
        %swap3A_92 = arith.index_cast %scan3A_48 : i32 to index
        %swap3A_93 = arith.constant 32 : index
        %swap3A_94 = tpu.vector_load %arg12[%swap3A_92, %swap3A_93] {strides = array<i32>} : memref<128x128xf32, #tpu.memory_space<vmem>>, vector<1x16xf32>,
        %swap3A_95 = vector.shape_cast %swap3A_94 : vector<1x16xf32> to vector<16xf32>
        %swap3A_96 = vector.shape_cast %max3A_91 : vector<16xf32> to vector<1x16xf32>
        tpu.vector_store %arg12[%swap3A_92, %swap3A_93], %swap3A_96 {strides = array<i32>} : memref<128x128xf32, #tpu.memory_space<vmem>>, vector<1x16xf32>,
        %get3A_97 = arith.index_cast %scan3A_48 : i32 to index
        %get3A_98 = arith.constant 48 : index
        %get3A_99 = tpu.vector_load %arg12[%get3A_97, %get3A_98] {strides = array<i32>} : memref<128x128xf32, #tpu.memory_space<vmem>>, vector<1x16xf32>,
        %get3A_100 = vector.shape_cast %get3A_99 : vector<1x16xf32> to vector<16xf32>
        %get3A_101 = arith.index_cast %scan3A_48 : i32 to index
        %get3A_102 = arith.constant 48 : index
        %get3A_103 = tpu.vector_load %arg13[%get3A_101, %get3A_102] {strides = array<i32>} : memref<128x128xf32, #tpu.memory_space<vmem>>, vector<1x16xf32>,
        %get3A_104 = vector.shape_cast %get3A_103 : vector<1x16xf32> to vector<16xf32>
        %add3A_105 = arith.addf %get3A_100, %get3A_104 : vector<16xf32>
        %max3A_106 = arith.constant 0.000000e+00 : f32
        %max3A_107 = vector.broadcast %max3A_106 : f32 to vector<16xf32>
        %max3A_108 = arith.maximumf %add3A_105, %max3A_107 : vector<16xf32>
        %swap3A_109 = arith.index_cast %scan3A_48 : i32 to index
        %swap3A_110 = arith.constant 48 : index
        %swap3A_111 = tpu.vector_load %arg12[%swap3A_109, %swap3A_110] {strides = array<i32>} : memref<128x128xf32, #tpu.memory_space<vmem>>, vector<1x16xf32>,
        %swap3A_112 = vector.shape_cast %swap3A_111 : vector<1x16xf32> to vector<16xf32>
        %swap3A_113 = vector.shape_cast %max3A_108 : vector<16xf32> to vector<1x16xf32>
        tpu.vector_store %arg12[%swap3A_109, %swap3A_110], %swap3A_113 {strides = array<i32>} : memref<128x128xf32, #tpu.memory_space<vmem>>, vector<1x16xf32>,
        %get3A_114 = arith.index_cast %scan3A_48 : i32 to index
        %get3A_115 = arith.constant 64 : index
        %get3A_116 = tpu.vector_load %arg12[%get3A_114, %get3A_115] {strides = array<i32>} : memref<128x128xf32, #tpu.memory_space<vmem>>, vector<1x16xf32>,
        %get3A_117 = vector.shape_cast %get3A_116 : vector<1x16xf32> to vector<16xf32>
        %get3A_118 = arith.index_cast %scan3A_48 : i32 to index
        %get3A_119 = arith.constant 64 : index
        %get3A_120 = tpu.vector_load %arg13[%get3A_118, %get3A_119] {strides = array<i32>} : memref<128x128xf32, #tpu.memory_space<vmem>>, vector<1x16xf32>,
        %get3A_121 = vector.shape_cast %get3A_120 : vector<1x16xf32> to vector<16xf32>
        %add3A_122 = arith.addf %get3A_117, %get3A_121 : vector<16xf32>
        %max3A_123 = arith.constant 0.000000e+00 : f32
        %max3A_124 = vector.broadcast %max3A_123 : f32 to vector<16xf32>
        %max3A_125 = arith.maximumf %add3A_122, %max3A_124 : vector<16xf32>
        %swap3A_126 = arith.index_cast %scan3A_48 : i32 to index
        %swap3A_127 = arith.constant 64 : index
        %swap3A_128 = tpu.vector_load %arg12[%swap3A_126, %swap3A_127] {strides = array<i32>} : memref<128x128xf32, #tpu.memory_space<vmem>>, vector<1x16xf32>,
        %swap3A_129 = vector.shape_cast %swap3A_128 : vector<1x16xf32> to vector<16xf32>
        %swap3A_130 = vector.shape_cast %max3A_125 : vector<16xf32> to vector<1x16xf32>
        tpu.vector_store %arg12[%swap3A_126, %swap3A_127], %swap3A_130 {strides = array<i32>} : memref<128x128xf32, #tpu.memory_space<vmem>>, vector<1x16xf32>,
        %get3A_131 = arith.index_cast %scan3A_48 : i32 to index
        %get3A_132 = arith.constant 80 : index
        %get3A_133 = tpu.vector_load %arg12[%get3A_131, %get3A_132] {strides = array<i32>} : memref<128x128xf32, #tpu.memory_space<vmem>>, vector<1x16xf32>,
        %get3A_134 = vector.shape_cast %get3A_133 : vector<1x16xf32> to vector<16xf32>
        %get3A_135 = arith.index_cast %scan3A_48 : i32 to index
        %get3A_136 = arith.constant 80 : index
        %get3A_137 = tpu.vector_load %arg13[%get3A_135, %get3A_136] {strides = array<i32>} : memref<128x128xf32, #tpu.memory_space<vmem>>, vector<1x16xf32>,
        %get3A_138 = vector.shape_cast %get3A_137 : vector<1x16xf32> to vector<16xf32>
        %add3A_139 = arith.addf %get3A_134, %get3A_138 : vector<16xf32>
        %max3A_140 = arith.constant 0.000000e+00 : f32
        %max3A_141 = vector.broadcast %max3A_140 : f32 to vector<16xf32>
        %max3A_142 = arith.maximumf %add3A_139, %max3A_141 : vector<16xf32>
        %swap3A_143 = arith.index_cast %scan3A_48 : i32 to index
        %swap3A_144 = arith.constant 80 : index
        %swap3A_145 = tpu.vector_load %arg12[%swap3A_143, %swap3A_144] {strides = array<i32>} : memref<128x128xf32, #tpu.memory_space<vmem>>, vector<1x16xf32>,
        %swap3A_146 = vector.shape_cast %swap3A_145 : vector<1x16xf32> to vector<16xf32>
        %swap3A_147 = vector.shape_cast %max3A_142 : vector<16xf32> to vector<1x16xf32>
        tpu.vector_store %arg12[%swap3A_143, %swap3A_144], %swap3A_147 {strides = array<i32>} : memref<128x128xf32, #tpu.memory_space<vmem>>, vector<1x16xf32>,
        %get3A_148 = arith.index_cast %scan3A_48 : i32 to index
        %get3A_149 = arith.constant 96 : index
        %get3A_150 = tpu.vector_load %arg12[%get3A_148, %get3A_149] {strides = array<i32>} : memref<128x128xf32, #tpu.memory_space<vmem>>, vector<1x16xf32>,
        %get3A_151 = vector.shape_cast %get3A_150 : vector<1x16xf32> to vector<16xf32>
        %get3A_152 = arith.index_cast %scan3A_48 : i32 to index
        %get3A_153 = arith.constant 96 : index
        %get3A_154 = tpu.vector_load %arg13[%get3A_152, %get3A_153] {strides = array<i32>} : memref<128x128xf32, #tpu.memory_space<vmem>>, vector<1x16xf32>,
        %get3A_155 = vector.shape_cast %get3A_154 : vector<1x16xf32> to vector<16xf32>
        %add3A_156 = arith.addf %get3A_151, %get3A_155 : vector<16xf32>
        %max3A_157 = arith.constant 0.000000e+00 : f32
        %max3A_158 = vector.broadcast %max3A_157 : f32 to vector<16xf32>
        %max3A_159 = arith.maximumf %add3A_156, %max3A_158 : vector<16xf32>
        %swap3A_160 = arith.index_cast %scan3A_48 : i32 to index
        %swap3A_161 = arith.constant 96 : index
        %swap3A_162 = tpu.vector_load %arg12[%swap3A_160, %swap3A_161] {strides = array<i32>} : memref<128x128xf32, #tpu.memory_space<vmem>>, vector<1x16xf32>,
        %swap3A_163 = vector.shape_cast %swap3A_162 : vector<1x16xf32> to vector<16xf32>
        %swap3A_164 = vector.shape_cast %max3A_159 : vector<16xf32> to vector<1x16xf32>
        tpu.vector_store %arg12[%swap3A_160, %swap3A_161], %swap3A_164 {strides = array<i32>} : memref<128x128xf32, #tpu.memory_space<vmem>>, vector<1x16xf32>,
        %get3A_165 = arith.index_cast %scan3A_48 : i32 to index
        %get3A_166 = arith.constant 112 : index
        %get3A_167 = tpu.vector_load %arg12[%get3A_165, %get3A_166] {strides = array<i32>} : memref<128x128xf32, #tpu.memory_space<vmem>>, vector<1x16xf32>,
        %get3A_168 = vector.shape_cast %get3A_167 : vector<1x16xf32> to vector<16xf32>
        %get3A_169 = arith.index_cast %scan3A_48 : i32 to index
        %get3A_170 = arith.constant 112 : index
        %get3A_171 = tpu.vector_load %arg13[%get3A_169, %get3A_170] {strides = array<i32>} : memref<128x128xf32, #tpu.memory_space<vmem>>, vector<1x16xf32>,
        %get3A_172 = vector.shape_cast %get3A_171 : vector<1x16xf32> to vector<16xf32>
        %add3A_173 = arith.addf %get3A_168, %get3A_172 : vector<16xf32>
        %max3A_174 = arith.constant 0.000000e+00 : f32
        %max3A_175 = vector.broadcast %max3A_174 : f32 to vector<16xf32>
        %max3A_176 = arith.maximumf %add3A_173, %max3A_175 : vector<16xf32>
        %swap3A_177 = arith.index_cast %scan3A_48 : i32 to index
        %swap3A_178 = arith.constant 112 : index
        %swap3A_179 = tpu.vector_load %arg12[%swap3A_177, %swap3A_178] {strides = array<i32>} : memref<128x128xf32, #tpu.memory_space<vmem>>, vector<1x16xf32>,
        %swap3A_180 = vector.shape_cast %swap3A_179 : vector<1x16xf32> to vector<16xf32>
        %swap3A_181 = vector.shape_cast %max3A_176 : vector<16xf32> to vector<1x16xf32>
        tpu.vector_store %arg12[%swap3A_177, %swap3A_178], %swap3A_181 {strides = array<i32>} : memref<128x128xf32, #tpu.memory_space<vmem>>, vector<1x16xf32>,
      }
      %scan3A_47 = arith.constant 128 : i32
      "tpu.region"() ({
        %run_scoped3A = tpu.sem_alloc : memref<!tpu.dma_semaphore, #tpu.memory_space<semaphore_mem>>
        %dma_start3A_48 = arith.constant 0 : i32
        %dma_start3A_49 = arith.constant 0 : i32
        %dma_start3A_50 = tpu.memref_slice %arg14[%dma_start3A_48, %dma_start3A_49] : memref<10000x128xf32, #tpu.memory_space<vmem_shared>> -> memref<10000x128xf32, #tpu.memory_space<vmem_shared>>
        tpu.enqueue_indirect_dma source(%arg12 : memref<128x128xf32, #tpu.memory_space<vmem>>) target(%dma_start3A_50 : memref<10000x128xf32, #tpu.memory_space<vmem_shared>>) offsets(%arg10 : memref<128xi32, #tpu.memory_space<vmem>>) semaphore(%run_scoped3A : memref<!tpu.dma_semaphore, #tpu.memory_space<semaphore_mem>>) {add = true}
        %dma_wait3A_51 = arith.constant 0 : i32
        %dma_wait3A_52 = arith.constant 0 : i32
        %dma_wait3A_53 = tpu.memref_slice %arg14[%dma_wait3A_51, %dma_wait3A_52] : memref<10000x128xf32, #tpu.memory_space<vmem_shared>> -> memref<10000x128xf32, #tpu.memory_space<vmem_shared>>
        tpu.wait_indirect_dma semaphore(%run_scoped3A : memref<!tpu.dma_semaphore, #tpu.memory_space<semaphore_mem>>) src(%arg12 : memref<128x128xf32, #tpu.memory_space<vmem>>) dst(%dma_wait3A_53 : memref<10000x128xf32, #tpu.memory_space<vmem_shared>>)
        tpu.yield
      }) : () -> ()
    }
    %barrier3A_18 = arith.constant 0 : index
    tpu.barrier barrier_id(%barrier3A_18)
    %mul3A_19 = arith.constant 10000 : i32
    %mul3A_20 = arith.muli %arg0, %mul3A_19 : i32
    %add3A_21 = arith.addi %mul3A_20, %mul3A_2 : i32
    "tpu.region"() ({
      %run_scoped3A = tpu.sem_alloc : memref<!tpu.dma_semaphore, #tpu.memory_space<semaphore_mem>>
      %dma_start3A = arith.constant 0 : i32
      %dma_start3A_27 = tpu.memref_slice %arg8[%add3A_21, %dma_start3A] : memref<20000x128xf32, #tpu.memory_space<hbm>> -> memref<624x128xf32, #tpu.memory_space<hbm>>
      %dma_start3A_28 = arith.constant 0 : i32
      %dma_start3A_29 = tpu.memref_slice %arg14[%mul3A_2, %dma_start3A_28] : memref<10000x128xf32, #tpu.memory_space<vmem_shared>> -> memref<624x128xf32, #tpu.memory_space<vmem_shared>>
      tpu.enqueue_dma source(%dma_start3A_29 : memref<624x128xf32, #tpu.memory_space<vmem_shared>>) target(%dma_start3A_27 : memref<624x128xf32, #tpu.memory_space<hbm>>) target_semaphore(%run_scoped3A : memref<!tpu.dma_semaphore, #tpu.memory_space<semaphore_mem>>)
      %dma_wait3A = arith.constant 0 : i32
      %dma_wait3A_30 = tpu.memref_slice %arg8[%add3A_21, %dma_wait3A] : memref<20000x128xf32, #tpu.memory_space<hbm>> -> memref<624x128xf32, #tpu.memory_space<hbm>>
      %dma_wait3A_31 = arith.constant 0 : i32
      %dma_wait3A_32 = tpu.memref_slice %arg14[%mul3A_2, %dma_wait3A_31] : memref<10000x128xf32, #tpu.memory_space<vmem_shared>> -> memref<624x128xf32, #tpu.memory_space<vmem_shared>>
      tpu.wait_dma2 semaphore(%run_scoped3A : memref<!tpu.dma_semaphore, #tpu.memory_space<semaphore_mem>>) src(%dma_wait3A_32 : memref<624x128xf32, #tpu.memory_space<vmem_shared>>) dst(%dma_wait3A_30 : memref<624x128xf32, #tpu.memory_space<hbm>>)
      tpu.yield
    }) : () -> ()
    %eq3A_22 = arith.constant 15 : i32
    %eq3A_23 = arith.cmpi eq, %arg1, %eq3A_22 : i32
    %convert_element_type3A_24 = arith.extui %eq3A_23 : i1 to i32
    %cond3A_25 = arith.constant 0 : i32
    %cond3A_26 = arith.cmpi ne, %convert_element_type3A_24, %cond3A_25 : i32
    scf.if %cond3A_26 {
      %mul3A_27 = arith.constant 10000 : i32
      %mul3A_28 = arith.muli %arg0, %mul3A_27 : i32
      %add3A_29 = arith.constant 9984 : i32
      %add3A_30 = arith.addi %mul3A_28, %add3A_29 : i32
      "tpu.region"() ({
        %run_scoped3A = tpu.sem_alloc : memref<!tpu.dma_semaphore, #tpu.memory_space<semaphore_mem>>
        %dma_start3A = arith.constant 0 : i32
        %dma_start3A_31 = tpu.memref_slice %arg8[%add3A_30, %dma_start3A] : memref<20000x128xf32, #tpu.memory_space<hbm>> -> memref<16x128xf32, #tpu.memory_space<hbm>>
        %dma_start3A_32 = arith.constant 9984 : i32
        %dma_start3A_33 = arith.constant 0 : i32
        %dma_start3A_34 = tpu.memref_slice %arg14[%dma_start3A_32, %dma_start3A_33] : memref<10000x128xf32, #tpu.memory_space<vmem_shared>> -> memref<16x128xf32, #tpu.memory_space<vmem_shared>>
        tpu.enqueue_dma source(%dma_start3A_34 : memref<16x128xf32, #tpu.memory_space<vmem_shared>>) target(%dma_start3A_31 : memref<16x128xf32, #tpu.memory_space<hbm>>) target_semaphore(%run_scoped3A : memref<!tpu.dma_semaphore, #tpu.memory_space<semaphore_mem>>)
        %dma_wait3A = arith.constant 0 : i32
        %dma_wait3A_35 = tpu.memref_slice %arg8[%add3A_30, %dma_wait3A] : memref<20000x128xf32, #tpu.memory_space<hbm>> -> memref<16x128xf32, #tpu.memory_space<hbm>>
        %dma_wait3A_36 = arith.constant 9984 : i32
        %dma_wait3A_37 = arith.constant 0 : i32
        %dma_wait3A_38 = tpu.memref_slice %arg14[%dma_wait3A_36, %dma_wait3A_37] : memref<10000x128xf32, #tpu.memory_space<vmem_shared>> -> memref<16x128xf32, #tpu.memory_space<vmem_shared>>
        tpu.wait_dma2 semaphore(%run_scoped3A : memref<!tpu.dma_semaphore, #tpu.memory_space<semaphore_mem>>) src(%dma_wait3A_38 : memref<16x128xf32, #tpu.memory_space<vmem_shared>>) dst(%dma_wait3A_35 : memref<16x128xf32, #tpu.memory_space<hbm>>)
        tpu.yield
      }) : () -> ()
    } else {
    }
    return
  }
}

#map = affine_map<(d0, d1) -> (0, 0)>
#map1 = affine_map<(d0, d1) -> (0)>
module attributes {stable_mosaic.version = 14 : i64} {
  func.func @_sc_agg_body(%arg0: i32, %arg1: i32, %arg2: memref<10000x128xf32, #tpu.memory_space<hbm>>, %arg3: memref<4096x128xf32, #tpu.memory_space<hbm>>, %arg4: memref<320000xi32, #tpu.memory_space<hbm>>, %arg5: memref<320000xi32, #tpu.memory_space<hbm>>, %arg6: memref<320000xi32, #tpu.memory_space<hbm>>, %arg7: memref<10000x128xf32, #tpu.memory_space<hbm>>, %arg8: memref<20000x128xf32, #tpu.memory_space<hbm>>, %arg9: memref<128xi32, #tpu.memory_space<vmem>>, %arg10: memref<128xi32, #tpu.memory_space<vmem>>, %arg11: memref<128xi32, #tpu.memory_space<vmem>>, %arg12: memref<128x128xf32, #tpu.memory_space<vmem>>, %arg13: memref<128x128xf32, #tpu.memory_space<vmem>>, %arg14: memref<10000x128xf32, #tpu.memory_space<vmem_shared>>, %arg15: memref<!tpu.dma_semaphore, #tpu.memory_space<semaphore_mem>>, %arg16: memref<!tpu.dma_semaphore, #tpu.memory_space<semaphore_mem>>) attributes {dimension_semantics = [#tpu.dimension_semantics<core_parallel>, #tpu.dimension_semantics<subcore_parallel>], iteration_bounds = array<i64: 2, 16>, scalar_prefetch = 0 : i64, scratch_operands = 8 : i64, tpu.core_type = #tpu.core_type<sc_vector_subcore>, window_params = [{transform_indices = #map}, {transform_indices = #map}, {transform_indices = #map1}, {transform_indices = #map1}, {transform_indices = #map1}, {transform_indices = #map}, {transform_indices = #map}]} {
    %mul3A = arith.constant 2 : i32
    %mul3A_0 = arith.muli %arg1, %mul3A : i32
    %add3A = arith.addi %mul3A_0, %arg0 : i32
    %mul3A_1 = arith.constant 624 : i32
    %mul3A_2 = arith.muli %arg1, %mul3A_1 : i32
    "tpu.region"() ({
      %run_scoped3A = tpu.sem_alloc : memref<!tpu.dma_semaphore, #tpu.memory_space<semaphore_mem>>
      %dma_start3A = arith.constant 0 : i32
      %dma_start3A_27 = tpu.memref_slice %arg14[%mul3A_2, %dma_start3A] : memref<10000x128xf32, #tpu.memory_space<vmem_shared>> -> memref<624x128xf32, #tpu.memory_space<vmem_shared>>
      %dma_start3A_28 = arith.constant 0 : i32
      %dma_start3A_29 = tpu.memref_slice %arg7[%mul3A_2, %dma_start3A_28] : memref<10000x128xf32, #tpu.memory_space<hbm>> -> memref<624x128xf32, #tpu.memory_space<hbm>>
      tpu.enqueue_dma source(%dma_start3A_29 : memref<624x128xf32, #tpu.memory_space<hbm>>) target(%dma_start3A_27 : memref<624x128xf32, #tpu.memory_space<vmem_shared>>) target_semaphore(%run_scoped3A : memref<!tpu.dma_semaphore, #tpu.memory_space<semaphore_mem>>)
      %dma_wait3A = arith.constant 0 : i32
      %dma_wait3A_30 = tpu.memref_slice %arg14[%mul3A_2, %dma_wait3A] : memref<10000x128xf32, #tpu.memory_space<vmem_shared>> -> memref<624x128xf32, #tpu.memory_space<vmem_shared>>
      %dma_wait3A_31 = arith.constant 0 : i32
      %dma_wait3A_32 = tpu.memref_slice %arg7[%mul3A_2, %dma_wait3A_31] : memref<10000x128xf32, #tpu.memory_space<hbm>> -> memref<624x128xf32, #tpu.memory_space<hbm>>
      tpu.wait_dma2 semaphore(%run_scoped3A : memref<!tpu.dma_semaphore, #tpu.memory_space<semaphore_mem>>) src(%dma_wait3A_32 : memref<624x128xf32, #tpu.memory_space<hbm>>) dst(%dma_wait3A_30 : memref<624x128xf32, #tpu.memory_space<vmem_shared>>)
      tpu.yield
    }) : () -> ()
    %eq3A = arith.constant 15 : i32
    %eq3A_3 = arith.cmpi eq, %arg1, %eq3A : i32
    %convert_element_type3A = arith.extui %eq3A_3 : i1 to i32
    %cond3A = arith.constant 0 : i32
    %cond3A_4 = arith.cmpi ne, %convert_element_type3A, %cond3A : i32
    scf.if %cond3A_4 {
      "tpu.region"() ({
        %run_scoped3A = tpu.sem_alloc : memref<!tpu.dma_semaphore, #tpu.memory_space<semaphore_mem>>
        %dma_start3A = arith.constant 9984 : i32
        %dma_start3A_27 = arith.constant 0 : i32
        %dma_start3A_28 = tpu.memref_slice %arg14[%dma_start3A, %dma_start3A_27] : memref<10000x128xf32, #tpu.memory_space<vmem_shared>> -> memref<16x128xf32, #tpu.memory_space<vmem_shared>>
        %dma_start3A_29 = arith.constant 9984 : i32
        %dma_start3A_30 = arith.constant 0 : i32
        %dma_start3A_31 = tpu.memref_slice %arg7[%dma_start3A_29, %dma_start3A_30] : memref<10000x128xf32, #tpu.memory_space<hbm>> -> memref<16x128xf32, #tpu.memory_space<hbm>>
        tpu.enqueue_dma source(%dma_start3A_31 : memref<16x128xf32, #tpu.memory_space<hbm>>) target(%dma_start3A_28 : memref<16x128xf32, #tpu.memory_space<vmem_shared>>) target_semaphore(%run_scoped3A : memref<!tpu.dma_semaphore, #tpu.memory_space<semaphore_mem>>)
        %dma_wait3A = arith.constant 9984 : i32
        %dma_wait3A_32 = arith.constant 0 : i32
        %dma_wait3A_33 = tpu.memref_slice %arg14[%dma_wait3A, %dma_wait3A_32] : memref<10000x128xf32, #tpu.memory_space<vmem_shared>> -> memref<16x128xf32, #tpu.memory_space<vmem_shared>>
        %dma_wait3A_34 = arith.constant 9984 : i32
        %dma_wait3A_35 = arith.constant 0 : i32
        %dma_wait3A_36 = tpu.memref_slice %arg7[%dma_wait3A_34, %dma_wait3A_35] : memref<10000x128xf32, #tpu.memory_space<hbm>> -> memref<16x128xf32, #tpu.memory_space<hbm>>
        tpu.wait_dma2 semaphore(%run_scoped3A : memref<!tpu.dma_semaphore, #tpu.memory_space<semaphore_mem>>) src(%dma_wait3A_36 : memref<16x128xf32, #tpu.memory_space<hbm>>) dst(%dma_wait3A_33 : memref<16x128xf32, #tpu.memory_space<vmem_shared>>)
        tpu.yield
      }) : () -> ()
    } else {
    }
    %barrier3A = arith.constant 0 : index
    tpu.barrier barrier_id(%barrier3A)
    %lt3A = arith.constant 4 : i32
    %lt3A_5 = arith.cmpi slt, %add3A, %lt3A : i32
    %jit3A = arith.constant 1 : i32
    %jit3A_6 = arith.constant 0 : i32
    %select_n3A = arith.select %lt3A_5, %jit3A, %jit3A_6 : i32
    %add3A_7 = arith.constant 78 : i32
    %add3A_8 = arith.addi %add3A_7, %select_n3A : i32
    %while3A = arith.constant 0 : i32
    %while3A_9 = arith.constant 0 : i32
    %while3A_10 = arith.subi %add3A_8, %while3A_9 : i32
    %while3A_11 = arith.addi %while3A_9, %while3A_10 : i32
    %while3A_12 = arith.constant 1 : i32
    %while3A_13 = arith.divsi %while3A_10, %while3A_12 : i32
    %while3A_14 = arith.muli %while3A_13, %while3A_12 : i32
    %while3A_15 = arith.addi %while3A_9, %while3A_14 : i32
    %while3A_16 = arith.constant 1 : i32
    scf.for %while3A_27 = %while3A_9 to %while3A_15 step %while3A_16  : i32 {
      %mul3A_28 = arith.constant 32 : i32
      %mul3A_29 = arith.muli %while3A_27, %mul3A_28 : i32
      %add3A_30 = arith.addi %add3A, %mul3A_29 : i32
      %mul3A_31 = arith.constant 128 : i32
      %mul3A_32 = arith.muli %add3A_30, %mul3A_31 : i32
      "tpu.region"() ({
        %run_scoped3A = tpu.sem_alloc : memref<!tpu.dma_semaphore, #tpu.memory_space<semaphore_mem>>
        %dma_start3A_48 = tpu.memref_slice %arg4[%mul3A_32] : memref<320000xi32, #tpu.memory_space<hbm>> -> memref<128xi32, #tpu.memory_space<hbm>>
        %dma_start3A_49 = tpu.memref_slice %arg4[%mul3A_32] : memref<320000xi32, #tpu.memory_space<hbm>> -> memref<128xi32, #tpu.memory_space<hbm>>
        tpu.enqueue_dma source(%dma_start3A_49 : memref<128xi32, #tpu.memory_space<hbm>>) target(%arg9 : memref<128xi32, #tpu.memory_space<vmem>>) target_semaphore(%run_scoped3A : memref<!tpu.dma_semaphore, #tpu.memory_space<semaphore_mem>>)
        %dma_wait3A_50 = tpu.memref_slice %arg4[%mul3A_32] : memref<320000xi32, #tpu.memory_space<hbm>> -> memref<128xi32, #tpu.memory_space<hbm>>
        %dma_wait3A_51 = tpu.memref_slice %arg4[%mul3A_32] : memref<320000xi32, #tpu.memory_space<hbm>> -> memref<128xi32, #tpu.memory_space<hbm>>
        tpu.wait_dma2 semaphore(%run_scoped3A : memref<!tpu.dma_semaphore, #tpu.memory_space<semaphore_mem>>) src(%dma_wait3A_51 : memref<128xi32, #tpu.memory_space<hbm>>) dst(%arg9 : memref<128xi32, #tpu.memory_space<vmem>>)
        tpu.yield
      }) : () -> ()
      "tpu.region"() ({
        %run_scoped3A = tpu.sem_alloc : memref<!tpu.dma_semaphore, #tpu.memory_space<semaphore_mem>>
        %dma_start3A_48 = tpu.memref_slice %arg6[%mul3A_32] : memref<320000xi32, #tpu.memory_space<hbm>> -> memref<128xi32, #tpu.memory_space<hbm>>
        %dma_start3A_49 = tpu.memref_slice %arg6[%mul3A_32] : memref<320000xi32, #tpu.memory_space<hbm>> -> memref<128xi32, #tpu.memory_space<hbm>>
        tpu.enqueue_dma source(%dma_start3A_49 : memref<128xi32, #tpu.memory_space<hbm>>) target(%arg11 : memref<128xi32, #tpu.memory_space<vmem>>) target_semaphore(%run_scoped3A : memref<!tpu.dma_semaphore, #tpu.memory_space<semaphore_mem>>)
        %dma_wait3A_50 = tpu.memref_slice %arg6[%mul3A_32] : memref<320000xi32, #tpu.memory_space<hbm>> -> memref<128xi32, #tpu.memory_space<hbm>>
        %dma_wait3A_51 = tpu.memref_slice %arg6[%mul3A_32] : memref<320000xi32, #tpu.memory_space<hbm>> -> memref<128xi32, #tpu.memory_space<hbm>>
        tpu.wait_dma2 semaphore(%run_scoped3A : memref<!tpu.dma_semaphore, #tpu.memory_space<semaphore_mem>>) src(%dma_wait3A_51 : memref<128xi32, #tpu.memory_space<hbm>>) dst(%arg11 : memref<128xi32, #tpu.memory_space<vmem>>)
        tpu.yield
      }) : () -> ()
      "tpu.region"() ({
        %run_scoped3A = tpu.sem_alloc : memref<!tpu.dma_semaphore, #tpu.memory_space<semaphore_mem>>
        %dma_start3A_48 = tpu.memref_slice %arg5[%mul3A_32] : memref<320000xi32, #tpu.memory_space<hbm>> -> memref<128xi32, #tpu.memory_space<hbm>>
        %dma_start3A_49 = tpu.memref_slice %arg5[%mul3A_32] : memref<320000xi32, #tpu.memory_space<hbm>> -> memref<128xi32, #tpu.memory_space<hbm>>
        tpu.enqueue_dma source(%dma_start3A_49 : memref<128xi32, #tpu.memory_space<hbm>>) target(%arg10 : memref<128xi32, #tpu.memory_space<vmem>>) target_semaphore(%run_scoped3A : memref<!tpu.dma_semaphore, #tpu.memory_space<semaphore_mem>>)
        %dma_wait3A_50 = tpu.memref_slice %arg5[%mul3A_32] : memref<320000xi32, #tpu.memory_space<hbm>> -> memref<128xi32, #tpu.memory_space<hbm>>
        %dma_wait3A_51 = tpu.memref_slice %arg5[%mul3A_32] : memref<320000xi32, #tpu.memory_space<hbm>> -> memref<128xi32, #tpu.memory_space<hbm>>
        tpu.wait_dma2 semaphore(%run_scoped3A : memref<!tpu.dma_semaphore, #tpu.memory_space<semaphore_mem>>) src(%dma_wait3A_51 : memref<128xi32, #tpu.memory_space<hbm>>) dst(%arg10 : memref<128xi32, #tpu.memory_space<vmem>>)
        tpu.yield
      }) : () -> ()
      %dma_start3A = arith.constant 0 : i32
      %dma_start3A_33 = arith.constant 0 : i32
      %dma_start3A_34 = tpu.memref_slice %arg2[%dma_start3A, %dma_start3A_33] : memref<10000x128xf32, #tpu.memory_space<hbm>> -> memref<10000x128xf32, #tpu.memory_space<hbm>>
      tpu.enqueue_indirect_dma source(%dma_start3A_34 : memref<10000x128xf32, #tpu.memory_space<hbm>>) target(%arg12 : memref<128x128xf32, #tpu.memory_space<vmem>>) offsets(%arg9 : memref<128xi32, #tpu.memory_space<vmem>>) semaphore(%arg15 : memref<!tpu.dma_semaphore, #tpu.memory_space<semaphore_mem>>)
      %dma_wait3A = arith.constant 0 : i32
      %dma_wait3A_35 = arith.constant 0 : i32
      %dma_wait3A_36 = tpu.memref_slice %arg2[%dma_wait3A, %dma_wait3A_35] : memref<10000x128xf32, #tpu.memory_space<hbm>> -> memref<10000x128xf32, #tpu.memory_space<hbm>>
      tpu.wait_indirect_dma semaphore(%arg15 : memref<!tpu.dma_semaphore, #tpu.memory_space<semaphore_mem>>) src(%dma_wait3A_36 : memref<10000x128xf32, #tpu.memory_space<hbm>>) dst(%arg12 : memref<128x128xf32, #tpu.memory_space<vmem>>)
      %dma_start3A_37 = arith.constant 0 : i32
      %dma_start3A_38 = arith.constant 0 : i32
      %dma_start3A_39 = tpu.memref_slice %arg3[%dma_start3A_37, %dma_start3A_38] : memref<4096x128xf32, #tpu.memory_space<hbm>> -> memref<4096x128xf32, #tpu.memory_space<hbm>>
      tpu.enqueue_indirect_dma source(%dma_start3A_39 : memref<4096x128xf32, #tpu.memory_space<hbm>>) target(%arg13 : memref<128x128xf32, #tpu.memory_space<vmem>>) offsets(%arg11 : memref<128xi32, #tpu.memory_space<vmem>>) semaphore(%arg16 : memref<!tpu.dma_semaphore, #tpu.memory_space<semaphore_mem>>)
      %dma_wait3A_40 = arith.constant 0 : i32
      %dma_wait3A_41 = arith.constant 0 : i32
      %dma_wait3A_42 = tpu.memref_slice %arg3[%dma_wait3A_40, %dma_wait3A_41] : memref<4096x128xf32, #tpu.memory_space<hbm>> -> memref<4096x128xf32, #tpu.memory_space<hbm>>
      tpu.wait_indirect_dma semaphore(%arg16 : memref<!tpu.dma_semaphore, #tpu.memory_space<semaphore_mem>>) src(%dma_wait3A_42 : memref<4096x128xf32, #tpu.memory_space<hbm>>) dst(%arg13 : memref<128x128xf32, #tpu.memory_space<vmem>>)
      %scan3A = arith.constant 0 : i32
      %scan3A_43 = arith.constant 0 : i32
      %scan3A_44 = arith.constant 128 : i32
      %scan3A_45 = arith.addi %scan3A_43, %scan3A_44 : i32
      %scan3A_46 = arith.constant 1 : i32
      scf.for %scan3A_48 = %scan3A_43 to %scan3A_45 step %scan3A_46  : i32 {
        %get3A = arith.index_cast %scan3A_48 : i32 to index
        %get3A_49 = arith.constant 0 : index
        %get3A_50 = tpu.vector_load %arg12[%get3A, %get3A_49] {strides = array<i32>} : memref<128x128xf32, #tpu.memory_space<vmem>>, vector<1x16xf32>,
        %get3A_51 = vector.shape_cast %get3A_50 : vector<1x16xf32> to vector<16xf32>
        %get3A_52 = arith.index_cast %scan3A_48 : i32 to index
        %get3A_53 = arith.constant 0 : index
        %get3A_54 = tpu.vector_load %arg13[%get3A_52, %get3A_53] {strides = array<i32>} : memref<128x128xf32, #tpu.memory_space<vmem>>, vector<1x16xf32>,
        %get3A_55 = vector.shape_cast %get3A_54 : vector<1x16xf32> to vector<16xf32>
        %add3A_56 = arith.addf %get3A_51, %get3A_55 : vector<16xf32>
        %max3A = arith.constant 0.000000e+00 : f32
        %max3A_57 = vector.broadcast %max3A : f32 to vector<16xf32>
        %max3A_58 = arith.maximumf %add3A_56, %max3A_57 : vector<16xf32>
        %swap3A = arith.index_cast %scan3A_48 : i32 to index
        %swap3A_59 = arith.constant 0 : index
        %swap3A_60 = tpu.vector_load %arg12[%swap3A, %swap3A_59] {strides = array<i32>} : memref<128x128xf32, #tpu.memory_space<vmem>>, vector<1x16xf32>,
        %swap3A_61 = vector.shape_cast %swap3A_60 : vector<1x16xf32> to vector<16xf32>
        %swap3A_62 = vector.shape_cast %max3A_58 : vector<16xf32> to vector<1x16xf32>
        tpu.vector_store %arg12[%swap3A, %swap3A_59], %swap3A_62 {strides = array<i32>} : memref<128x128xf32, #tpu.memory_space<vmem>>, vector<1x16xf32>,
        %get3A_63 = arith.index_cast %scan3A_48 : i32 to index
        %get3A_64 = arith.constant 16 : index
        %get3A_65 = tpu.vector_load %arg12[%get3A_63, %get3A_64] {strides = array<i32>} : memref<128x128xf32, #tpu.memory_space<vmem>>, vector<1x16xf32>,
        %get3A_66 = vector.shape_cast %get3A_65 : vector<1x16xf32> to vector<16xf32>
        %get3A_67 = arith.index_cast %scan3A_48 : i32 to index
        %get3A_68 = arith.constant 16 : index
        %get3A_69 = tpu.vector_load %arg13[%get3A_67, %get3A_68] {strides = array<i32>} : memref<128x128xf32, #tpu.memory_space<vmem>>, vector<1x16xf32>,
        %get3A_70 = vector.shape_cast %get3A_69 : vector<1x16xf32> to vector<16xf32>
        %add3A_71 = arith.addf %get3A_66, %get3A_70 : vector<16xf32>
        %max3A_72 = arith.constant 0.000000e+00 : f32
        %max3A_73 = vector.broadcast %max3A_72 : f32 to vector<16xf32>
        %max3A_74 = arith.maximumf %add3A_71, %max3A_73 : vector<16xf32>
        %swap3A_75 = arith.index_cast %scan3A_48 : i32 to index
        %swap3A_76 = arith.constant 16 : index
        %swap3A_77 = tpu.vector_load %arg12[%swap3A_75, %swap3A_76] {strides = array<i32>} : memref<128x128xf32, #tpu.memory_space<vmem>>, vector<1x16xf32>,
        %swap3A_78 = vector.shape_cast %swap3A_77 : vector<1x16xf32> to vector<16xf32>
        %swap3A_79 = vector.shape_cast %max3A_74 : vector<16xf32> to vector<1x16xf32>
        tpu.vector_store %arg12[%swap3A_75, %swap3A_76], %swap3A_79 {strides = array<i32>} : memref<128x128xf32, #tpu.memory_space<vmem>>, vector<1x16xf32>,
        %get3A_80 = arith.index_cast %scan3A_48 : i32 to index
        %get3A_81 = arith.constant 32 : index
        %get3A_82 = tpu.vector_load %arg12[%get3A_80, %get3A_81] {strides = array<i32>} : memref<128x128xf32, #tpu.memory_space<vmem>>, vector<1x16xf32>,
        %get3A_83 = vector.shape_cast %get3A_82 : vector<1x16xf32> to vector<16xf32>
        %get3A_84 = arith.index_cast %scan3A_48 : i32 to index
        %get3A_85 = arith.constant 32 : index
        %get3A_86 = tpu.vector_load %arg13[%get3A_84, %get3A_85] {strides = array<i32>} : memref<128x128xf32, #tpu.memory_space<vmem>>, vector<1x16xf32>,
        %get3A_87 = vector.shape_cast %get3A_86 : vector<1x16xf32> to vector<16xf32>
        %add3A_88 = arith.addf %get3A_83, %get3A_87 : vector<16xf32>
        %max3A_89 = arith.constant 0.000000e+00 : f32
        %max3A_90 = vector.broadcast %max3A_89 : f32 to vector<16xf32>
        %max3A_91 = arith.maximumf %add3A_88, %max3A_90 : vector<16xf32>
        %swap3A_92 = arith.index_cast %scan3A_48 : i32 to index
        %swap3A_93 = arith.constant 32 : index
        %swap3A_94 = tpu.vector_load %arg12[%swap3A_92, %swap3A_93] {strides = array<i32>} : memref<128x128xf32, #tpu.memory_space<vmem>>, vector<1x16xf32>,
        %swap3A_95 = vector.shape_cast %swap3A_94 : vector<1x16xf32> to vector<16xf32>
        %swap3A_96 = vector.shape_cast %max3A_91 : vector<16xf32> to vector<1x16xf32>
        tpu.vector_store %arg12[%swap3A_92, %swap3A_93], %swap3A_96 {strides = array<i32>} : memref<128x128xf32, #tpu.memory_space<vmem>>, vector<1x16xf32>,
        %get3A_97 = arith.index_cast %scan3A_48 : i32 to index
        %get3A_98 = arith.constant 48 : index
        %get3A_99 = tpu.vector_load %arg12[%get3A_97, %get3A_98] {strides = array<i32>} : memref<128x128xf32, #tpu.memory_space<vmem>>, vector<1x16xf32>,
        %get3A_100 = vector.shape_cast %get3A_99 : vector<1x16xf32> to vector<16xf32>
        %get3A_101 = arith.index_cast %scan3A_48 : i32 to index
        %get3A_102 = arith.constant 48 : index
        %get3A_103 = tpu.vector_load %arg13[%get3A_101, %get3A_102] {strides = array<i32>} : memref<128x128xf32, #tpu.memory_space<vmem>>, vector<1x16xf32>,
        %get3A_104 = vector.shape_cast %get3A_103 : vector<1x16xf32> to vector<16xf32>
        %add3A_105 = arith.addf %get3A_100, %get3A_104 : vector<16xf32>
        %max3A_106 = arith.constant 0.000000e+00 : f32
        %max3A_107 = vector.broadcast %max3A_106 : f32 to vector<16xf32>
        %max3A_108 = arith.maximumf %add3A_105, %max3A_107 : vector<16xf32>
        %swap3A_109 = arith.index_cast %scan3A_48 : i32 to index
        %swap3A_110 = arith.constant 48 : index
        %swap3A_111 = tpu.vector_load %arg12[%swap3A_109, %swap3A_110] {strides = array<i32>} : memref<128x128xf32, #tpu.memory_space<vmem>>, vector<1x16xf32>,
        %swap3A_112 = vector.shape_cast %swap3A_111 : vector<1x16xf32> to vector<16xf32>
        %swap3A_113 = vector.shape_cast %max3A_108 : vector<16xf32> to vector<1x16xf32>
        tpu.vector_store %arg12[%swap3A_109, %swap3A_110], %swap3A_113 {strides = array<i32>} : memref<128x128xf32, #tpu.memory_space<vmem>>, vector<1x16xf32>,
        %get3A_114 = arith.index_cast %scan3A_48 : i32 to index
        %get3A_115 = arith.constant 64 : index
        %get3A_116 = tpu.vector_load %arg12[%get3A_114, %get3A_115] {strides = array<i32>} : memref<128x128xf32, #tpu.memory_space<vmem>>, vector<1x16xf32>,
        %get3A_117 = vector.shape_cast %get3A_116 : vector<1x16xf32> to vector<16xf32>
        %get3A_118 = arith.index_cast %scan3A_48 : i32 to index
        %get3A_119 = arith.constant 64 : index
        %get3A_120 = tpu.vector_load %arg13[%get3A_118, %get3A_119] {strides = array<i32>} : memref<128x128xf32, #tpu.memory_space<vmem>>, vector<1x16xf32>,
        %get3A_121 = vector.shape_cast %get3A_120 : vector<1x16xf32> to vector<16xf32>
        %add3A_122 = arith.addf %get3A_117, %get3A_121 : vector<16xf32>
        %max3A_123 = arith.constant 0.000000e+00 : f32
        %max3A_124 = vector.broadcast %max3A_123 : f32 to vector<16xf32>
        %max3A_125 = arith.maximumf %add3A_122, %max3A_124 : vector<16xf32>
        %swap3A_126 = arith.index_cast %scan3A_48 : i32 to index
        %swap3A_127 = arith.constant 64 : index
        %swap3A_128 = tpu.vector_load %arg12[%swap3A_126, %swap3A_127] {strides = array<i32>} : memref<128x128xf32, #tpu.memory_space<vmem>>, vector<1x16xf32>,
        %swap3A_129 = vector.shape_cast %swap3A_128 : vector<1x16xf32> to vector<16xf32>
        %swap3A_130 = vector.shape_cast %max3A_125 : vector<16xf32> to vector<1x16xf32>
        tpu.vector_store %arg12[%swap3A_126, %swap3A_127], %swap3A_130 {strides = array<i32>} : memref<128x128xf32, #tpu.memory_space<vmem>>, vector<1x16xf32>,
        %get3A_131 = arith.index_cast %scan3A_48 : i32 to index
        %get3A_132 = arith.constant 80 : index
        %get3A_133 = tpu.vector_load %arg12[%get3A_131, %get3A_132] {strides = array<i32>} : memref<128x128xf32, #tpu.memory_space<vmem>>, vector<1x16xf32>,
        %get3A_134 = vector.shape_cast %get3A_133 : vector<1x16xf32> to vector<16xf32>
        %get3A_135 = arith.index_cast %scan3A_48 : i32 to index
        %get3A_136 = arith.constant 80 : index
        %get3A_137 = tpu.vector_load %arg13[%get3A_135, %get3A_136] {strides = array<i32>} : memref<128x128xf32, #tpu.memory_space<vmem>>, vector<1x16xf32>,
        %get3A_138 = vector.shape_cast %get3A_137 : vector<1x16xf32> to vector<16xf32>
        %add3A_139 = arith.addf %get3A_134, %get3A_138 : vector<16xf32>
        %max3A_140 = arith.constant 0.000000e+00 : f32
        %max3A_141 = vector.broadcast %max3A_140 : f32 to vector<16xf32>
        %max3A_142 = arith.maximumf %add3A_139, %max3A_141 : vector<16xf32>
        %swap3A_143 = arith.index_cast %scan3A_48 : i32 to index
        %swap3A_144 = arith.constant 80 : index
        %swap3A_145 = tpu.vector_load %arg12[%swap3A_143, %swap3A_144] {strides = array<i32>} : memref<128x128xf32, #tpu.memory_space<vmem>>, vector<1x16xf32>,
        %swap3A_146 = vector.shape_cast %swap3A_145 : vector<1x16xf32> to vector<16xf32>
        %swap3A_147 = vector.shape_cast %max3A_142 : vector<16xf32> to vector<1x16xf32>
        tpu.vector_store %arg12[%swap3A_143, %swap3A_144], %swap3A_147 {strides = array<i32>} : memref<128x128xf32, #tpu.memory_space<vmem>>, vector<1x16xf32>,
        %get3A_148 = arith.index_cast %scan3A_48 : i32 to index
        %get3A_149 = arith.constant 96 : index
        %get3A_150 = tpu.vector_load %arg12[%get3A_148, %get3A_149] {strides = array<i32>} : memref<128x128xf32, #tpu.memory_space<vmem>>, vector<1x16xf32>,
        %get3A_151 = vector.shape_cast %get3A_150 : vector<1x16xf32> to vector<16xf32>
        %get3A_152 = arith.index_cast %scan3A_48 : i32 to index
        %get3A_153 = arith.constant 96 : index
        %get3A_154 = tpu.vector_load %arg13[%get3A_152, %get3A_153] {strides = array<i32>} : memref<128x128xf32, #tpu.memory_space<vmem>>, vector<1x16xf32>,
        %get3A_155 = vector.shape_cast %get3A_154 : vector<1x16xf32> to vector<16xf32>
        %add3A_156 = arith.addf %get3A_151, %get3A_155 : vector<16xf32>
        %max3A_157 = arith.constant 0.000000e+00 : f32
        %max3A_158 = vector.broadcast %max3A_157 : f32 to vector<16xf32>
        %max3A_159 = arith.maximumf %add3A_156, %max3A_158 : vector<16xf32>
        %swap3A_160 = arith.index_cast %scan3A_48 : i32 to index
        %swap3A_161 = arith.constant 96 : index
        %swap3A_162 = tpu.vector_load %arg12[%swap3A_160, %swap3A_161] {strides = array<i32>} : memref<128x128xf32, #tpu.memory_space<vmem>>, vector<1x16xf32>,
        %swap3A_163 = vector.shape_cast %swap3A_162 : vector<1x16xf32> to vector<16xf32>
        %swap3A_164 = vector.shape_cast %max3A_159 : vector<16xf32> to vector<1x16xf32>
        tpu.vector_store %arg12[%swap3A_160, %swap3A_161], %swap3A_164 {strides = array<i32>} : memref<128x128xf32, #tpu.memory_space<vmem>>, vector<1x16xf32>,
        %get3A_165 = arith.index_cast %scan3A_48 : i32 to index
        %get3A_166 = arith.constant 112 : index
        %get3A_167 = tpu.vector_load %arg12[%get3A_165, %get3A_166] {strides = array<i32>} : memref<128x128xf32, #tpu.memory_space<vmem>>, vector<1x16xf32>,
        %get3A_168 = vector.shape_cast %get3A_167 : vector<1x16xf32> to vector<16xf32>
        %get3A_169 = arith.index_cast %scan3A_48 : i32 to index
        %get3A_170 = arith.constant 112 : index
        %get3A_171 = tpu.vector_load %arg13[%get3A_169, %get3A_170] {strides = array<i32>} : memref<128x128xf32, #tpu.memory_space<vmem>>, vector<1x16xf32>,
        %get3A_172 = vector.shape_cast %get3A_171 : vector<1x16xf32> to vector<16xf32>
        %add3A_173 = arith.addf %get3A_168, %get3A_172 : vector<16xf32>
        %max3A_174 = arith.constant 0.000000e+00 : f32
        %max3A_175 = vector.broadcast %max3A_174 : f32 to vector<16xf32>
        %max3A_176 = arith.maximumf %add3A_173, %max3A_175 : vector<16xf32>
        %swap3A_177 = arith.index_cast %scan3A_48 : i32 to index
        %swap3A_178 = arith.constant 112 : index
        %swap3A_179 = tpu.vector_load %arg12[%swap3A_177, %swap3A_178] {strides = array<i32>} : memref<128x128xf32, #tpu.memory_space<vmem>>, vector<1x16xf32>,
        %swap3A_180 = vector.shape_cast %swap3A_179 : vector<1x16xf32> to vector<16xf32>
        %swap3A_181 = vector.shape_cast %max3A_176 : vector<16xf32> to vector<1x16xf32>
        tpu.vector_store %arg12[%swap3A_177, %swap3A_178], %swap3A_181 {strides = array<i32>} : memref<128x128xf32, #tpu.memory_space<vmem>>, vector<1x16xf32>,
      }
      %scan3A_47 = arith.constant 128 : i32
      "tpu.region"() ({
        %run_scoped3A = tpu.sem_alloc : memref<!tpu.dma_semaphore, #tpu.memory_space<semaphore_mem>>
        %dma_start3A_48 = arith.constant 0 : i32
        %dma_start3A_49 = arith.constant 0 : i32
        %dma_start3A_50 = tpu.memref_slice %arg14[%dma_start3A_48, %dma_start3A_49] : memref<10000x128xf32, #tpu.memory_space<vmem_shared>> -> memref<10000x128xf32, #tpu.memory_space<vmem_shared>>
        tpu.enqueue_indirect_dma source(%arg12 : memref<128x128xf32, #tpu.memory_space<vmem>>) target(%dma_start3A_50 : memref<10000x128xf32, #tpu.memory_space<vmem_shared>>) offsets(%arg10 : memref<128xi32, #tpu.memory_space<vmem>>) semaphore(%run_scoped3A : memref<!tpu.dma_semaphore, #tpu.memory_space<semaphore_mem>>) {add = true}
        %dma_wait3A_51 = arith.constant 0 : i32
        %dma_wait3A_52 = arith.constant 0 : i32
        %dma_wait3A_53 = tpu.memref_slice %arg14[%dma_wait3A_51, %dma_wait3A_52] : memref<10000x128xf32, #tpu.memory_space<vmem_shared>> -> memref<10000x128xf32, #tpu.memory_space<vmem_shared>>
        tpu.wait_indirect_dma semaphore(%run_scoped3A : memref<!tpu.dma_semaphore, #tpu.memory_space<semaphore_mem>>) src(%arg12 : memref<128x128xf32, #tpu.memory_space<vmem>>) dst(%dma_wait3A_53 : memref<10000x128xf32, #tpu.memory_space<vmem_shared>>)
        tpu.yield
      }) : () -> ()
    }
    %while3A_17 = arith.constant 1 : i32
    scf.for %while3A_27 = %while3A_15 to %while3A_11 step %while3A_17  : i32 {
      %mul3A_28 = arith.constant 32 : i32
      %mul3A_29 = arith.muli %while3A_27, %mul3A_28 : i32
      %add3A_30 = arith.addi %add3A, %mul3A_29 : i32
      %mul3A_31 = arith.constant 128 : i32
      %mul3A_32 = arith.muli %add3A_30, %mul3A_31 : i32
      "tpu.region"() ({
        %run_scoped3A = tpu.sem_alloc : memref<!tpu.dma_semaphore, #tpu.memory_space<semaphore_mem>>
        %dma_start3A_48 = tpu.memref_slice %arg4[%mul3A_32] : memref<320000xi32, #tpu.memory_space<hbm>> -> memref<128xi32, #tpu.memory_space<hbm>>
        %dma_start3A_49 = tpu.memref_slice %arg4[%mul3A_32] : memref<320000xi32, #tpu.memory_space<hbm>> -> memref<128xi32, #tpu.memory_space<hbm>>
        tpu.enqueue_dma source(%dma_start3A_49 : memref<128xi32, #tpu.memory_space<hbm>>) target(%arg9 : memref<128xi32, #tpu.memory_space<vmem>>) target_semaphore(%run_scoped3A : memref<!tpu.dma_semaphore, #tpu.memory_space<semaphore_mem>>)
        %dma_wait3A_50 = tpu.memref_slice %arg4[%mul3A_32] : memref<320000xi32, #tpu.memory_space<hbm>> -> memref<128xi32, #tpu.memory_space<hbm>>
        %dma_wait3A_51 = tpu.memref_slice %arg4[%mul3A_32] : memref<320000xi32, #tpu.memory_space<hbm>> -> memref<128xi32, #tpu.memory_space<hbm>>
        tpu.wait_dma2 semaphore(%run_scoped3A : memref<!tpu.dma_semaphore, #tpu.memory_space<semaphore_mem>>) src(%dma_wait3A_51 : memref<128xi32, #tpu.memory_space<hbm>>) dst(%arg9 : memref<128xi32, #tpu.memory_space<vmem>>)
        tpu.yield
      }) : () -> ()
      "tpu.region"() ({
        %run_scoped3A = tpu.sem_alloc : memref<!tpu.dma_semaphore, #tpu.memory_space<semaphore_mem>>
        %dma_start3A_48 = tpu.memref_slice %arg6[%mul3A_32] : memref<320000xi32, #tpu.memory_space<hbm>> -> memref<128xi32, #tpu.memory_space<hbm>>
        %dma_start3A_49 = tpu.memref_slice %arg6[%mul3A_32] : memref<320000xi32, #tpu.memory_space<hbm>> -> memref<128xi32, #tpu.memory_space<hbm>>
        tpu.enqueue_dma source(%dma_start3A_49 : memref<128xi32, #tpu.memory_space<hbm>>) target(%arg11 : memref<128xi32, #tpu.memory_space<vmem>>) target_semaphore(%run_scoped3A : memref<!tpu.dma_semaphore, #tpu.memory_space<semaphore_mem>>)
        %dma_wait3A_50 = tpu.memref_slice %arg6[%mul3A_32] : memref<320000xi32, #tpu.memory_space<hbm>> -> memref<128xi32, #tpu.memory_space<hbm>>
        %dma_wait3A_51 = tpu.memref_slice %arg6[%mul3A_32] : memref<320000xi32, #tpu.memory_space<hbm>> -> memref<128xi32, #tpu.memory_space<hbm>>
        tpu.wait_dma2 semaphore(%run_scoped3A : memref<!tpu.dma_semaphore, #tpu.memory_space<semaphore_mem>>) src(%dma_wait3A_51 : memref<128xi32, #tpu.memory_space<hbm>>) dst(%arg11 : memref<128xi32, #tpu.memory_space<vmem>>)
        tpu.yield
      }) : () -> ()
      "tpu.region"() ({
        %run_scoped3A = tpu.sem_alloc : memref<!tpu.dma_semaphore, #tpu.memory_space<semaphore_mem>>
        %dma_start3A_48 = tpu.memref_slice %arg5[%mul3A_32] : memref<320000xi32, #tpu.memory_space<hbm>> -> memref<128xi32, #tpu.memory_space<hbm>>
        %dma_start3A_49 = tpu.memref_slice %arg5[%mul3A_32] : memref<320000xi32, #tpu.memory_space<hbm>> -> memref<128xi32, #tpu.memory_space<hbm>>
        tpu.enqueue_dma source(%dma_start3A_49 : memref<128xi32, #tpu.memory_space<hbm>>) target(%arg10 : memref<128xi32, #tpu.memory_space<vmem>>) target_semaphore(%run_scoped3A : memref<!tpu.dma_semaphore, #tpu.memory_space<semaphore_mem>>)
        %dma_wait3A_50 = tpu.memref_slice %arg5[%mul3A_32] : memref<320000xi32, #tpu.memory_space<hbm>> -> memref<128xi32, #tpu.memory_space<hbm>>
        %dma_wait3A_51 = tpu.memref_slice %arg5[%mul3A_32] : memref<320000xi32, #tpu.memory_space<hbm>> -> memref<128xi32, #tpu.memory_space<hbm>>
        tpu.wait_dma2 semaphore(%run_scoped3A : memref<!tpu.dma_semaphore, #tpu.memory_space<semaphore_mem>>) src(%dma_wait3A_51 : memref<128xi32, #tpu.memory_space<hbm>>) dst(%arg10 : memref<128xi32, #tpu.memory_space<vmem>>)
        tpu.yield
      }) : () -> ()
      %dma_start3A = arith.constant 0 : i32
      %dma_start3A_33 = arith.constant 0 : i32
      %dma_start3A_34 = tpu.memref_slice %arg2[%dma_start3A, %dma_start3A_33] : memref<10000x128xf32, #tpu.memory_space<hbm>> -> memref<10000x128xf32, #tpu.memory_space<hbm>>
      tpu.enqueue_indirect_dma source(%dma_start3A_34 : memref<10000x128xf32, #tpu.memory_space<hbm>>) target(%arg12 : memref<128x128xf32, #tpu.memory_space<vmem>>) offsets(%arg9 : memref<128xi32, #tpu.memory_space<vmem>>) semaphore(%arg15 : memref<!tpu.dma_semaphore, #tpu.memory_space<semaphore_mem>>)
      %dma_wait3A = arith.constant 0 : i32
      %dma_wait3A_35 = arith.constant 0 : i32
      %dma_wait3A_36 = tpu.memref_slice %arg2[%dma_wait3A, %dma_wait3A_35] : memref<10000x128xf32, #tpu.memory_space<hbm>> -> memref<10000x128xf32, #tpu.memory_space<hbm>>
      tpu.wait_indirect_dma semaphore(%arg15 : memref<!tpu.dma_semaphore, #tpu.memory_space<semaphore_mem>>) src(%dma_wait3A_36 : memref<10000x128xf32, #tpu.memory_space<hbm>>) dst(%arg12 : memref<128x128xf32, #tpu.memory_space<vmem>>)
      %dma_start3A_37 = arith.constant 0 : i32
      %dma_start3A_38 = arith.constant 0 : i32
      %dma_start3A_39 = tpu.memref_slice %arg3[%dma_start3A_37, %dma_start3A_38] : memref<4096x128xf32, #tpu.memory_space<hbm>> -> memref<4096x128xf32, #tpu.memory_space<hbm>>
      tpu.enqueue_indirect_dma source(%dma_start3A_39 : memref<4096x128xf32, #tpu.memory_space<hbm>>) target(%arg13 : memref<128x128xf32, #tpu.memory_space<vmem>>) offsets(%arg11 : memref<128xi32, #tpu.memory_space<vmem>>) semaphore(%arg16 : memref<!tpu.dma_semaphore, #tpu.memory_space<semaphore_mem>>)
      %dma_wait3A_40 = arith.constant 0 : i32
      %dma_wait3A_41 = arith.constant 0 : i32
      %dma_wait3A_42 = tpu.memref_slice %arg3[%dma_wait3A_40, %dma_wait3A_41] : memref<4096x128xf32, #tpu.memory_space<hbm>> -> memref<4096x128xf32, #tpu.memory_space<hbm>>
      tpu.wait_indirect_dma semaphore(%arg16 : memref<!tpu.dma_semaphore, #tpu.memory_space<semaphore_mem>>) src(%dma_wait3A_42 : memref<4096x128xf32, #tpu.memory_space<hbm>>) dst(%arg13 : memref<128x128xf32, #tpu.memory_space<vmem>>)
      %scan3A = arith.constant 0 : i32
      %scan3A_43 = arith.constant 0 : i32
      %scan3A_44 = arith.constant 128 : i32
      %scan3A_45 = arith.addi %scan3A_43, %scan3A_44 : i32
      %scan3A_46 = arith.constant 1 : i32
      scf.for %scan3A_48 = %scan3A_43 to %scan3A_45 step %scan3A_46  : i32 {
        %get3A = arith.index_cast %scan3A_48 : i32 to index
        %get3A_49 = arith.constant 0 : index
        %get3A_50 = tpu.vector_load %arg12[%get3A, %get3A_49] {strides = array<i32>} : memref<128x128xf32, #tpu.memory_space<vmem>>, vector<1x16xf32>,
        %get3A_51 = vector.shape_cast %get3A_50 : vector<1x16xf32> to vector<16xf32>
        %get3A_52 = arith.index_cast %scan3A_48 : i32 to index
        %get3A_53 = arith.constant 0 : index
        %get3A_54 = tpu.vector_load %arg13[%get3A_52, %get3A_53] {strides = array<i32>} : memref<128x128xf32, #tpu.memory_space<vmem>>, vector<1x16xf32>,
        %get3A_55 = vector.shape_cast %get3A_54 : vector<1x16xf32> to vector<16xf32>
        %add3A_56 = arith.addf %get3A_51, %get3A_55 : vector<16xf32>
        %max3A = arith.constant 0.000000e+00 : f32
        %max3A_57 = vector.broadcast %max3A : f32 to vector<16xf32>
        %max3A_58 = arith.maximumf %add3A_56, %max3A_57 : vector<16xf32>
        %swap3A = arith.index_cast %scan3A_48 : i32 to index
        %swap3A_59 = arith.constant 0 : index
        %swap3A_60 = tpu.vector_load %arg12[%swap3A, %swap3A_59] {strides = array<i32>} : memref<128x128xf32, #tpu.memory_space<vmem>>, vector<1x16xf32>,
        %swap3A_61 = vector.shape_cast %swap3A_60 : vector<1x16xf32> to vector<16xf32>
        %swap3A_62 = vector.shape_cast %max3A_58 : vector<16xf32> to vector<1x16xf32>
        tpu.vector_store %arg12[%swap3A, %swap3A_59], %swap3A_62 {strides = array<i32>} : memref<128x128xf32, #tpu.memory_space<vmem>>, vector<1x16xf32>,
        %get3A_63 = arith.index_cast %scan3A_48 : i32 to index
        %get3A_64 = arith.constant 16 : index
        %get3A_65 = tpu.vector_load %arg12[%get3A_63, %get3A_64] {strides = array<i32>} : memref<128x128xf32, #tpu.memory_space<vmem>>, vector<1x16xf32>,
        %get3A_66 = vector.shape_cast %get3A_65 : vector<1x16xf32> to vector<16xf32>
        %get3A_67 = arith.index_cast %scan3A_48 : i32 to index
        %get3A_68 = arith.constant 16 : index
        %get3A_69 = tpu.vector_load %arg13[%get3A_67, %get3A_68] {strides = array<i32>} : memref<128x128xf32, #tpu.memory_space<vmem>>, vector<1x16xf32>,
        %get3A_70 = vector.shape_cast %get3A_69 : vector<1x16xf32> to vector<16xf32>
        %add3A_71 = arith.addf %get3A_66, %get3A_70 : vector<16xf32>
        %max3A_72 = arith.constant 0.000000e+00 : f32
        %max3A_73 = vector.broadcast %max3A_72 : f32 to vector<16xf32>
        %max3A_74 = arith.maximumf %add3A_71, %max3A_73 : vector<16xf32>
        %swap3A_75 = arith.index_cast %scan3A_48 : i32 to index
        %swap3A_76 = arith.constant 16 : index
        %swap3A_77 = tpu.vector_load %arg12[%swap3A_75, %swap3A_76] {strides = array<i32>} : memref<128x128xf32, #tpu.memory_space<vmem>>, vector<1x16xf32>,
        %swap3A_78 = vector.shape_cast %swap3A_77 : vector<1x16xf32> to vector<16xf32>
        %swap3A_79 = vector.shape_cast %max3A_74 : vector<16xf32> to vector<1x16xf32>
        tpu.vector_store %arg12[%swap3A_75, %swap3A_76], %swap3A_79 {strides = array<i32>} : memref<128x128xf32, #tpu.memory_space<vmem>>, vector<1x16xf32>,
        %get3A_80 = arith.index_cast %scan3A_48 : i32 to index
        %get3A_81 = arith.constant 32 : index
        %get3A_82 = tpu.vector_load %arg12[%get3A_80, %get3A_81] {strides = array<i32>} : memref<128x128xf32, #tpu.memory_space<vmem>>, vector<1x16xf32>,
        %get3A_83 = vector.shape_cast %get3A_82 : vector<1x16xf32> to vector<16xf32>
        %get3A_84 = arith.index_cast %scan3A_48 : i32 to index
        %get3A_85 = arith.constant 32 : index
        %get3A_86 = tpu.vector_load %arg13[%get3A_84, %get3A_85] {strides = array<i32>} : memref<128x128xf32, #tpu.memory_space<vmem>>, vector<1x16xf32>,
        %get3A_87 = vector.shape_cast %get3A_86 : vector<1x16xf32> to vector<16xf32>
        %add3A_88 = arith.addf %get3A_83, %get3A_87 : vector<16xf32>
        %max3A_89 = arith.constant 0.000000e+00 : f32
        %max3A_90 = vector.broadcast %max3A_89 : f32 to vector<16xf32>
        %max3A_91 = arith.maximumf %add3A_88, %max3A_90 : vector<16xf32>
        %swap3A_92 = arith.index_cast %scan3A_48 : i32 to index
        %swap3A_93 = arith.constant 32 : index
        %swap3A_94 = tpu.vector_load %arg12[%swap3A_92, %swap3A_93] {strides = array<i32>} : memref<128x128xf32, #tpu.memory_space<vmem>>, vector<1x16xf32>,
        %swap3A_95 = vector.shape_cast %swap3A_94 : vector<1x16xf32> to vector<16xf32>
        %swap3A_96 = vector.shape_cast %max3A_91 : vector<16xf32> to vector<1x16xf32>
        tpu.vector_store %arg12[%swap3A_92, %swap3A_93], %swap3A_96 {strides = array<i32>} : memref<128x128xf32, #tpu.memory_space<vmem>>, vector<1x16xf32>,
        %get3A_97 = arith.index_cast %scan3A_48 : i32 to index
        %get3A_98 = arith.constant 48 : index
        %get3A_99 = tpu.vector_load %arg12[%get3A_97, %get3A_98] {strides = array<i32>} : memref<128x128xf32, #tpu.memory_space<vmem>>, vector<1x16xf32>,
        %get3A_100 = vector.shape_cast %get3A_99 : vector<1x16xf32> to vector<16xf32>
        %get3A_101 = arith.index_cast %scan3A_48 : i32 to index
        %get3A_102 = arith.constant 48 : index
        %get3A_103 = tpu.vector_load %arg13[%get3A_101, %get3A_102] {strides = array<i32>} : memref<128x128xf32, #tpu.memory_space<vmem>>, vector<1x16xf32>,
        %get3A_104 = vector.shape_cast %get3A_103 : vector<1x16xf32> to vector<16xf32>
        %add3A_105 = arith.addf %get3A_100, %get3A_104 : vector<16xf32>
        %max3A_106 = arith.constant 0.000000e+00 : f32
        %max3A_107 = vector.broadcast %max3A_106 : f32 to vector<16xf32>
        %max3A_108 = arith.maximumf %add3A_105, %max3A_107 : vector<16xf32>
        %swap3A_109 = arith.index_cast %scan3A_48 : i32 to index
        %swap3A_110 = arith.constant 48 : index
        %swap3A_111 = tpu.vector_load %arg12[%swap3A_109, %swap3A_110] {strides = array<i32>} : memref<128x128xf32, #tpu.memory_space<vmem>>, vector<1x16xf32>,
        %swap3A_112 = vector.shape_cast %swap3A_111 : vector<1x16xf32> to vector<16xf32>
        %swap3A_113 = vector.shape_cast %max3A_108 : vector<16xf32> to vector<1x16xf32>
        tpu.vector_store %arg12[%swap3A_109, %swap3A_110], %swap3A_113 {strides = array<i32>} : memref<128x128xf32, #tpu.memory_space<vmem>>, vector<1x16xf32>,
        %get3A_114 = arith.index_cast %scan3A_48 : i32 to index
        %get3A_115 = arith.constant 64 : index
        %get3A_116 = tpu.vector_load %arg12[%get3A_114, %get3A_115] {strides = array<i32>} : memref<128x128xf32, #tpu.memory_space<vmem>>, vector<1x16xf32>,
        %get3A_117 = vector.shape_cast %get3A_116 : vector<1x16xf32> to vector<16xf32>
        %get3A_118 = arith.index_cast %scan3A_48 : i32 to index
        %get3A_119 = arith.constant 64 : index
        %get3A_120 = tpu.vector_load %arg13[%get3A_118, %get3A_119] {strides = array<i32>} : memref<128x128xf32, #tpu.memory_space<vmem>>, vector<1x16xf32>,
        %get3A_121 = vector.shape_cast %get3A_120 : vector<1x16xf32> to vector<16xf32>
        %add3A_122 = arith.addf %get3A_117, %get3A_121 : vector<16xf32>
        %max3A_123 = arith.constant 0.000000e+00 : f32
        %max3A_124 = vector.broadcast %max3A_123 : f32 to vector<16xf32>
        %max3A_125 = arith.maximumf %add3A_122, %max3A_124 : vector<16xf32>
        %swap3A_126 = arith.index_cast %scan3A_48 : i32 to index
        %swap3A_127 = arith.constant 64 : index
        %swap3A_128 = tpu.vector_load %arg12[%swap3A_126, %swap3A_127] {strides = array<i32>} : memref<128x128xf32, #tpu.memory_space<vmem>>, vector<1x16xf32>,
        %swap3A_129 = vector.shape_cast %swap3A_128 : vector<1x16xf32> to vector<16xf32>
        %swap3A_130 = vector.shape_cast %max3A_125 : vector<16xf32> to vector<1x16xf32>
        tpu.vector_store %arg12[%swap3A_126, %swap3A_127], %swap3A_130 {strides = array<i32>} : memref<128x128xf32, #tpu.memory_space<vmem>>, vector<1x16xf32>,
        %get3A_131 = arith.index_cast %scan3A_48 : i32 to index
        %get3A_132 = arith.constant 80 : index
        %get3A_133 = tpu.vector_load %arg12[%get3A_131, %get3A_132] {strides = array<i32>} : memref<128x128xf32, #tpu.memory_space<vmem>>, vector<1x16xf32>,
        %get3A_134 = vector.shape_cast %get3A_133 : vector<1x16xf32> to vector<16xf32>
        %get3A_135 = arith.index_cast %scan3A_48 : i32 to index
        %get3A_136 = arith.constant 80 : index
        %get3A_137 = tpu.vector_load %arg13[%get3A_135, %get3A_136] {strides = array<i32>} : memref<128x128xf32, #tpu.memory_space<vmem>>, vector<1x16xf32>,
        %get3A_138 = vector.shape_cast %get3A_137 : vector<1x16xf32> to vector<16xf32>
        %add3A_139 = arith.addf %get3A_134, %get3A_138 : vector<16xf32>
        %max3A_140 = arith.constant 0.000000e+00 : f32
        %max3A_141 = vector.broadcast %max3A_140 : f32 to vector<16xf32>
        %max3A_142 = arith.maximumf %add3A_139, %max3A_141 : vector<16xf32>
        %swap3A_143 = arith.index_cast %scan3A_48 : i32 to index
        %swap3A_144 = arith.constant 80 : index
        %swap3A_145 = tpu.vector_load %arg12[%swap3A_143, %swap3A_144] {strides = array<i32>} : memref<128x128xf32, #tpu.memory_space<vmem>>, vector<1x16xf32>,
        %swap3A_146 = vector.shape_cast %swap3A_145 : vector<1x16xf32> to vector<16xf32>
        %swap3A_147 = vector.shape_cast %max3A_142 : vector<16xf32> to vector<1x16xf32>
        tpu.vector_store %arg12[%swap3A_143, %swap3A_144], %swap3A_147 {strides = array<i32>} : memref<128x128xf32, #tpu.memory_space<vmem>>, vector<1x16xf32>,
        %get3A_148 = arith.index_cast %scan3A_48 : i32 to index
        %get3A_149 = arith.constant 96 : index
        %get3A_150 = tpu.vector_load %arg12[%get3A_148, %get3A_149] {strides = array<i32>} : memref<128x128xf32, #tpu.memory_space<vmem>>, vector<1x16xf32>,
        %get3A_151 = vector.shape_cast %get3A_150 : vector<1x16xf32> to vector<16xf32>
        %get3A_152 = arith.index_cast %scan3A_48 : i32 to index
        %get3A_153 = arith.constant 96 : index
        %get3A_154 = tpu.vector_load %arg13[%get3A_152, %get3A_153] {strides = array<i32>} : memref<128x128xf32, #tpu.memory_space<vmem>>, vector<1x16xf32>,
        %get3A_155 = vector.shape_cast %get3A_154 : vector<1x16xf32> to vector<16xf32>
        %add3A_156 = arith.addf %get3A_151, %get3A_155 : vector<16xf32>
        %max3A_157 = arith.constant 0.000000e+00 : f32
        %max3A_158 = vector.broadcast %max3A_157 : f32 to vector<16xf32>
        %max3A_159 = arith.maximumf %add3A_156, %max3A_158 : vector<16xf32>
        %swap3A_160 = arith.index_cast %scan3A_48 : i32 to index
        %swap3A_161 = arith.constant 96 : index
        %swap3A_162 = tpu.vector_load %arg12[%swap3A_160, %swap3A_161] {strides = array<i32>} : memref<128x128xf32, #tpu.memory_space<vmem>>, vector<1x16xf32>,
        %swap3A_163 = vector.shape_cast %swap3A_162 : vector<1x16xf32> to vector<16xf32>
        %swap3A_164 = vector.shape_cast %max3A_159 : vector<16xf32> to vector<1x16xf32>
        tpu.vector_store %arg12[%swap3A_160, %swap3A_161], %swap3A_164 {strides = array<i32>} : memref<128x128xf32, #tpu.memory_space<vmem>>, vector<1x16xf32>,
        %get3A_165 = arith.index_cast %scan3A_48 : i32 to index
        %get3A_166 = arith.constant 112 : index
        %get3A_167 = tpu.vector_load %arg12[%get3A_165, %get3A_166] {strides = array<i32>} : memref<128x128xf32, #tpu.memory_space<vmem>>, vector<1x16xf32>,
        %get3A_168 = vector.shape_cast %get3A_167 : vector<1x16xf32> to vector<16xf32>
        %get3A_169 = arith.index_cast %scan3A_48 : i32 to index
        %get3A_170 = arith.constant 112 : index
        %get3A_171 = tpu.vector_load %arg13[%get3A_169, %get3A_170] {strides = array<i32>} : memref<128x128xf32, #tpu.memory_space<vmem>>, vector<1x16xf32>,
        %get3A_172 = vector.shape_cast %get3A_171 : vector<1x16xf32> to vector<16xf32>
        %add3A_173 = arith.addf %get3A_168, %get3A_172 : vector<16xf32>
        %max3A_174 = arith.constant 0.000000e+00 : f32
        %max3A_175 = vector.broadcast %max3A_174 : f32 to vector<16xf32>
        %max3A_176 = arith.maximumf %add3A_173, %max3A_175 : vector<16xf32>
        %swap3A_177 = arith.index_cast %scan3A_48 : i32 to index
        %swap3A_178 = arith.constant 112 : index
        %swap3A_179 = tpu.vector_load %arg12[%swap3A_177, %swap3A_178] {strides = array<i32>} : memref<128x128xf32, #tpu.memory_space<vmem>>, vector<1x16xf32>,
        %swap3A_180 = vector.shape_cast %swap3A_179 : vector<1x16xf32> to vector<16xf32>
        %swap3A_181 = vector.shape_cast %max3A_176 : vector<16xf32> to vector<1x16xf32>
        tpu.vector_store %arg12[%swap3A_177, %swap3A_178], %swap3A_181 {strides = array<i32>} : memref<128x128xf32, #tpu.memory_space<vmem>>, vector<1x16xf32>,
      }
      %scan3A_47 = arith.constant 128 : i32
      "tpu.region"() ({
        %run_scoped3A = tpu.sem_alloc : memref<!tpu.dma_semaphore, #tpu.memory_space<semaphore_mem>>
        %dma_start3A_48 = arith.constant 0 : i32
        %dma_start3A_49 = arith.constant 0 : i32
        %dma_start3A_50 = tpu.memref_slice %arg14[%dma_start3A_48, %dma_start3A_49] : memref<10000x128xf32, #tpu.memory_space<vmem_shared>> -> memref<10000x128xf32, #tpu.memory_space<vmem_shared>>
        tpu.enqueue_indirect_dma source(%arg12 : memref<128x128xf32, #tpu.memory_space<vmem>>) target(%dma_start3A_50 : memref<10000x128xf32, #tpu.memory_space<vmem_shared>>) offsets(%arg10 : memref<128xi32, #tpu.memory_space<vmem>>) semaphore(%run_scoped3A : memref<!tpu.dma_semaphore, #tpu.memory_space<semaphore_mem>>) {add = true}
        %dma_wait3A_51 = arith.constant 0 : i32
        %dma_wait3A_52 = arith.constant 0 : i32
        %dma_wait3A_53 = tpu.memref_slice %arg14[%dma_wait3A_51, %dma_wait3A_52] : memref<10000x128xf32, #tpu.memory_space<vmem_shared>> -> memref<10000x128xf32, #tpu.memory_space<vmem_shared>>
        tpu.wait_indirect_dma semaphore(%run_scoped3A : memref<!tpu.dma_semaphore, #tpu.memory_space<semaphore_mem>>) src(%arg12 : memref<128x128xf32, #tpu.memory_space<vmem>>) dst(%dma_wait3A_53 : memref<10000x128xf32, #tpu.memory_space<vmem_shared>>)
        tpu.yield
      }) : () -> ()
    }
    %barrier3A_18 = arith.constant 0 : index
    tpu.barrier barrier_id(%barrier3A_18)
    %mul3A_19 = arith.constant 10000 : i32
    %mul3A_20 = arith.muli %arg0, %mul3A_19 : i32
    %add3A_21 = arith.addi %mul3A_20, %mul3A_2 : i32
    "tpu.region"() ({
      %run_scoped3A = tpu.sem_alloc : memref<!tpu.dma_semaphore, #tpu.memory_space<semaphore_mem>>
      %dma_start3A = arith.constant 0 : i32
      %dma_start3A_27 = tpu.memref_slice %arg8[%add3A_21, %dma_start3A] : memref<20000x128xf32, #tpu.memory_space<hbm>> -> memref<624x128xf32, #tpu.memory_space<hbm>>
      %dma_start3A_28 = arith.constant 0 : i32
      %dma_start3A_29 = tpu.memref_slice %arg14[%mul3A_2, %dma_start3A_28] : memref<10000x128xf32, #tpu.memory_space<vmem_shared>> -> memref<624x128xf32, #tpu.memory_space<vmem_shared>>
      tpu.enqueue_dma source(%dma_start3A_29 : memref<624x128xf32, #tpu.memory_space<vmem_shared>>) target(%dma_start3A_27 : memref<624x128xf32, #tpu.memory_space<hbm>>) target_semaphore(%run_scoped3A : memref<!tpu.dma_semaphore, #tpu.memory_space<semaphore_mem>>)
      %dma_wait3A = arith.constant 0 : i32
      %dma_wait3A_30 = tpu.memref_slice %arg8[%add3A_21, %dma_wait3A] : memref<20000x128xf32, #tpu.memory_space<hbm>> -> memref<624x128xf32, #tpu.memory_space<hbm>>
      %dma_wait3A_31 = arith.constant 0 : i32
      %dma_wait3A_32 = tpu.memref_slice %arg14[%mul3A_2, %dma_wait3A_31] : memref<10000x128xf32, #tpu.memory_space<vmem_shared>> -> memref<624x128xf32, #tpu.memory_space<vmem_shared>>
      tpu.wait_dma2 semaphore(%run_scoped3A : memref<!tpu.dma_semaphore, #tpu.memory_space<semaphore_mem>>) src(%dma_wait3A_32 : memref<624x128xf32, #tpu.memory_space<vmem_shared>>) dst(%dma_wait3A_30 : memref<624x128xf32, #tpu.memory_space<hbm>>)
      tpu.yield
    }) : () -> ()
    %eq3A_22 = arith.constant 15 : i32
    %eq3A_23 = arith.cmpi eq, %arg1, %eq3A_22 : i32
    %convert_element_type3A_24 = arith.extui %eq3A_23 : i1 to i32
    %cond3A_25 = arith.constant 0 : i32
    %cond3A_26 = arith.cmpi ne, %convert_element_type3A_24, %cond3A_25 : i32
    scf.if %cond3A_26 {
      %mul3A_27 = arith.constant 10000 : i32
      %mul3A_28 = arith.muli %arg0, %mul3A_27 : i32
      %add3A_29 = arith.constant 9984 : i32
      %add3A_30 = arith.addi %mul3A_28, %add3A_29 : i32
      "tpu.region"() ({
        %run_scoped3A = tpu.sem_alloc : memref<!tpu.dma_semaphore, #tpu.memory_space<semaphore_mem>>
        %dma_start3A = arith.constant 0 : i32
        %dma_start3A_31 = tpu.memref_slice %arg8[%add3A_30, %dma_start3A] : memref<20000x128xf32, #tpu.memory_space<hbm>> -> memref<16x128xf32, #tpu.memory_space<hbm>>
        %dma_start3A_32 = arith.constant 9984 : i32
        %dma_start3A_33 = arith.constant 0 : i32
        %dma_start3A_34 = tpu.memref_slice %arg14[%dma_start3A_32, %dma_start3A_33] : memref<10000x128xf32, #tpu.memory_space<vmem_shared>> -> memref<16x128xf32, #tpu.memory_space<vmem_shared>>
        tpu.enqueue_dma source(%dma_start3A_34 : memref<16x128xf32, #tpu.memory_space<vmem_shared>>) target(%dma_start3A_31 : memref<16x128xf32, #tpu.memory_space<hbm>>) target_semaphore(%run_scoped3A : memref<!tpu.dma_semaphore, #tpu.memory_space<semaphore_mem>>)
        %dma_wait3A = arith.constant 0 : i32
        %dma_wait3A_35 = tpu.memref_slice %arg8[%add3A_30, %dma_wait3A] : memref<20000x128xf32, #tpu.memory_space<hbm>> -> memref<16x128xf32, #tpu.memory_space<hbm>>
        %dma_wait3A_36 = arith.constant 9984 : i32
        %dma_wait3A_37 = arith.constant 0 : i32
        %dma_wait3A_38 = tpu.memref_slice %arg14[%dma_wait3A_36, %dma_wait3A_37] : memref<10000x128xf32, #tpu.memory_space<vmem_shared>> -> memref<16x128xf32, #tpu.memory_space<vmem_shared>>
        tpu.wait_dma2 semaphore(%run_scoped3A : memref<!tpu.dma_semaphore, #tpu.memory_space<semaphore_mem>>) src(%dma_wait3A_38 : memref<16x128xf32, #tpu.memory_space<vmem_shared>>) dst(%dma_wait3A_35 : memref<16x128xf32, #tpu.memory_space<hbm>>)
        tpu.yield
      }) : () -> ()
    } else {
    }
    return
  }
}

module attributes {stable_mosaic.version = 14 : i64} {
  func.func @_fidx_body(%arg0: i32, %arg1: memref<3x2500x128xi32, #tpu.memory_space<vmem>>, %arg2: memref<2500x128xi32, #tpu.memory_space<vmem>>) attributes {dimension_semantics = [#tpu.dimension_semantics<arbitrary>], iteration_bounds = array<i64: 1>, scalar_prefetch = 0 : i64, scratch_operands = 0 : i64, tpu.core_type = #tpu.core_type<tc>, window_params = [{transform_indices = @transform_0, window_bounds = array<i64: 3, 2500, 128>}, {transform_indices = @transform_1, window_bounds = array<i64: 2500, 128>}]} {
    %get3A = arith.constant 0 : index
    %get3A_0 = arith.constant 0 : index
    %get3A_1 = arith.constant 0 : index
    %get3A_2 = vector.load %arg1[%get3A, %get3A_0, %get3A_1] : memref<3x2500x128xi32, #tpu.memory_space<vmem>>, vector<3x2500x128xi32>
    %slice3A = vector.extract_strided_slice %get3A_2 {offsets = [0, 0, 0], sizes = [1, 2500, 128], strides = [1, 1, 1]} : vector<3x2500x128xi32> to vector<1x2500x128xi32>
    %squeeze3A = vector.shape_cast %slice3A : vector<1x2500x128xi32> to vector<2500x128xi32>
    %mul3A = arith.constant 256 : i32
    %mul3A_3 = vector.broadcast %mul3A : i32 to vector<2500x128xi32>
    %mul3A_4 = arith.muli %squeeze3A, %mul3A_3 : vector<2500x128xi32>
    %slice3A_5 = vector.extract_strided_slice %get3A_2 {offsets = [1, 0, 0], sizes = [1, 2500, 128], strides = [1, 1, 1]} : vector<3x2500x128xi32> to vector<1x2500x128xi32>
    %squeeze3A_6 = vector.shape_cast %slice3A_5 : vector<1x2500x128xi32> to vector<2500x128xi32>
    %mul3A_7 = arith.constant 16 : i32
    %mul3A_8 = vector.broadcast %mul3A_7 : i32 to vector<2500x128xi32>
    %mul3A_9 = arith.muli %squeeze3A_6, %mul3A_8 : vector<2500x128xi32>
    %add3A = arith.addi %mul3A_4, %mul3A_9 : vector<2500x128xi32>
    %slice3A_10 = vector.extract_strided_slice %get3A_2 {offsets = [2, 0, 0], sizes = [1, 2500, 128], strides = [1, 1, 1]} : vector<3x2500x128xi32> to vector<1x2500x128xi32>
    %squeeze3A_11 = vector.shape_cast %slice3A_10 : vector<1x2500x128xi32> to vector<2500x128xi32>
    %add3A_12 = arith.addi %add3A, %squeeze3A_11 : vector<2500x128xi32>
    %swap3A = arith.constant 0 : index
    %swap3A_13 = arith.constant 0 : index
    %swap3A_14 = vector.load %arg2[%swap3A, %swap3A_13] : memref<2500x128xi32, #tpu.memory_space<vmem>>, vector<2500x128xi32>
    tpu.vector_store %arg2[%swap3A, %swap3A_13], %add3A_12 {strides = array<i32>} : memref<2500x128xi32, #tpu.memory_space<vmem>>, vector<2500x128xi32>,
    return
  }
  func.func @transform_0(%arg0: i32) -> (i32, i32, i32) {
    %c0_i32 = arith.constant 0 : i32
    %c0_i32_0 = arith.constant 0 : i32
    %c0_i32_1 = arith.constant 0 : i32
    return %c0_i32, %arg0, %c0_i32_0 : i32, i32, i32
  }
  func.func @transform_1(%arg0: i32) -> (i32, i32) {
    %c0_i32 = arith.constant 0 : i32
    %c0_i32_0 = arith.constant 0 : i32
    return %arg0, %c0_i32 : i32, i32
  }
}

module attributes {stable_mosaic.version = 14 : i64} {
  func.func @_prep_body(%arg0: i32, %arg1: memref<2000x9xi32, #tpu.memory_space<vmem>>, %arg2: memref<9x128x128xf32, #tpu.memory_space<vmem>>, %arg3: memref<1x128xf32, #tpu.memory_space<vmem>>, %arg4: memref<3x16x128xf32, #tpu.memory_space<vmem>>, %arg5: memref<2000x128xf32, #tpu.memory_space<vmem>>, %arg6: memref<4096x128xf32, #tpu.memory_space<vmem>>) attributes {dimension_semantics = [#tpu.dimension_semantics<arbitrary>], iteration_bounds = array<i64: 5>, scalar_prefetch = 0 : i64, scratch_operands = 0 : i64, tpu.core_type = #tpu.core_type<tc>, window_params = [{transform_indices = @transform_0, window_bounds = array<i64: 2000, 9>}, {pipeline_mode = #tpu.pipeline_mode<synchronous>, transform_indices = @transform_1, window_bounds = array<i64: 9, 128, 128>}, {pipeline_mode = #tpu.pipeline_mode<synchronous>, transform_indices = @transform_2, window_bounds = array<i64: 1, 128>}, {pipeline_mode = #tpu.pipeline_mode<synchronous>, transform_indices = @transform_3, window_bounds = array<i64: 3, 16, 128>}, {transform_indices = @transform_4, window_bounds = array<i64: 2000, 128>}, {pipeline_mode = #tpu.pipeline_mode<synchronous>, transform_indices = @transform_5, window_bounds = array<i64: 4096, 128>}]} {
    %iota3A = tpu.iota {dimensions = array<i32: 1>} : vector<2000x128xi32>
    %broadcast_in_dim3A = arith.constant 0.000000e+00 : f32
    %broadcast_in_dim3A_0 = vector.broadcast %broadcast_in_dim3A : f32 to vector<2000x128xf32>
    %get3A = arith.constant 0 : index
    %get3A_1 = arith.constant 0 : index
    %get3A_2 = vector.load %arg1[%get3A, %get3A_1] : memref<2000x9xi32, #tpu.memory_space<vmem>>, vector<2000x1xi32>
    %eq3A = vector.broadcast %get3A_2 : vector<2000x1xi32> to vector<2000x128xi32>
    %eq3A_3 = arith.cmpi eq, %eq3A, %iota3A : vector<2000x128xi32>
    %convert_element_type3A = arith.extui %eq3A_3 : vector<2000x128xi1> to vector<2000x128xi32>
    %convert_element_type3A_4 = arith.sitofp %convert_element_type3A : vector<2000x128xi32> to vector<2000x128xf32>
    %get3A_5 = arith.constant 0 : index
    %get3A_6 = arith.constant 0 : index
    %get3A_7 = arith.constant 0 : index
    %get3A_8 = vector.load %arg2[%get3A_5, %get3A_6, %get3A_7] : memref<9x128x128xf32, #tpu.memory_space<vmem>>, vector<1x128x128xf32>
    %get3A_9 = vector.shape_cast %get3A_8 : vector<1x128x128xf32> to vector<128x128xf32>
    %dot_general3A = arith.constant dense<0.000000e+00> : vector<2000x128xf32>
    %dot_general3A_10 = tpu.matmul %convert_element_type3A_4, %get3A_9, %dot_general3A {dimension_numbers = #tpu.dot_dimension_numbers<[1], [0], [0], [1], [0, 0, 1, 1], [], []>, transpose_lhs_hint = false} : vector<2000x128xf32>, vector<128x128xf32>, vector<2000x128xf32> -> vector<2000x128xf32>
    %add3A = arith.addf %broadcast_in_dim3A_0, %dot_general3A_10 : vector<2000x128xf32>
    %get3A_11 = arith.constant 0 : index
    %get3A_12 = arith.constant 1 : index
    %get3A_13 = vector.load %arg1[%get3A_11, %get3A_12] : memref<2000x9xi32, #tpu.memory_space<vmem>>, vector<2000x1xi32>
    %eq3A_14 = vector.broadcast %get3A_13 : vector<2000x1xi32> to vector<2000x128xi32>
    %eq3A_15 = arith.cmpi eq, %eq3A_14, %iota3A : vector<2000x128xi32>
    %convert_element_type3A_16 = arith.extui %eq3A_15 : vector<2000x128xi1> to vector<2000x128xi32>
    %convert_element_type3A_17 = arith.sitofp %convert_element_type3A_16 : vector<2000x128xi32> to vector<2000x128xf32>
    %get3A_18 = arith.constant 1 : index
    %get3A_19 = arith.constant 0 : index
    %get3A_20 = arith.constant 0 : index
    %get3A_21 = vector.load %arg2[%get3A_18, %get3A_19, %get3A_20] : memref<9x128x128xf32, #tpu.memory_space<vmem>>, vector<1x128x128xf32>
    %get3A_22 = vector.shape_cast %get3A_21 : vector<1x128x128xf32> to vector<128x128xf32>
    %dot_general3A_23 = arith.constant dense<0.000000e+00> : vector<2000x128xf32>
    %dot_general3A_24 = tpu.matmul %convert_element_type3A_17, %get3A_22, %dot_general3A_23 {dimension_numbers = #tpu.dot_dimension_numbers<[1], [0], [0], [1], [0, 0, 1, 1], [], []>, transpose_lhs_hint = false} : vector<2000x128xf32>, vector<128x128xf32>, vector<2000x128xf32> -> vector<2000x128xf32>
    %add3A_25 = arith.addf %add3A, %dot_general3A_24 : vector<2000x128xf32>
    %get3A_26 = arith.constant 0 : index
    %get3A_27 = arith.constant 2 : index
    %get3A_28 = vector.load %arg1[%get3A_26, %get3A_27] : memref<2000x9xi32, #tpu.memory_space<vmem>>, vector<2000x1xi32>
    %eq3A_29 = vector.broadcast %get3A_28 : vector<2000x1xi32> to vector<2000x128xi32>
    %eq3A_30 = arith.cmpi eq, %eq3A_29, %iota3A : vector<2000x128xi32>
    %convert_element_type3A_31 = arith.extui %eq3A_30 : vector<2000x128xi1> to vector<2000x128xi32>
    %convert_element_type3A_32 = arith.sitofp %convert_element_type3A_31 : vector<2000x128xi32> to vector<2000x128xf32>
    %get3A_33 = arith.constant 2 : index
    %get3A_34 = arith.constant 0 : index
    %get3A_35 = arith.constant 0 : index
    %get3A_36 = vector.load %arg2[%get3A_33, %get3A_34, %get3A_35] : memref<9x128x128xf32, #tpu.memory_space<vmem>>, vector<1x128x128xf32>
    %get3A_37 = vector.shape_cast %get3A_36 : vector<1x128x128xf32> to vector<128x128xf32>
    %dot_general3A_38 = arith.constant dense<0.000000e+00> : vector<2000x128xf32>
    %dot_general3A_39 = tpu.matmul %convert_element_type3A_32, %get3A_37, %dot_general3A_38 {dimension_numbers = #tpu.dot_dimension_numbers<[1], [0], [0], [1], [0, 0, 1, 1], [], []>, transpose_lhs_hint = false} : vector<2000x128xf32>, vector<128x128xf32>, vector<2000x128xf32> -> vector<2000x128xf32>
    %add3A_40 = arith.addf %add3A_25, %dot_general3A_39 : vector<2000x128xf32>
    %get3A_41 = arith.constant 0 : index
    %get3A_42 = arith.constant 3 : index
    %get3A_43 = vector.load %arg1[%get3A_41, %get3A_42] : memref<2000x9xi32, #tpu.memory_space<vmem>>, vector<2000x1xi32>
    %eq3A_44 = vector.broadcast %get3A_43 : vector<2000x1xi32> to vector<2000x128xi32>
    %eq3A_45 = arith.cmpi eq, %eq3A_44, %iota3A : vector<2000x128xi32>
    %convert_element_type3A_46 = arith.extui %eq3A_45 : vector<2000x128xi1> to vector<2000x128xi32>
    %convert_element_type3A_47 = arith.sitofp %convert_element_type3A_46 : vector<2000x128xi32> to vector<2000x128xf32>
    %get3A_48 = arith.constant 3 : index
    %get3A_49 = arith.constant 0 : index
    %get3A_50 = arith.constant 0 : index
    %get3A_51 = vector.load %arg2[%get3A_48, %get3A_49, %get3A_50] : memref<9x128x128xf32, #tpu.memory_space<vmem>>, vector<1x128x128xf32>
    %get3A_52 = vector.shape_cast %get3A_51 : vector<1x128x128xf32> to vector<128x128xf32>
    %dot_general3A_53 = arith.constant dense<0.000000e+00> : vector<2000x128xf32>
    %dot_general3A_54 = tpu.matmul %convert_element_type3A_47, %get3A_52, %dot_general3A_53 {dimension_numbers = #tpu.dot_dimension_numbers<[1], [0], [0], [1], [0, 0, 1, 1], [], []>, transpose_lhs_hint = false} : vector<2000x128xf32>, vector<128x128xf32>, vector<2000x128xf32> -> vector<2000x128xf32>
    %add3A_55 = arith.addf %add3A_40, %dot_general3A_54 : vector<2000x128xf32>
    %get3A_56 = arith.constant 0 : index
    %get3A_57 = arith.constant 4 : index
    %get3A_58 = vector.load %arg1[%get3A_56, %get3A_57] : memref<2000x9xi32, #tpu.memory_space<vmem>>, vector<2000x1xi32>
    %eq3A_59 = vector.broadcast %get3A_58 : vector<2000x1xi32> to vector<2000x128xi32>
    %eq3A_60 = arith.cmpi eq, %eq3A_59, %iota3A : vector<2000x128xi32>
    %convert_element_type3A_61 = arith.extui %eq3A_60 : vector<2000x128xi1> to vector<2000x128xi32>
    %convert_element_type3A_62 = arith.sitofp %convert_element_type3A_61 : vector<2000x128xi32> to vector<2000x128xf32>
    %get3A_63 = arith.constant 4 : index
    %get3A_64 = arith.constant 0 : index
    %get3A_65 = arith.constant 0 : index
    %get3A_66 = vector.load %arg2[%get3A_63, %get3A_64, %get3A_65] : memref<9x128x128xf32, #tpu.memory_space<vmem>>, vector<1x128x128xf32>
    %get3A_67 = vector.shape_cast %get3A_66 : vector<1x128x128xf32> to vector<128x128xf32>
    %dot_general3A_68 = arith.constant dense<0.000000e+00> : vector<2000x128xf32>
    %dot_general3A_69 = tpu.matmul %convert_element_type3A_62, %get3A_67, %dot_general3A_68 {dimension_numbers = #tpu.dot_dimension_numbers<[1], [0], [0], [1], [0, 0, 1, 1], [], []>, transpose_lhs_hint = false} : vector<2000x128xf32>, vector<128x128xf32>, vector<2000x128xf32> -> vector<2000x128xf32>
    %add3A_70 = arith.addf %add3A_55, %dot_general3A_69 : vector<2000x128xf32>
    %get3A_71 = arith.constant 0 : index
    %get3A_72 = arith.constant 5 : index
    %get3A_73 = vector.load %arg1[%get3A_71, %get3A_72] : memref<2000x9xi32, #tpu.memory_space<vmem>>, vector<2000x1xi32>
    %eq3A_74 = vector.broadcast %get3A_73 : vector<2000x1xi32> to vector<2000x128xi32>
    %eq3A_75 = arith.cmpi eq, %eq3A_74, %iota3A : vector<2000x128xi32>
    %convert_element_type3A_76 = arith.extui %eq3A_75 : vector<2000x128xi1> to vector<2000x128xi32>
    %convert_element_type3A_77 = arith.sitofp %convert_element_type3A_76 : vector<2000x128xi32> to vector<2000x128xf32>
    %get3A_78 = arith.constant 5 : index
    %get3A_79 = arith.constant 0 : index
    %get3A_80 = arith.constant 0 : index
    %get3A_81 = vector.load %arg2[%get3A_78, %get3A_79, %get3A_80] : memref<9x128x128xf32, #tpu.memory_space<vmem>>, vector<1x128x128xf32>
    %get3A_82 = vector.shape_cast %get3A_81 : vector<1x128x128xf32> to vector<128x128xf32>
    %dot_general3A_83 = arith.constant dense<0.000000e+00> : vector<2000x128xf32>
    %dot_general3A_84 = tpu.matmul %convert_element_type3A_77, %get3A_82, %dot_general3A_83 {dimension_numbers = #tpu.dot_dimension_numbers<[1], [0], [0], [1], [0, 0, 1, 1], [], []>, transpose_lhs_hint = false} : vector<2000x128xf32>, vector<128x128xf32>, vector<2000x128xf32> -> vector<2000x128xf32>
    %add3A_85 = arith.addf %add3A_70, %dot_general3A_84 : vector<2000x128xf32>
    %get3A_86 = arith.constant 0 : index
    %get3A_87 = arith.constant 6 : index
    %get3A_88 = vector.load %arg1[%get3A_86, %get3A_87] : memref<2000x9xi32, #tpu.memory_space<vmem>>, vector<2000x1xi32>
    %eq3A_89 = vector.broadcast %get3A_88 : vector<2000x1xi32> to vector<2000x128xi32>
    %eq3A_90 = arith.cmpi eq, %eq3A_89, %iota3A : vector<2000x128xi32>
    %convert_element_type3A_91 = arith.extui %eq3A_90 : vector<2000x128xi1> to vector<2000x128xi32>
    %convert_element_type3A_92 = arith.sitofp %convert_element_type3A_91 : vector<2000x128xi32> to vector<2000x128xf32>
    %get3A_93 = arith.constant 6 : index
    %get3A_94 = arith.constant 0 : index
    %get3A_95 = arith.constant 0 : index
    %get3A_96 = vector.load %arg2[%get3A_93, %get3A_94, %get3A_95] : memref<9x128x128xf32, #tpu.memory_space<vmem>>, vector<1x128x128xf32>
    %get3A_97 = vector.shape_cast %get3A_96 : vector<1x128x128xf32> to vector<128x128xf32>
    %dot_general3A_98 = arith.constant dense<0.000000e+00> : vector<2000x128xf32>
    %dot_general3A_99 = tpu.matmul %convert_element_type3A_92, %get3A_97, %dot_general3A_98 {dimension_numbers = #tpu.dot_dimension_numbers<[1], [0], [0], [1], [0, 0, 1, 1], [], []>, transpose_lhs_hint = false} : vector<2000x128xf32>, vector<128x128xf32>, vector<2000x128xf32> -> vector<2000x128xf32>
    %add3A_100 = arith.addf %add3A_85, %dot_general3A_99 : vector<2000x128xf32>
    %get3A_101 = arith.constant 0 : index
    %get3A_102 = arith.constant 7 : index
    %get3A_103 = vector.load %arg1[%get3A_101, %get3A_102] : memref<2000x9xi32, #tpu.memory_space<vmem>>, vector<2000x1xi32>
    %eq3A_104 = vector.broadcast %get3A_103 : vector<2000x1xi32> to vector<2000x128xi32>
    %eq3A_105 = arith.cmpi eq, %eq3A_104, %iota3A : vector<2000x128xi32>
    %convert_element_type3A_106 = arith.extui %eq3A_105 : vector<2000x128xi1> to vector<2000x128xi32>
    %convert_element_type3A_107 = arith.sitofp %convert_element_type3A_106 : vector<2000x128xi32> to vector<2000x128xf32>
    %get3A_108 = arith.constant 7 : index
    %get3A_109 = arith.constant 0 : index
    %get3A_110 = arith.constant 0 : index
    %get3A_111 = vector.load %arg2[%get3A_108, %get3A_109, %get3A_110] : memref<9x128x128xf32, #tpu.memory_space<vmem>>, vector<1x128x128xf32>
    %get3A_112 = vector.shape_cast %get3A_111 : vector<1x128x128xf32> to vector<128x128xf32>
    %dot_general3A_113 = arith.constant dense<0.000000e+00> : vector<2000x128xf32>
    %dot_general3A_114 = tpu.matmul %convert_element_type3A_107, %get3A_112, %dot_general3A_113 {dimension_numbers = #tpu.dot_dimension_numbers<[1], [0], [0], [1], [0, 0, 1, 1], [], []>, transpose_lhs_hint = false} : vector<2000x128xf32>, vector<128x128xf32>, vector<2000x128xf32> -> vector<2000x128xf32>
    %add3A_115 = arith.addf %add3A_100, %dot_general3A_114 : vector<2000x128xf32>
    %get3A_116 = arith.constant 0 : index
    %get3A_117 = arith.constant 8 : index
    %get3A_118 = vector.load %arg1[%get3A_116, %get3A_117] : memref<2000x9xi32, #tpu.memory_space<vmem>>, vector<2000x1xi32>
    %eq3A_119 = vector.broadcast %get3A_118 : vector<2000x1xi32> to vector<2000x128xi32>
    %eq3A_120 = arith.cmpi eq, %eq3A_119, %iota3A : vector<2000x128xi32>
    %convert_element_type3A_121 = arith.extui %eq3A_120 : vector<2000x128xi1> to vector<2000x128xi32>
    %convert_element_type3A_122 = arith.sitofp %convert_element_type3A_121 : vector<2000x128xi32> to vector<2000x128xf32>
    %get3A_123 = arith.constant 8 : index
    %get3A_124 = arith.constant 0 : index
    %get3A_125 = arith.constant 0 : index
    %get3A_126 = vector.load %arg2[%get3A_123, %get3A_124, %get3A_125] : memref<9x128x128xf32, #tpu.memory_space<vmem>>, vector<1x128x128xf32>
    %get3A_127 = vector.shape_cast %get3A_126 : vector<1x128x128xf32> to vector<128x128xf32>
    %dot_general3A_128 = arith.constant dense<0.000000e+00> : vector<2000x128xf32>
    %dot_general3A_129 = tpu.matmul %convert_element_type3A_122, %get3A_127, %dot_general3A_128 {dimension_numbers = #tpu.dot_dimension_numbers<[1], [0], [0], [1], [0, 0, 1, 1], [], []>, transpose_lhs_hint = false} : vector<2000x128xf32>, vector<128x128xf32>, vector<2000x128xf32> -> vector<2000x128xf32>
    %add3A_130 = arith.addf %add3A_115, %dot_general3A_129 : vector<2000x128xf32>
    %get3A_131 = arith.constant 0 : index
    %get3A_132 = arith.constant 0 : index
    %get3A_133 = vector.load %arg3[%get3A_131, %get3A_132] : memref<1x128xf32, #tpu.memory_space<vmem>>, vector<1x128xf32>
    %add3A_134 = vector.broadcast %get3A_133 : vector<1x128xf32> to vector<2000x128xf32>
    %add3A_135 = arith.addf %add3A_130, %add3A_134 : vector<2000x128xf32>
    %swap3A = arith.constant 0 : index
    %swap3A_136 = arith.constant 0 : index
    %swap3A_137 = vector.load %arg5[%swap3A, %swap3A_136] : memref<2000x128xf32, #tpu.memory_space<vmem>>, vector<2000x128xf32>
    tpu.vector_store %arg5[%swap3A, %swap3A_136], %add3A_135 {strides = array<i32>} : memref<2000x128xf32, #tpu.memory_space<vmem>>, vector<2000x128xf32>,
    %eq3A_138 = arith.constant 0 : i32
    %eq3A_139 = arith.cmpi eq, %arg0, %eq3A_138 : i32
    %convert_element_type3A_140 = arith.extui %eq3A_139 : i1 to i32
    %cond3A = arith.constant 0 : i32
    %cond3A_141 = arith.cmpi ne, %convert_element_type3A_140, %cond3A : i32
    scf.if %cond3A_141 {
      %get3A_142 = arith.constant 0 : index
      %get3A_143 = arith.constant 0 : index
      %get3A_144 = arith.constant 0 : index
      %get3A_145 = vector.load %arg4[%get3A_142, %get3A_143, %get3A_144] : memref<3x16x128xf32, #tpu.memory_space<vmem>>, vector<1x16x128xf32>
      %get3A_146 = vector.shape_cast %get3A_145 : vector<1x16x128xf32> to vector<16x128xf32>
      %get3A_147 = arith.constant 1 : index
      %get3A_148 = arith.constant 0 : index
      %get3A_149 = arith.constant 0 : index
      %get3A_150 = vector.load %arg4[%get3A_147, %get3A_148, %get3A_149] : memref<3x16x128xf32, #tpu.memory_space<vmem>>, vector<1x16x128xf32>
      %get3A_151 = vector.shape_cast %get3A_150 : vector<1x16x128xf32> to vector<16x128xf32>
      %get3A_152 = arith.constant 2 : index
      %get3A_153 = arith.constant 0 : index
      %get3A_154 = arith.constant 0 : index
      %get3A_155 = vector.load %arg4[%get3A_152, %get3A_153, %get3A_154] : memref<3x16x128xf32, #tpu.memory_space<vmem>>, vector<1x16x128xf32>
      %get3A_156 = vector.shape_cast %get3A_155 : vector<1x16x128xf32> to vector<16x128xf32>
      %broadcast_in_dim3A_157 = vector.shape_cast %get3A_151 : vector<16x128xf32> to vector<16x1x128xf32>
      %broadcast_in_dim3A_158 = vector.shape_cast %get3A_156 : vector<16x128xf32> to vector<1x16x128xf32>
      %add3A_159 = vector.broadcast %broadcast_in_dim3A_157 : vector<16x1x128xf32> to vector<16x16x128xf32>
      %add3A_160 = vector.broadcast %broadcast_in_dim3A_158 : vector<1x16x128xf32> to vector<16x16x128xf32>
      %add3A_161 = arith.addf %add3A_159, %add3A_160 : vector<16x16x128xf32>
      %reshape3A = vector.shape_cast %add3A_161 : vector<16x16x128xf32> to vector<256x128xf32>
      %slice3A = vector.extract_strided_slice %get3A_146 {offsets = [0, 0], sizes = [1, 128], strides = [1, 1]} : vector<16x128xf32> to vector<1x128xf32>
      %squeeze3A = vector.shape_cast %slice3A : vector<1x128xf32> to vector<128xf32>
      %broadcast_in_dim3A_162 = vector.shape_cast %squeeze3A : vector<128xf32> to vector<1x128xf32>
      %add3A_163 = vector.broadcast %broadcast_in_dim3A_162 : vector<1x128xf32> to vector<256x128xf32>
      %add3A_164 = arith.addf %reshape3A, %add3A_163 : vector<256x128xf32>
      %swap3A_165 = arith.constant 0 : index
      %swap3A_166 = arith.constant 0 : index
      %swap3A_167 = vector.load %arg6[%swap3A_165, %swap3A_166] : memref<4096x128xf32, #tpu.memory_space<vmem>>, vector<256x128xf32>
      tpu.vector_store %arg6[%swap3A_165, %swap3A_166], %add3A_164 {strides = array<i32>} : memref<4096x128xf32, #tpu.memory_space<vmem>>, vector<256x128xf32>,
      %slice3A_168 = vector.extract_strided_slice %get3A_146 {offsets = [1, 0], sizes = [1, 128], strides = [1, 1]} : vector<16x128xf32> to vector<1x128xf32>
      %squeeze3A_169 = vector.shape_cast %slice3A_168 : vector<1x128xf32> to vector<128xf32>
      %broadcast_in_dim3A_170 = vector.shape_cast %squeeze3A_169 : vector<128xf32> to vector<1x128xf32>
      %add3A_171 = vector.broadcast %broadcast_in_dim3A_170 : vector<1x128xf32> to vector<256x128xf32>
      %add3A_172 = arith.addf %reshape3A, %add3A_171 : vector<256x128xf32>
      %swap3A_173 = arith.constant 256 : index
      %swap3A_174 = arith.constant 0 : index
      %swap3A_175 = vector.load %arg6[%swap3A_173, %swap3A_174] : memref<4096x128xf32, #tpu.memory_space<vmem>>, vector<256x128xf32>
      tpu.vector_store %arg6[%swap3A_173, %swap3A_174], %add3A_172 {strides = array<i32>} : memref<4096x128xf32, #tpu.memory_space<vmem>>, vector<256x128xf32>,
      %slice3A_176 = vector.extract_strided_slice %get3A_146 {offsets = [2, 0], sizes = [1, 128], strides = [1, 1]} : vector<16x128xf32> to vector<1x128xf32>
      %squeeze3A_177 = vector.shape_cast %slice3A_176 : vector<1x128xf32> to vector<128xf32>
      %broadcast_in_dim3A_178 = vector.shape_cast %squeeze3A_177 : vector<128xf32> to vector<1x128xf32>
      %add3A_179 = vector.broadcast %broadcast_in_dim3A_178 : vector<1x128xf32> to vector<256x128xf32>
      %add3A_180 = arith.addf %reshape3A, %add3A_179 : vector<256x128xf32>
      %swap3A_181 = arith.constant 512 : index
      %swap3A_182 = arith.constant 0 : index
      %swap3A_183 = vector.load %arg6[%swap3A_181, %swap3A_182] : memref<4096x128xf32, #tpu.memory_space<vmem>>, vector<256x128xf32>
      tpu.vector_store %arg6[%swap3A_181, %swap3A_182], %add3A_180 {strides = array<i32>} : memref<4096x128xf32, #tpu.memory_space<vmem>>, vector<256x128xf32>,
      %slice3A_184 = vector.extract_strided_slice %get3A_146 {offsets = [3, 0], sizes = [1, 128], strides = [1, 1]} : vector<16x128xf32> to vector<1x128xf32>
      %squeeze3A_185 = vector.shape_cast %slice3A_184 : vector<1x128xf32> to vector<128xf32>
      %broadcast_in_dim3A_186 = vector.shape_cast %squeeze3A_185 : vector<128xf32> to vector<1x128xf32>
      %add3A_187 = vector.broadcast %broadcast_in_dim3A_186 : vector<1x128xf32> to vector<256x128xf32>
      %add3A_188 = arith.addf %reshape3A, %add3A_187 : vector<256x128xf32>
      %swap3A_189 = arith.constant 768 : index
      %swap3A_190 = arith.constant 0 : index
      %swap3A_191 = vector.load %arg6[%swap3A_189, %swap3A_190] : memref<4096x128xf32, #tpu.memory_space<vmem>>, vector<256x128xf32>
      tpu.vector_store %arg6[%swap3A_189, %swap3A_190], %add3A_188 {strides = array<i32>} : memref<4096x128xf32, #tpu.memory_space<vmem>>, vector<256x128xf32>,
      %slice3A_192 = vector.extract_strided_slice %get3A_146 {offsets = [4, 0], sizes = [1, 128], strides = [1, 1]} : vector<16x128xf32> to vector<1x128xf32>
      %squeeze3A_193 = vector.shape_cast %slice3A_192 : vector<1x128xf32> to vector<128xf32>
      %broadcast_in_dim3A_194 = vector.shape_cast %squeeze3A_193 : vector<128xf32> to vector<1x128xf32>
      %add3A_195 = vector.broadcast %broadcast_in_dim3A_194 : vector<1x128xf32> to vector<256x128xf32>
      %add3A_196 = arith.addf %reshape3A, %add3A_195 : vector<256x128xf32>
      %swap3A_197 = arith.constant 1024 : index
      %swap3A_198 = arith.constant 0 : index
      %swap3A_199 = vector.load %arg6[%swap3A_197, %swap3A_198] : memref<4096x128xf32, #tpu.memory_space<vmem>>, vector<256x128xf32>
      tpu.vector_store %arg6[%swap3A_197, %swap3A_198], %add3A_196 {strides = array<i32>} : memref<4096x128xf32, #tpu.memory_space<vmem>>, vector<256x128xf32>,
      %slice3A_200 = vector.extract_strided_slice %get3A_146 {offsets = [5, 0], sizes = [1, 128], strides = [1, 1]} : vector<16x128xf32> to vector<1x128xf32>
      %squeeze3A_201 = vector.shape_cast %slice3A_200 : vector<1x128xf32> to vector<128xf32>
      %broadcast_in_dim3A_202 = vector.shape_cast %squeeze3A_201 : vector<128xf32> to vector<1x128xf32>
      %add3A_203 = vector.broadcast %broadcast_in_dim3A_202 : vector<1x128xf32> to vector<256x128xf32>
      %add3A_204 = arith.addf %reshape3A, %add3A_203 : vector<256x128xf32>
      %swap3A_205 = arith.constant 1280 : index
      %swap3A_206 = arith.constant 0 : index
      %swap3A_207 = vector.load %arg6[%swap3A_205, %swap3A_206] : memref<4096x128xf32, #tpu.memory_space<vmem>>, vector<256x128xf32>
      tpu.vector_store %arg6[%swap3A_205, %swap3A_206], %add3A_204 {strides = array<i32>} : memref<4096x128xf32, #tpu.memory_space<vmem>>, vector<256x128xf32>,
      %slice3A_208 = vector.extract_strided_slice %get3A_146 {offsets = [6, 0], sizes = [1, 128], strides = [1, 1]} : vector<16x128xf32> to vector<1x128xf32>
      %squeeze3A_209 = vector.shape_cast %slice3A_208 : vector<1x128xf32> to vector<128xf32>
      %broadcast_in_dim3A_210 = vector.shape_cast %squeeze3A_209 : vector<128xf32> to vector<1x128xf32>
      %add3A_211 = vector.broadcast %broadcast_in_dim3A_210 : vector<1x128xf32> to vector<256x128xf32>
      %add3A_212 = arith.addf %reshape3A, %add3A_211 : vector<256x128xf32>
      %swap3A_213 = arith.constant 1536 : index
      %swap3A_214 = arith.constant 0 : index
      %swap3A_215 = vector.load %arg6[%swap3A_213, %swap3A_214] : memref<4096x128xf32, #tpu.memory_space<vmem>>, vector<256x128xf32>
      tpu.vector_store %arg6[%swap3A_213, %swap3A_214], %add3A_212 {strides = array<i32>} : memref<4096x128xf32, #tpu.memory_space<vmem>>, vector<256x128xf32>,
      %slice3A_216 = vector.extract_strided_slice %get3A_146 {offsets = [7, 0], sizes = [1, 128], strides = [1, 1]} : vector<16x128xf32> to vector<1x128xf32>
      %squeeze3A_217 = vector.shape_cast %slice3A_216 : vector<1x128xf32> to vector<128xf32>
      %broadcast_in_dim3A_218 = vector.shape_cast %squeeze3A_217 : vector<128xf32> to vector<1x128xf32>
      %add3A_219 = vector.broadcast %broadcast_in_dim3A_218 : vector<1x128xf32> to vector<256x128xf32>
      %add3A_220 = arith.addf %reshape3A, %add3A_219 : vector<256x128xf32>
      %swap3A_221 = arith.constant 1792 : index
      %swap3A_222 = arith.constant 0 : index
      %swap3A_223 = vector.load %arg6[%swap3A_221, %swap3A_222] : memref<4096x128xf32, #tpu.memory_space<vmem>>, vector<256x128xf32>
      tpu.vector_store %arg6[%swap3A_221, %swap3A_222], %add3A_220 {strides = array<i32>} : memref<4096x128xf32, #tpu.memory_space<vmem>>, vector<256x128xf32>,
      %slice3A_224 = vector.extract_strided_slice %get3A_146 {offsets = [8, 0], sizes = [1, 128], strides = [1, 1]} : vector<16x128xf32> to vector<1x128xf32>
      %squeeze3A_225 = vector.shape_cast %slice3A_224 : vector<1x128xf32> to vector<128xf32>
      %broadcast_in_dim3A_226 = vector.shape_cast %squeeze3A_225 : vector<128xf32> to vector<1x128xf32>
      %add3A_227 = vector.broadcast %broadcast_in_dim3A_226 : vector<1x128xf32> to vector<256x128xf32>
      %add3A_228 = arith.addf %reshape3A, %add3A_227 : vector<256x128xf32>
      %swap3A_229 = arith.constant 2048 : index
      %swap3A_230 = arith.constant 0 : index
      %swap3A_231 = vector.load %arg6[%swap3A_229, %swap3A_230] : memref<4096x128xf32, #tpu.memory_space<vmem>>, vector<256x128xf32>
      tpu.vector_store %arg6[%swap3A_229, %swap3A_230], %add3A_228 {strides = array<i32>} : memref<4096x128xf32, #tpu.memory_space<vmem>>, vector<256x128xf32>,
      %slice3A_232 = vector.extract_strided_slice %get3A_146 {offsets = [9, 0], sizes = [1, 128], strides = [1, 1]} : vector<16x128xf32> to vector<1x128xf32>
      %squeeze3A_233 = vector.shape_cast %slice3A_232 : vector<1x128xf32> to vector<128xf32>
      %broadcast_in_dim3A_234 = vector.shape_cast %squeeze3A_233 : vector<128xf32> to vector<1x128xf32>
      %add3A_235 = vector.broadcast %broadcast_in_dim3A_234 : vector<1x128xf32> to vector<256x128xf32>
      %add3A_236 = arith.addf %reshape3A, %add3A_235 : vector<256x128xf32>
      %swap3A_237 = arith.constant 2304 : index
      %swap3A_238 = arith.constant 0 : index
      %swap3A_239 = vector.load %arg6[%swap3A_237, %swap3A_238] : memref<4096x128xf32, #tpu.memory_space<vmem>>, vector<256x128xf32>
      tpu.vector_store %arg6[%swap3A_237, %swap3A_238], %add3A_236 {strides = array<i32>} : memref<4096x128xf32, #tpu.memory_space<vmem>>, vector<256x128xf32>,
      %slice3A_240 = vector.extract_strided_slice %get3A_146 {offsets = [10, 0], sizes = [1, 128], strides = [1, 1]} : vector<16x128xf32> to vector<1x128xf32>
      %squeeze3A_241 = vector.shape_cast %slice3A_240 : vector<1x128xf32> to vector<128xf32>
      %broadcast_in_dim3A_242 = vector.shape_cast %squeeze3A_241 : vector<128xf32> to vector<1x128xf32>
      %add3A_243 = vector.broadcast %broadcast_in_dim3A_242 : vector<1x128xf32> to vector<256x128xf32>
      %add3A_244 = arith.addf %reshape3A, %add3A_243 : vector<256x128xf32>
      %swap3A_245 = arith.constant 2560 : index
      %swap3A_246 = arith.constant 0 : index
      %swap3A_247 = vector.load %arg6[%swap3A_245, %swap3A_246] : memref<4096x128xf32, #tpu.memory_space<vmem>>, vector<256x128xf32>
      tpu.vector_store %arg6[%swap3A_245, %swap3A_246], %add3A_244 {strides = array<i32>} : memref<4096x128xf32, #tpu.memory_space<vmem>>, vector<256x128xf32>,
      %slice3A_248 = vector.extract_strided_slice %get3A_146 {offsets = [11, 0], sizes = [1, 128], strides = [1, 1]} : vector<16x128xf32> to vector<1x128xf32>
      %squeeze3A_249 = vector.shape_cast %slice3A_248 : vector<1x128xf32> to vector<128xf32>
      %broadcast_in_dim3A_250 = vector.shape_cast %squeeze3A_249 : vector<128xf32> to vector<1x128xf32>
      %add3A_251 = vector.broadcast %broadcast_in_dim3A_250 : vector<1x128xf32> to vector<256x128xf32>
      %add3A_252 = arith.addf %reshape3A, %add3A_251 : vector<256x128xf32>
      %swap3A_253 = arith.constant 2816 : index
      %swap3A_254 = arith.constant 0 : index
      %swap3A_255 = vector.load %arg6[%swap3A_253, %swap3A_254] : memref<4096x128xf32, #tpu.memory_space<vmem>>, vector<256x128xf32>
      tpu.vector_store %arg6[%swap3A_253, %swap3A_254], %add3A_252 {strides = array<i32>} : memref<4096x128xf32, #tpu.memory_space<vmem>>, vector<256x128xf32>,
      %slice3A_256 = vector.extract_strided_slice %get3A_146 {offsets = [12, 0], sizes = [1, 128], strides = [1, 1]} : vector<16x128xf32> to vector<1x128xf32>
      %squeeze3A_257 = vector.shape_cast %slice3A_256 : vector<1x128xf32> to vector<128xf32>
      %broadcast_in_dim3A_258 = vector.shape_cast %squeeze3A_257 : vector<128xf32> to vector<1x128xf32>
      %add3A_259 = vector.broadcast %broadcast_in_dim3A_258 : vector<1x128xf32> to vector<256x128xf32>
      %add3A_260 = arith.addf %reshape3A, %add3A_259 : vector<256x128xf32>
      %swap3A_261 = arith.constant 3072 : index
      %swap3A_262 = arith.constant 0 : index
      %swap3A_263 = vector.load %arg6[%swap3A_261, %swap3A_262] : memref<4096x128xf32, #tpu.memory_space<vmem>>, vector<256x128xf32>
      tpu.vector_store %arg6[%swap3A_261, %swap3A_262], %add3A_260 {strides = array<i32>} : memref<4096x128xf32, #tpu.memory_space<vmem>>, vector<256x128xf32>,
      %slice3A_264 = vector.extract_strided_slice %get3A_146 {offsets = [13, 0], sizes = [1, 128], strides = [1, 1]} : vector<16x128xf32> to vector<1x128xf32>
      %squeeze3A_265 = vector.shape_cast %slice3A_264 : vector<1x128xf32> to vector<128xf32>
      %broadcast_in_dim3A_266 = vector.shape_cast %squeeze3A_265 : vector<128xf32> to vector<1x128xf32>
      %add3A_267 = vector.broadcast %broadcast_in_dim3A_266 : vector<1x128xf32> to vector<256x128xf32>
      %add3A_268 = arith.addf %reshape3A, %add3A_267 : vector<256x128xf32>
      %swap3A_269 = arith.constant 3328 : index
      %swap3A_270 = arith.constant 0 : index
      %swap3A_271 = vector.load %arg6[%swap3A_269, %swap3A_270] : memref<4096x128xf32, #tpu.memory_space<vmem>>, vector<256x128xf32>
      tpu.vector_store %arg6[%swap3A_269, %swap3A_270], %add3A_268 {strides = array<i32>} : memref<4096x128xf32, #tpu.memory_space<vmem>>, vector<256x128xf32>,
      %slice3A_272 = vector.extract_strided_slice %get3A_146 {offsets = [14, 0], sizes = [1, 128], strides = [1, 1]} : vector<16x128xf32> to vector<1x128xf32>
      %squeeze3A_273 = vector.shape_cast %slice3A_272 : vector<1x128xf32> to vector<128xf32>
      %broadcast_in_dim3A_274 = vector.shape_cast %squeeze3A_273 : vector<128xf32> to vector<1x128xf32>
      %add3A_275 = vector.broadcast %broadcast_in_dim3A_274 : vector<1x128xf32> to vector<256x128xf32>
      %add3A_276 = arith.addf %reshape3A, %add3A_275 : vector<256x128xf32>
      %swap3A_277 = arith.constant 3584 : index
      %swap3A_278 = arith.constant 0 : index
      %swap3A_279 = vector.load %arg6[%swap3A_277, %swap3A_278] : memref<4096x128xf32, #tpu.memory_space<vmem>>, vector<256x128xf32>
      tpu.vector_store %arg6[%swap3A_277, %swap3A_278], %add3A_276 {strides = array<i32>} : memref<4096x128xf32, #tpu.memory_space<vmem>>, vector<256x128xf32>,
      %slice3A_280 = vector.extract_strided_slice %get3A_146 {offsets = [15, 0], sizes = [1, 128], strides = [1, 1]} : vector<16x128xf32> to vector<1x128xf32>
      %squeeze3A_281 = vector.shape_cast %slice3A_280 : vector<1x128xf32> to vector<128xf32>
      %broadcast_in_dim3A_282 = vector.shape_cast %squeeze3A_281 : vector<128xf32> to vector<1x128xf32>
      %add3A_283 = vector.broadcast %broadcast_in_dim3A_282 : vector<1x128xf32> to vector<256x128xf32>
      %add3A_284 = arith.addf %reshape3A, %add3A_283 : vector<256x128xf32>
      %swap3A_285 = arith.constant 3840 : index
      %swap3A_286 = arith.constant 0 : index
      %swap3A_287 = vector.load %arg6[%swap3A_285, %swap3A_286] : memref<4096x128xf32, #tpu.memory_space<vmem>>, vector<256x128xf32>
      tpu.vector_store %arg6[%swap3A_285, %swap3A_286], %add3A_284 {strides = array<i32>} : memref<4096x128xf32, #tpu.memory_space<vmem>>, vector<256x128xf32>,
    } else {
    }
    return
  }
  func.func @transform_0(%arg0: i32) -> (i32, i32) {
    %c0_i32 = arith.constant 0 : i32
    %c0_i32_0 = arith.constant 0 : i32
    return %arg0, %c0_i32 : i32, i32
  }
  func.func @transform_1(%arg0: i32) -> (i32, i32, i32) {
    %c0_i32 = arith.constant 0 : i32
    %c0_i32_0 = arith.constant 0 : i32
    %c0_i32_1 = arith.constant 0 : i32
    %c0_i32_2 = arith.constant 0 : i32
    return %c0_i32, %c0_i32_0, %c0_i32_1 : i32, i32, i32
  }
  func.func @transform_2(%arg0: i32) -> (i32, i32) {
    %c0_i32 = arith.constant 0 : i32
    %c0_i32_0 = arith.constant 0 : i32
    %c0_i32_1 = arith.constant 0 : i32
    return %c0_i32, %c0_i32_0 : i32, i32
  }
  func.func @transform_3(%arg0: i32) -> (i32, i32, i32) {
    %c0_i32 = arith.constant 0 : i32
    %c0_i32_0 = arith.constant 0 : i32
    %c0_i32_1 = arith.constant 0 : i32
    %c0_i32_2 = arith.constant 0 : i32
    return %c0_i32, %c0_i32_0, %c0_i32_1 : i32, i32, i32
  }
  func.func @transform_4(%arg0: i32) -> (i32, i32) {
    %c0_i32 = arith.constant 0 : i32
    %c0_i32_0 = arith.constant 0 : i32
    return %arg0, %c0_i32 : i32, i32
  }
  func.func @transform_5(%arg0: i32) -> (i32, i32) {
    %c0_i32 = arith.constant 0 : i32
    %c0_i32_0 = arith.constant 0 : i32
    %c0_i32_1 = arith.constant 0 : i32
    return %c0_i32, %c0_i32_0 : i32, i32
  }
}

module attributes {stable_mosaic.version = 14 : i64} {
  func.func @_layer_body(%arg0: i32, %arg1: memref<2000x128xf32, #tpu.memory_space<vmem>>, %arg2: memref<2x2000x128xf32, #tpu.memory_space<vmem>>, %arg3: memref<2000x1xi32, #tpu.memory_space<vmem>>, %arg4: memref<128x128xf32, #tpu.memory_space<vmem>>, %arg5: memref<1x128xf32, #tpu.memory_space<vmem>>, %arg6: memref<128x128xf32, #tpu.memory_space<vmem>>, %arg7: memref<1x128xf32, #tpu.memory_space<vmem>>, %arg8: memref<1x1xf32, #tpu.memory_space<smem>>, %arg9: memref<2000x128xf32, #tpu.memory_space<vmem>>, %arg10: memref<128x128xf32, #tpu.memory_space<vmem>>) attributes {dimension_semantics = [#tpu.dimension_semantics<arbitrary>], iteration_bounds = array<i64: 5>, scalar_prefetch = 0 : i64, scratch_operands = 0 : i64, tpu.core_type = #tpu.core_type<tc>, window_params = [{transform_indices = @transform_0, window_bounds = array<i64: 2000, 128>}, {transform_indices = @transform_1, window_bounds = array<i64: 2, 2000, 128>}, {transform_indices = @transform_2, window_bounds = array<i64: 2000, 1>}, {pipeline_mode = #tpu.pipeline_mode<synchronous>, transform_indices = @transform_3, window_bounds = array<i64: 128, 128>}, {pipeline_mode = #tpu.pipeline_mode<synchronous>, transform_indices = @transform_4, window_bounds = array<i64: 1, 128>}, {pipeline_mode = #tpu.pipeline_mode<synchronous>, transform_indices = @transform_5, window_bounds = array<i64: 128, 128>}, {pipeline_mode = #tpu.pipeline_mode<synchronous>, transform_indices = @transform_6, window_bounds = array<i64: 1, 128>}, {transform_indices = @transform_7, window_bounds = array<i64: 1, 1>}, {transform_indices = @transform_8, window_bounds = array<i64: 2000, 128>}, {pipeline_mode = #tpu.pipeline_mode<synchronous>, transform_indices = @transform_9, window_bounds = array<i64: 128, 128>}]} {
    %get3A = arith.constant 0 : index
    %get3A_0 = arith.constant 0 : index
    %get3A_1 = vector.load %arg1[%get3A, %get3A_0] : memref<2000x128xf32, #tpu.memory_space<vmem>>, vector<2000x128xf32>
    %get3A_2 = arith.constant 0 : index
    %get3A_3 = arith.constant 0 : index
    %get3A_4 = memref.load %arg8[%get3A_2, %get3A_3] : memref<1x1xf32, #tpu.memory_space<smem>>
    %add3A = arith.constant 1.000000e+00 : f32
    %add3A_5 = arith.addf %add3A, %get3A_4 : f32
    %mul3A = vector.broadcast %add3A_5 : f32 to vector<2000x128xf32>
    %mul3A_6 = arith.mulf %mul3A, %get3A_1 : vector<2000x128xf32>
    %get3A_7 = arith.constant 0 : index
    %get3A_8 = arith.constant 0 : index
    %get3A_9 = arith.constant 0 : index
    %get3A_10 = vector.load %arg2[%get3A_7, %get3A_8, %get3A_9] : memref<2x2000x128xf32, #tpu.memory_space<vmem>>, vector<1x2000x128xf32>
    %get3A_11 = vector.shape_cast %get3A_10 : vector<1x2000x128xf32> to vector<2000x128xf32>
    %add3A_12 = arith.addf %mul3A_6, %get3A_11 : vector<2000x128xf32>
    %get3A_13 = arith.constant 1 : index
    %get3A_14 = arith.constant 0 : index
    %get3A_15 = arith.constant 0 : index
    %get3A_16 = vector.load %arg2[%get3A_13, %get3A_14, %get3A_15] : memref<2x2000x128xf32, #tpu.memory_space<vmem>>, vector<1x2000x128xf32>
    %get3A_17 = vector.shape_cast %get3A_16 : vector<1x2000x128xf32> to vector<2000x128xf32>
    %add3A_18 = arith.addf %add3A_12, %get3A_17 : vector<2000x128xf32>
    %get3A_19 = arith.constant 0 : index
    %get3A_20 = arith.constant 0 : index
    %get3A_21 = vector.load %arg4[%get3A_19, %get3A_20] : memref<128x128xf32, #tpu.memory_space<vmem>>, vector<128x128xf32>
    %dot_general3A = arith.constant dense<0.000000e+00> : vector<2000x128xf32>
    %dot_general3A_22 = tpu.matmul %add3A_18, %get3A_21, %dot_general3A {dimension_numbers = #tpu.dot_dimension_numbers<[1], [1], [0], [0], [0, 0, 1, 0], [], []>, transpose_lhs_hint = false} : vector<2000x128xf32>, vector<128x128xf32>, vector<2000x128xf32> -> vector<2000x128xf32>
    %get3A_23 = arith.constant 0 : index
    %get3A_24 = arith.constant 0 : index
    %get3A_25 = vector.load %arg5[%get3A_23, %get3A_24] : memref<1x128xf32, #tpu.memory_space<vmem>>, vector<1x128xf32>
    %add3A_26 = vector.broadcast %get3A_25 : vector<1x128xf32> to vector<2000x128xf32>
    %add3A_27 = arith.addf %dot_general3A_22, %add3A_26 : vector<2000x128xf32>
    %mul3A_28 = arith.constant 0.999994993 : f32
    %mul3A_29 = vector.broadcast %mul3A_28 : f32 to vector<2000x128xf32>
    %mul3A_30 = arith.mulf %add3A_27, %mul3A_29 : vector<2000x128xf32>
    %max3A = arith.constant 0.000000e+00 : f32
    %max3A_31 = vector.broadcast %max3A : f32 to vector<2000x128xf32>
    %max3A_32 = arith.maximumf %mul3A_30, %max3A_31 : vector<2000x128xf32>
    %get3A_33 = arith.constant 0 : index
    %get3A_34 = arith.constant 0 : index
    %get3A_35 = vector.load %arg6[%get3A_33, %get3A_34] : memref<128x128xf32, #tpu.memory_space<vmem>>, vector<128x128xf32>
    %dot_general3A_36 = arith.constant dense<0.000000e+00> : vector<2000x128xf32>
    %dot_general3A_37 = tpu.matmul %max3A_32, %get3A_35, %dot_general3A_36 {dimension_numbers = #tpu.dot_dimension_numbers<[1], [1], [0], [0], [0, 0, 1, 0], [], []>, transpose_lhs_hint = false} : vector<2000x128xf32>, vector<128x128xf32>, vector<2000x128xf32> -> vector<2000x128xf32>
    %get3A_38 = arith.constant 0 : index
    %get3A_39 = arith.constant 0 : index
    %get3A_40 = vector.load %arg7[%get3A_38, %get3A_39] : memref<1x128xf32, #tpu.memory_space<vmem>>, vector<1x128xf32>
    %add3A_41 = vector.broadcast %get3A_40 : vector<1x128xf32> to vector<2000x128xf32>
    %add3A_42 = arith.addf %dot_general3A_37, %add3A_41 : vector<2000x128xf32>
    %mul3A_43 = arith.constant 0.999994993 : f32
    %mul3A_44 = vector.broadcast %mul3A_43 : f32 to vector<2000x128xf32>
    %mul3A_45 = arith.mulf %add3A_42, %mul3A_44 : vector<2000x128xf32>
    %max3A_46 = arith.constant 0.000000e+00 : f32
    %max3A_47 = vector.broadcast %max3A_46 : f32 to vector<2000x128xf32>
    %max3A_48 = arith.maximumf %mul3A_45, %max3A_47 : vector<2000x128xf32>
    %swap3A = arith.constant 0 : index
    %swap3A_49 = arith.constant 0 : index
    %swap3A_50 = vector.load %arg9[%swap3A, %swap3A_49] : memref<2000x128xf32, #tpu.memory_space<vmem>>, vector<2000x128xf32>
    tpu.vector_store %arg9[%swap3A, %swap3A_49], %max3A_48 {strides = array<i32>} : memref<2000x128xf32, #tpu.memory_space<vmem>>, vector<2000x128xf32>,
    %get3A_51 = arith.constant 0 : index
    %get3A_52 = arith.constant 0 : index
    %get3A_53 = vector.load %arg3[%get3A_51, %get3A_52] : memref<2000x1xi32, #tpu.memory_space<vmem>>, vector<2000x1xi32>
    %iota3A = tpu.iota {dimensions = array<i32: 1>} : vector<2000x128xi32>
    %eq3A = vector.broadcast %get3A_53 : vector<2000x1xi32> to vector<2000x128xi32>
    %eq3A_54 = arith.cmpi eq, %eq3A, %iota3A : vector<2000x128xi32>
    %convert_element_type3A = arith.extui %eq3A_54 : vector<2000x128xi1> to vector<2000x128xi32>
    %convert_element_type3A_55 = arith.sitofp %convert_element_type3A : vector<2000x128xi32> to vector<2000x128xf32>
    %dot_general3A_56 = arith.constant dense<0.000000e+00> : vector<128x128xf32>
    %dot_general3A_57 = tpu.matmul %convert_element_type3A_55, %get3A_1, %dot_general3A_56 {dimension_numbers = #tpu.dot_dimension_numbers<[0], [0], [1], [1], [0, 1, 1, 1], [], []>, transpose_lhs_hint = false} : vector<2000x128xf32>, vector<2000x128xf32>, vector<128x128xf32> -> vector<128x128xf32>
    %eq3A_58 = arith.constant 0 : i32
    %eq3A_59 = arith.cmpi eq, %arg0, %eq3A_58 : i32
    %convert_element_type3A_60 = arith.extui %eq3A_59 : i1 to i32
    %cond3A = arith.constant 0 : i32
    %cond3A_61 = arith.cmpi ne, %convert_element_type3A_60, %cond3A : i32
    scf.if %cond3A_61 {
      %swap3A_66 = arith.constant 0 : index
      %swap3A_67 = arith.constant 0 : index
      %swap3A_68 = vector.load %arg10[%swap3A_66, %swap3A_67] : memref<128x128xf32, #tpu.memory_space<vmem>>, vector<128x128xf32>
      tpu.vector_store %arg10[%swap3A_66, %swap3A_67], %dot_general3A_57 {strides = array<i32>} : memref<128x128xf32, #tpu.memory_space<vmem>>, vector<128x128xf32>,
    } else {
    }
    %gt3A = arith.constant 0 : i32
    %gt3A_62 = arith.cmpi sgt, %arg0, %gt3A : i32
    %convert_element_type3A_63 = arith.extui %gt3A_62 : i1 to i32
    %cond3A_64 = arith.constant 0 : i32
    %cond3A_65 = arith.cmpi ne, %convert_element_type3A_63, %cond3A_64 : i32
    scf.if %cond3A_65 {
      %get3A_66 = arith.constant 0 : index
      %get3A_67 = arith.constant 0 : index
      %get3A_68 = vector.load %arg10[%get3A_66, %get3A_67] : memref<128x128xf32, #tpu.memory_space<vmem>>, vector<128x128xf32>
      %add3A_69 = arith.addf %get3A_68, %dot_general3A_57 : vector<128x128xf32>
      %swap3A_70 = arith.constant 0 : index
      %swap3A_71 = arith.constant 0 : index
      %swap3A_72 = vector.load %arg10[%swap3A_70, %swap3A_71] : memref<128x128xf32, #tpu.memory_space<vmem>>, vector<128x128xf32>
      tpu.vector_store %arg10[%swap3A_70, %swap3A_71], %add3A_69 {strides = array<i32>} : memref<128x128xf32, #tpu.memory_space<vmem>>, vector<128x128xf32>,
    } else {
    }
    return
  }
  func.func @transform_0(%arg0: i32) -> (i32, i32) {
    %c0_i32 = arith.constant 0 : i32
    %c0_i32_0 = arith.constant 0 : i32
    return %arg0, %c0_i32 : i32, i32
  }
  func.func @transform_1(%arg0: i32) -> (i32, i32, i32) {
    %c0_i32 = arith.constant 0 : i32
    %c0_i32_0 = arith.constant 0 : i32
    %c0_i32_1 = arith.constant 0 : i32
    return %c0_i32, %arg0, %c0_i32_0 : i32, i32, i32
  }
  func.func @transform_2(%arg0: i32) -> (i32, i32) {
    %c0_i32 = arith.constant 0 : i32
    %c0_i32_0 = arith.constant 0 : i32
    return %arg0, %c0_i32 : i32, i32
  }
  func.func @transform_3(%arg0: i32) -> (i32, i32) {
    %c0_i32 = arith.constant 0 : i32
    %c0_i32_0 = arith.constant 0 : i32
    %c0_i32_1 = arith.constant 0 : i32
    return %c0_i32, %c0_i32_0 : i32, i32
  }
  func.func @transform_4(%arg0: i32) -> (i32, i32) {
    %c0_i32 = arith.constant 0 : i32
    %c0_i32_0 = arith.constant 0 : i32
    %c0_i32_1 = arith.constant 0 : i32
    return %c0_i32, %c0_i32_0 : i32, i32
  }
  func.func @transform_5(%arg0: i32) -> (i32, i32) {
    %c0_i32 = arith.constant 0 : i32
    %c0_i32_0 = arith.constant 0 : i32
    %c0_i32_1 = arith.constant 0 : i32
    return %c0_i32, %c0_i32_0 : i32, i32
  }
  func.func @transform_6(%arg0: i32) -> (i32, i32) {
    %c0_i32 = arith.constant 0 : i32
    %c0_i32_0 = arith.constant 0 : i32
    %c0_i32_1 = arith.constant 0 : i32
    return %c0_i32, %c0_i32_0 : i32, i32
  }
  func.func @transform_7(%arg0: i32) -> (i32, i32) {
    %c0_i32 = arith.constant 0 : i32
    %c0_i32_0 = arith.constant 0 : i32
    %c0_i32_1 = arith.constant 0 : i32
    return %c0_i32, %c0_i32_0 : i32, i32
  }
  func.func @transform_8(%arg0: i32) -> (i32, i32) {
    %c0_i32 = arith.constant 0 : i32
    %c0_i32_0 = arith.constant 0 : i32
    return %arg0, %c0_i32 : i32, i32
  }
  func.func @transform_9(%arg0: i32) -> (i32, i32) {
    %c0_i32 = arith.constant 0 : i32
    %c0_i32_0 = arith.constant 0 : i32
    %c0_i32_1 = arith.constant 0 : i32
    return %c0_i32, %c0_i32_0 : i32, i32
  }
}

module attributes {stable_mosaic.version = 14 : i64} {
  func.func @_vn_body(%arg0: i32, %arg1: memref<128x128xf32, #tpu.memory_space<vmem>>, %arg2: memref<128x128xf32, #tpu.memory_space<vmem>>, %arg3: memref<128x128xf32, #tpu.memory_space<vmem>>, %arg4: memref<1x128xf32, #tpu.memory_space<vmem>>, %arg5: memref<128x128xf32, #tpu.memory_space<vmem>>, %arg6: memref<1x128xf32, #tpu.memory_space<vmem>>, %arg7: memref<2000x1xi32, #tpu.memory_space<vmem>>, %arg8: memref<2000x128xf32, #tpu.memory_space<vmem>>, %arg9: memref<128x128xf32, #tpu.memory_space<vmem>>, %arg10: memref<2000x128xf32, #tpu.memory_space<vmem>>, %arg11: memref<128x128xf32, #tpu.memory_space<vmem>>) attributes {dimension_semantics = [#tpu.dimension_semantics<arbitrary>], iteration_bounds = array<i64: 5>, scalar_prefetch = 0 : i64, scratch_operands = 1 : i64, tpu.core_type = #tpu.core_type<tc>, window_params = [{pipeline_mode = #tpu.pipeline_mode<synchronous>, transform_indices = @transform_0, window_bounds = array<i64: 128, 128>}, {pipeline_mode = #tpu.pipeline_mode<synchronous>, transform_indices = @transform_1, window_bounds = array<i64: 128, 128>}, {pipeline_mode = #tpu.pipeline_mode<synchronous>, transform_indices = @transform_2, window_bounds = array<i64: 128, 128>}, {pipeline_mode = #tpu.pipeline_mode<synchronous>, transform_indices = @transform_3, window_bounds = array<i64: 1, 128>}, {pipeline_mode = #tpu.pipeline_mode<synchronous>, transform_indices = @transform_4, window_bounds = array<i64: 128, 128>}, {pipeline_mode = #tpu.pipeline_mode<synchronous>, transform_indices = @transform_5, window_bounds = array<i64: 1, 128>}, {transform_indices = @transform_6, window_bounds = array<i64: 2000, 1>}, {transform_indices = @transform_7, window_bounds = array<i64: 2000, 128>}, {pipeline_mode = #tpu.pipeline_mode<synchronous>, transform_indices = @transform_8, window_bounds = array<i64: 128, 128>}, {transform_indices = @transform_9, window_bounds = array<i64: 2000, 128>}]} {
    %eq3A = arith.constant 0 : i32
    %eq3A_0 = arith.cmpi eq, %arg0, %eq3A : i32
    %convert_element_type3A = arith.extui %eq3A_0 : i1 to i32
    %cond3A = arith.constant 0 : i32
    %cond3A_1 = arith.cmpi ne, %convert_element_type3A, %cond3A : i32
    scf.if %cond3A_1 {
      %get3A_17 = arith.constant 0 : index
      %get3A_18 = arith.constant 0 : index
      %get3A_19 = vector.load %arg1[%get3A_17, %get3A_18] : memref<128x128xf32, #tpu.memory_space<vmem>>, vector<128x128xf32>
      %get3A_20 = arith.constant 0 : index
      %get3A_21 = arith.constant 0 : index
      %get3A_22 = vector.load %arg2[%get3A_20, %get3A_21] : memref<128x128xf32, #tpu.memory_space<vmem>>, vector<128x128xf32>
      %add3A_23 = arith.addf %get3A_19, %get3A_22 : vector<128x128xf32>
      %get3A_24 = arith.constant 0 : index
      %get3A_25 = arith.constant 0 : index
      %get3A_26 = vector.load %arg3[%get3A_24, %get3A_25] : memref<128x128xf32, #tpu.memory_space<vmem>>, vector<128x128xf32>
      %dot_general3A_27 = arith.constant dense<0.000000e+00> : vector<128x128xf32>
      %dot_general3A_28 = tpu.matmul %add3A_23, %get3A_26, %dot_general3A_27 {dimension_numbers = #tpu.dot_dimension_numbers<[1], [1], [0], [0], [0, 0, 1, 0], [], []>, transpose_lhs_hint = false} : vector<128x128xf32>, vector<128x128xf32>, vector<128x128xf32> -> vector<128x128xf32>
      %get3A_29 = arith.constant 0 : index
      %get3A_30 = arith.constant 0 : index
      %get3A_31 = vector.load %arg4[%get3A_29, %get3A_30] : memref<1x128xf32, #tpu.memory_space<vmem>>, vector<1x128xf32>
      %add3A_32 = vector.broadcast %get3A_31 : vector<1x128xf32> to vector<128x128xf32>
      %add3A_33 = arith.addf %dot_general3A_28, %add3A_32 : vector<128x128xf32>
      %mul3A = arith.constant 0.999994993 : f32
      %mul3A_34 = vector.broadcast %mul3A : f32 to vector<128x128xf32>
      %mul3A_35 = arith.mulf %add3A_33, %mul3A_34 : vector<128x128xf32>
      %max3A = arith.constant 0.000000e+00 : f32
      %max3A_36 = vector.broadcast %max3A : f32 to vector<128x128xf32>
      %max3A_37 = arith.maximumf %mul3A_35, %max3A_36 : vector<128x128xf32>
      %get3A_38 = arith.constant 0 : index
      %get3A_39 = arith.constant 0 : index
      %get3A_40 = vector.load %arg5[%get3A_38, %get3A_39] : memref<128x128xf32, #tpu.memory_space<vmem>>, vector<128x128xf32>
      %dot_general3A_41 = arith.constant dense<0.000000e+00> : vector<128x128xf32>
      %dot_general3A_42 = tpu.matmul %max3A_37, %get3A_40, %dot_general3A_41 {dimension_numbers = #tpu.dot_dimension_numbers<[1], [1], [0], [0], [0, 0, 1, 0], [], []>, transpose_lhs_hint = false} : vector<128x128xf32>, vector<128x128xf32>, vector<128x128xf32> -> vector<128x128xf32>
      %get3A_43 = arith.constant 0 : index
      %get3A_44 = arith.constant 0 : index
      %get3A_45 = vector.load %arg6[%get3A_43, %get3A_44] : memref<1x128xf32, #tpu.memory_space<vmem>>, vector<1x128xf32>
      %add3A_46 = vector.broadcast %get3A_45 : vector<1x128xf32> to vector<128x128xf32>
      %add3A_47 = arith.addf %dot_general3A_42, %add3A_46 : vector<128x128xf32>
      %mul3A_48 = arith.constant 0.999994993 : f32
      %mul3A_49 = vector.broadcast %mul3A_48 : f32 to vector<128x128xf32>
      %mul3A_50 = arith.mulf %add3A_47, %mul3A_49 : vector<128x128xf32>
      %max3A_51 = arith.constant 0.000000e+00 : f32
      %max3A_52 = vector.broadcast %max3A_51 : f32 to vector<128x128xf32>
      %max3A_53 = arith.maximumf %mul3A_50, %max3A_52 : vector<128x128xf32>
      %swap3A_54 = arith.constant 0 : index
      %swap3A_55 = arith.constant 0 : index
      %swap3A_56 = vector.load %arg9[%swap3A_54, %swap3A_55] : memref<128x128xf32, #tpu.memory_space<vmem>>, vector<128x128xf32>
      tpu.vector_store %arg9[%swap3A_54, %swap3A_55], %max3A_53 {strides = array<i32>} : memref<128x128xf32, #tpu.memory_space<vmem>>, vector<128x128xf32>,
      %swap3A_57 = arith.constant 0 : index
      %swap3A_58 = arith.constant 0 : index
      %swap3A_59 = vector.load %arg11[%swap3A_57, %swap3A_58] : memref<128x128xf32, #tpu.memory_space<vmem>>, vector<128x128xf32>
      tpu.vector_store %arg11[%swap3A_57, %swap3A_58], %max3A_53 {strides = array<i32>} : memref<128x128xf32, #tpu.memory_space<vmem>>, vector<128x128xf32>,
    } else {
    }
    %get3A = arith.constant 0 : index
    %get3A_2 = arith.constant 0 : index
    %get3A_3 = vector.load %arg7[%get3A, %get3A_2] : memref<2000x1xi32, #tpu.memory_space<vmem>>, vector<2000x1xi32>
    %iota3A = tpu.iota {dimensions = array<i32: 1>} : vector<2000x128xi32>
    %eq3A_4 = vector.broadcast %get3A_3 : vector<2000x1xi32> to vector<2000x128xi32>
    %eq3A_5 = arith.cmpi eq, %eq3A_4, %iota3A : vector<2000x128xi32>
    %convert_element_type3A_6 = arith.extui %eq3A_5 : vector<2000x128xi1> to vector<2000x128xi32>
    %convert_element_type3A_7 = arith.sitofp %convert_element_type3A_6 : vector<2000x128xi32> to vector<2000x128xf32>
    %get3A_8 = arith.constant 0 : index
    %get3A_9 = arith.constant 0 : index
    %get3A_10 = vector.load %arg8[%get3A_8, %get3A_9] : memref<2000x128xf32, #tpu.memory_space<vmem>>, vector<2000x128xf32>
    %get3A_11 = arith.constant 0 : index
    %get3A_12 = arith.constant 0 : index
    %get3A_13 = vector.load %arg11[%get3A_11, %get3A_12] : memref<128x128xf32, #tpu.memory_space<vmem>>, vector<128x128xf32>
    %dot_general3A = arith.constant dense<0.000000e+00> : vector<2000x128xf32>
    %dot_general3A_14 = tpu.matmul %convert_element_type3A_7, %get3A_13, %dot_general3A {dimension_numbers = #tpu.dot_dimension_numbers<[1], [0], [0], [1], [0, 0, 1, 1], [], []>, transpose_lhs_hint = false} : vector<2000x128xf32>, vector<128x128xf32>, vector<2000x128xf32> -> vector<2000x128xf32>
    %add3A = arith.addf %get3A_10, %dot_general3A_14 : vector<2000x128xf32>
    %swap3A = arith.constant 0 : index
    %swap3A_15 = arith.constant 0 : index
    %swap3A_16 = vector.load %arg10[%swap3A, %swap3A_15] : memref<2000x128xf32, #tpu.memory_space<vmem>>, vector<2000x128xf32>
    tpu.vector_store %arg10[%swap3A, %swap3A_15], %add3A {strides = array<i32>} : memref<2000x128xf32, #tpu.memory_space<vmem>>, vector<2000x128xf32>,
    return
  }
  func.func @transform_0(%arg0: i32) -> (i32, i32) {
    %c0_i32 = arith.constant 0 : i32
    %c0_i32_0 = arith.constant 0 : i32
    %c0_i32_1 = arith.constant 0 : i32
    return %c0_i32, %c0_i32_0 : i32, i32
  }
  func.func @transform_1(%arg0: i32) -> (i32, i32) {
    %c0_i32 = arith.constant 0 : i32
    %c0_i32_0 = arith.constant 0 : i32
    %c0_i32_1 = arith.constant 0 : i32
    return %c0_i32, %c0_i32_0 : i32, i32
  }
  func.func @transform_2(%arg0: i32) -> (i32, i32) {
    %c0_i32 = arith.constant 0 : i32
    %c0_i32_0 = arith.constant 0 : i32
    %c0_i32_1 = arith.constant 0 : i32
    return %c0_i32, %c0_i32_0 : i32, i32
  }
  func.func @transform_3(%arg0: i32) -> (i32, i32) {
    %c0_i32 = arith.constant 0 : i32
    %c0_i32_0 = arith.constant 0 : i32
    %c0_i32_1 = arith.constant 0 : i32
    return %c0_i32, %c0_i32_0 : i32, i32
  }
  func.func @transform_4(%arg0: i32) -> (i32, i32) {
    %c0_i32 = arith.constant 0 : i32
    %c0_i32_0 = arith.constant 0 : i32
    %c0_i32_1 = arith.constant 0 : i32
    return %c0_i32, %c0_i32_0 : i32, i32
  }
  func.func @transform_5(%arg0: i32) -> (i32, i32) {
    %c0_i32 = arith.constant 0 : i32
    %c0_i32_0 = arith.constant 0 : i32
    %c0_i32_1 = arith.constant 0 : i32
    return %c0_i32, %c0_i32_0 : i32, i32
  }
  func.func @transform_6(%arg0: i32) -> (i32, i32) {
    %c0_i32 = arith.constant 0 : i32
    %c0_i32_0 = arith.constant 0 : i32
    return %arg0, %c0_i32 : i32, i32
  }
  func.func @transform_7(%arg0: i32) -> (i32, i32) {
    %c0_i32 = arith.constant 0 : i32
    %c0_i32_0 = arith.constant 0 : i32
    return %arg0, %c0_i32 : i32, i32
  }
  func.func @transform_8(%arg0: i32) -> (i32, i32) {
    %c0_i32 = arith.constant 0 : i32
    %c0_i32_0 = arith.constant 0 : i32
    %c0_i32_1 = arith.constant 0 : i32
    return %c0_i32, %c0_i32_0 : i32, i32
  }
  func.func @transform_9(%arg0: i32) -> (i32, i32) {
    %c0_i32 = arith.constant 0 : i32
    %c0_i32_0 = arith.constant 0 : i32
    return %arg0, %c0_i32 : i32, i32
  }
}

module attributes {stable_mosaic.version = 14 : i64} {
  func.func @_vn_body(%arg0: i32, %arg1: memref<128x128xf32, #tpu.memory_space<vmem>>, %arg2: memref<128x128xf32, #tpu.memory_space<vmem>>, %arg3: memref<128x128xf32, #tpu.memory_space<vmem>>, %arg4: memref<1x128xf32, #tpu.memory_space<vmem>>, %arg5: memref<128x128xf32, #tpu.memory_space<vmem>>, %arg6: memref<1x128xf32, #tpu.memory_space<vmem>>, %arg7: memref<2000x1xi32, #tpu.memory_space<vmem>>, %arg8: memref<2000x128xf32, #tpu.memory_space<vmem>>, %arg9: memref<128x128xf32, #tpu.memory_space<vmem>>, %arg10: memref<2000x128xf32, #tpu.memory_space<vmem>>, %arg11: memref<128x128xf32, #tpu.memory_space<vmem>>) attributes {dimension_semantics = [#tpu.dimension_semantics<arbitrary>], iteration_bounds = array<i64: 5>, scalar_prefetch = 0 : i64, scratch_operands = 1 : i64, tpu.core_type = #tpu.core_type<tc>, window_params = [{pipeline_mode = #tpu.pipeline_mode<synchronous>, transform_indices = @transform_0, window_bounds = array<i64: 128, 128>}, {pipeline_mode = #tpu.pipeline_mode<synchronous>, transform_indices = @transform_1, window_bounds = array<i64: 128, 128>}, {pipeline_mode = #tpu.pipeline_mode<synchronous>, transform_indices = @transform_2, window_bounds = array<i64: 128, 128>}, {pipeline_mode = #tpu.pipeline_mode<synchronous>, transform_indices = @transform_3, window_bounds = array<i64: 1, 128>}, {pipeline_mode = #tpu.pipeline_mode<synchronous>, transform_indices = @transform_4, window_bounds = array<i64: 128, 128>}, {pipeline_mode = #tpu.pipeline_mode<synchronous>, transform_indices = @transform_5, window_bounds = array<i64: 1, 128>}, {transform_indices = @transform_6, window_bounds = array<i64: 2000, 1>}, {transform_indices = @transform_7, window_bounds = array<i64: 2000, 128>}, {pipeline_mode = #tpu.pipeline_mode<synchronous>, transform_indices = @transform_8, window_bounds = array<i64: 128, 128>}, {transform_indices = @transform_9, window_bounds = array<i64: 2000, 128>}]} {
    %eq3A = arith.constant 0 : i32
    %eq3A_0 = arith.cmpi eq, %arg0, %eq3A : i32
    %convert_element_type3A = arith.extui %eq3A_0 : i1 to i32
    %cond3A = arith.constant 0 : i32
    %cond3A_1 = arith.cmpi ne, %convert_element_type3A, %cond3A : i32
    scf.if %cond3A_1 {
      %get3A_17 = arith.constant 0 : index
      %get3A_18 = arith.constant 0 : index
      %get3A_19 = vector.load %arg1[%get3A_17, %get3A_18] : memref<128x128xf32, #tpu.memory_space<vmem>>, vector<128x128xf32>
      %get3A_20 = arith.constant 0 : index
      %get3A_21 = arith.constant 0 : index
      %get3A_22 = vector.load %arg2[%get3A_20, %get3A_21] : memref<128x128xf32, #tpu.memory_space<vmem>>, vector<128x128xf32>
      %add3A_23 = arith.addf %get3A_19, %get3A_22 : vector<128x128xf32>
      %get3A_24 = arith.constant 0 : index
      %get3A_25 = arith.constant 0 : index
      %get3A_26 = vector.load %arg3[%get3A_24, %get3A_25] : memref<128x128xf32, #tpu.memory_space<vmem>>, vector<128x128xf32>
      %dot_general3A_27 = arith.constant dense<0.000000e+00> : vector<128x128xf32>
      %dot_general3A_28 = tpu.matmul %add3A_23, %get3A_26, %dot_general3A_27 {dimension_numbers = #tpu.dot_dimension_numbers<[1], [1], [0], [0], [0, 0, 1, 0], [], []>, transpose_lhs_hint = false} : vector<128x128xf32>, vector<128x128xf32>, vector<128x128xf32> -> vector<128x128xf32>
      %get3A_29 = arith.constant 0 : index
      %get3A_30 = arith.constant 0 : index
      %get3A_31 = vector.load %arg4[%get3A_29, %get3A_30] : memref<1x128xf32, #tpu.memory_space<vmem>>, vector<1x128xf32>
      %add3A_32 = vector.broadcast %get3A_31 : vector<1x128xf32> to vector<128x128xf32>
      %add3A_33 = arith.addf %dot_general3A_28, %add3A_32 : vector<128x128xf32>
      %mul3A = arith.constant 0.999994993 : f32
      %mul3A_34 = vector.broadcast %mul3A : f32 to vector<128x128xf32>
      %mul3A_35 = arith.mulf %add3A_33, %mul3A_34 : vector<128x128xf32>
      %max3A = arith.constant 0.000000e+00 : f32
      %max3A_36 = vector.broadcast %max3A : f32 to vector<128x128xf32>
      %max3A_37 = arith.maximumf %mul3A_35, %max3A_36 : vector<128x128xf32>
      %get3A_38 = arith.constant 0 : index
      %get3A_39 = arith.constant 0 : index
      %get3A_40 = vector.load %arg5[%get3A_38, %get3A_39] : memref<128x128xf32, #tpu.memory_space<vmem>>, vector<128x128xf32>
      %dot_general3A_41 = arith.constant dense<0.000000e+00> : vector<128x128xf32>
      %dot_general3A_42 = tpu.matmul %max3A_37, %get3A_40, %dot_general3A_41 {dimension_numbers = #tpu.dot_dimension_numbers<[1], [1], [0], [0], [0, 0, 1, 0], [], []>, transpose_lhs_hint = false} : vector<128x128xf32>, vector<128x128xf32>, vector<128x128xf32> -> vector<128x128xf32>
      %get3A_43 = arith.constant 0 : index
      %get3A_44 = arith.constant 0 : index
      %get3A_45 = vector.load %arg6[%get3A_43, %get3A_44] : memref<1x128xf32, #tpu.memory_space<vmem>>, vector<1x128xf32>
      %add3A_46 = vector.broadcast %get3A_45 : vector<1x128xf32> to vector<128x128xf32>
      %add3A_47 = arith.addf %dot_general3A_42, %add3A_46 : vector<128x128xf32>
      %mul3A_48 = arith.constant 0.999994993 : f32
      %mul3A_49 = vector.broadcast %mul3A_48 : f32 to vector<128x128xf32>
      %mul3A_50 = arith.mulf %add3A_47, %mul3A_49 : vector<128x128xf32>
      %max3A_51 = arith.constant 0.000000e+00 : f32
      %max3A_52 = vector.broadcast %max3A_51 : f32 to vector<128x128xf32>
      %max3A_53 = arith.maximumf %mul3A_50, %max3A_52 : vector<128x128xf32>
      %swap3A_54 = arith.constant 0 : index
      %swap3A_55 = arith.constant 0 : index
      %swap3A_56 = vector.load %arg9[%swap3A_54, %swap3A_55] : memref<128x128xf32, #tpu.memory_space<vmem>>, vector<128x128xf32>
      tpu.vector_store %arg9[%swap3A_54, %swap3A_55], %max3A_53 {strides = array<i32>} : memref<128x128xf32, #tpu.memory_space<vmem>>, vector<128x128xf32>,
      %swap3A_57 = arith.constant 0 : index
      %swap3A_58 = arith.constant 0 : index
      %swap3A_59 = vector.load %arg11[%swap3A_57, %swap3A_58] : memref<128x128xf32, #tpu.memory_space<vmem>>, vector<128x128xf32>
      tpu.vector_store %arg11[%swap3A_57, %swap3A_58], %max3A_53 {strides = array<i32>} : memref<128x128xf32, #tpu.memory_space<vmem>>, vector<128x128xf32>,
    } else {
    }
    %get3A = arith.constant 0 : index
    %get3A_2 = arith.constant 0 : index
    %get3A_3 = vector.load %arg7[%get3A, %get3A_2] : memref<2000x1xi32, #tpu.memory_space<vmem>>, vector<2000x1xi32>
    %iota3A = tpu.iota {dimensions = array<i32: 1>} : vector<2000x128xi32>
    %eq3A_4 = vector.broadcast %get3A_3 : vector<2000x1xi32> to vector<2000x128xi32>
    %eq3A_5 = arith.cmpi eq, %eq3A_4, %iota3A : vector<2000x128xi32>
    %convert_element_type3A_6 = arith.extui %eq3A_5 : vector<2000x128xi1> to vector<2000x128xi32>
    %convert_element_type3A_7 = arith.sitofp %convert_element_type3A_6 : vector<2000x128xi32> to vector<2000x128xf32>
    %get3A_8 = arith.constant 0 : index
    %get3A_9 = arith.constant 0 : index
    %get3A_10 = vector.load %arg8[%get3A_8, %get3A_9] : memref<2000x128xf32, #tpu.memory_space<vmem>>, vector<2000x128xf32>
    %get3A_11 = arith.constant 0 : index
    %get3A_12 = arith.constant 0 : index
    %get3A_13 = vector.load %arg11[%get3A_11, %get3A_12] : memref<128x128xf32, #tpu.memory_space<vmem>>, vector<128x128xf32>
    %dot_general3A = arith.constant dense<0.000000e+00> : vector<2000x128xf32>
    %dot_general3A_14 = tpu.matmul %convert_element_type3A_7, %get3A_13, %dot_general3A {dimension_numbers = #tpu.dot_dimension_numbers<[1], [0], [0], [1], [0, 0, 1, 1], [], []>, transpose_lhs_hint = false} : vector<2000x128xf32>, vector<128x128xf32>, vector<2000x128xf32> -> vector<2000x128xf32>
    %add3A = arith.addf %get3A_10, %dot_general3A_14 : vector<2000x128xf32>
    %swap3A = arith.constant 0 : index
    %swap3A_15 = arith.constant 0 : index
    %swap3A_16 = vector.load %arg10[%swap3A, %swap3A_15] : memref<2000x128xf32, #tpu.memory_space<vmem>>, vector<2000x128xf32>
    tpu.vector_store %arg10[%swap3A, %swap3A_15], %add3A {strides = array<i32>} : memref<2000x128xf32, #tpu.memory_space<vmem>>, vector<2000x128xf32>,
    return
  }
  func.func @transform_0(%arg0: i32) -> (i32, i32) {
    %c0_i32 = arith.constant 0 : i32
    %c0_i32_0 = arith.constant 0 : i32
    %c0_i32_1 = arith.constant 0 : i32
    return %c0_i32, %c0_i32_0 : i32, i32
  }
  func.func @transform_1(%arg0: i32) -> (i32, i32) {
    %c0_i32 = arith.constant 0 : i32
    %c0_i32_0 = arith.constant 0 : i32
    %c0_i32_1 = arith.constant 0 : i32
    return %c0_i32, %c0_i32_0 : i32, i32
  }
  func.func @transform_2(%arg0: i32) -> (i32, i32) {
    %c0_i32 = arith.constant 0 : i32
    %c0_i32_0 = arith.constant 0 : i32
    %c0_i32_1 = arith.constant 0 : i32
    return %c0_i32, %c0_i32_0 : i32, i32
  }
  func.func @transform_3(%arg0: i32) -> (i32, i32) {
    %c0_i32 = arith.constant 0 : i32
    %c0_i32_0 = arith.constant 0 : i32
    %c0_i32_1 = arith.constant 0 : i32
    return %c0_i32, %c0_i32_0 : i32, i32
  }
  func.func @transform_4(%arg0: i32) -> (i32, i32) {
    %c0_i32 = arith.constant 0 : i32
    %c0_i32_0 = arith.constant 0 : i32
    %c0_i32_1 = arith.constant 0 : i32
    return %c0_i32, %c0_i32_0 : i32, i32
  }
  func.func @transform_5(%arg0: i32) -> (i32, i32) {
    %c0_i32 = arith.constant 0 : i32
    %c0_i32_0 = arith.constant 0 : i32
    %c0_i32_1 = arith.constant 0 : i32
    return %c0_i32, %c0_i32_0 : i32, i32
  }
  func.func @transform_6(%arg0: i32) -> (i32, i32) {
    %c0_i32 = arith.constant 0 : i32
    %c0_i32_0 = arith.constant 0 : i32
    return %arg0, %c0_i32 : i32, i32
  }
  func.func @transform_7(%arg0: i32) -> (i32, i32) {
    %c0_i32 = arith.constant 0 : i32
    %c0_i32_0 = arith.constant 0 : i32
    return %arg0, %c0_i32 : i32, i32
  }
  func.func @transform_8(%arg0: i32) -> (i32, i32) {
    %c0_i32 = arith.constant 0 : i32
    %c0_i32_0 = arith.constant 0 : i32
    %c0_i32_1 = arith.constant 0 : i32
    return %c0_i32, %c0_i32_0 : i32, i32
  }
  func.func @transform_9(%arg0: i32) -> (i32, i32) {
    %c0_i32 = arith.constant 0 : i32
    %c0_i32_0 = arith.constant 0 : i32
    return %arg0, %c0_i32 : i32, i32
  }
}

module attributes {stable_mosaic.version = 14 : i64} {
  func.func @_layer_body(%arg0: i32, %arg1: memref<2000x128xf32, #tpu.memory_space<vmem>>, %arg2: memref<2x2000x128xf32, #tpu.memory_space<vmem>>, %arg3: memref<2000x1xi32, #tpu.memory_space<vmem>>, %arg4: memref<128x128xf32, #tpu.memory_space<vmem>>, %arg5: memref<1x128xf32, #tpu.memory_space<vmem>>, %arg6: memref<128x128xf32, #tpu.memory_space<vmem>>, %arg7: memref<1x128xf32, #tpu.memory_space<vmem>>, %arg8: memref<1x1xf32, #tpu.memory_space<smem>>, %arg9: memref<2000x128xf32, #tpu.memory_space<vmem>>) attributes {dimension_semantics = [#tpu.dimension_semantics<arbitrary>], iteration_bounds = array<i64: 5>, scalar_prefetch = 0 : i64, scratch_operands = 0 : i64, tpu.core_type = #tpu.core_type<tc>, window_params = [{transform_indices = @transform_0, window_bounds = array<i64: 2000, 128>}, {transform_indices = @transform_1, window_bounds = array<i64: 2, 2000, 128>}, {transform_indices = @transform_2, window_bounds = array<i64: 2000, 1>}, {pipeline_mode = #tpu.pipeline_mode<synchronous>, transform_indices = @transform_3, window_bounds = array<i64: 128, 128>}, {pipeline_mode = #tpu.pipeline_mode<synchronous>, transform_indices = @transform_4, window_bounds = array<i64: 1, 128>}, {pipeline_mode = #tpu.pipeline_mode<synchronous>, transform_indices = @transform_5, window_bounds = array<i64: 128, 128>}, {pipeline_mode = #tpu.pipeline_mode<synchronous>, transform_indices = @transform_6, window_bounds = array<i64: 1, 128>}, {transform_indices = @transform_7, window_bounds = array<i64: 1, 1>}, {transform_indices = @transform_8, window_bounds = array<i64: 2000, 128>}]} {
    %get3A = arith.constant 0 : index
    %get3A_0 = arith.constant 0 : index
    %get3A_1 = vector.load %arg1[%get3A, %get3A_0] : memref<2000x128xf32, #tpu.memory_space<vmem>>, vector<2000x128xf32>
    %get3A_2 = arith.constant 0 : index
    %get3A_3 = arith.constant 0 : index
    %get3A_4 = memref.load %arg8[%get3A_2, %get3A_3] : memref<1x1xf32, #tpu.memory_space<smem>>
    %add3A = arith.constant 1.000000e+00 : f32
    %add3A_5 = arith.addf %add3A, %get3A_4 : f32
    %mul3A = vector.broadcast %add3A_5 : f32 to vector<2000x128xf32>
    %mul3A_6 = arith.mulf %mul3A, %get3A_1 : vector<2000x128xf32>
    %get3A_7 = arith.constant 0 : index
    %get3A_8 = arith.constant 0 : index
    %get3A_9 = arith.constant 0 : index
    %get3A_10 = vector.load %arg2[%get3A_7, %get3A_8, %get3A_9] : memref<2x2000x128xf32, #tpu.memory_space<vmem>>, vector<1x2000x128xf32>
    %get3A_11 = vector.shape_cast %get3A_10 : vector<1x2000x128xf32> to vector<2000x128xf32>
    %add3A_12 = arith.addf %mul3A_6, %get3A_11 : vector<2000x128xf32>
    %get3A_13 = arith.constant 1 : index
    %get3A_14 = arith.constant 0 : index
    %get3A_15 = arith.constant 0 : index
    %get3A_16 = vector.load %arg2[%get3A_13, %get3A_14, %get3A_15] : memref<2x2000x128xf32, #tpu.memory_space<vmem>>, vector<1x2000x128xf32>
    %get3A_17 = vector.shape_cast %get3A_16 : vector<1x2000x128xf32> to vector<2000x128xf32>
    %add3A_18 = arith.addf %add3A_12, %get3A_17 : vector<2000x128xf32>
    %get3A_19 = arith.constant 0 : index
    %get3A_20 = arith.constant 0 : index
    %get3A_21 = vector.load %arg4[%get3A_19, %get3A_20] : memref<128x128xf32, #tpu.memory_space<vmem>>, vector<128x128xf32>
    %dot_general3A = arith.constant dense<0.000000e+00> : vector<2000x128xf32>
    %dot_general3A_22 = tpu.matmul %add3A_18, %get3A_21, %dot_general3A {dimension_numbers = #tpu.dot_dimension_numbers<[1], [1], [0], [0], [0, 0, 1, 0], [], []>, transpose_lhs_hint = false} : vector<2000x128xf32>, vector<128x128xf32>, vector<2000x128xf32> -> vector<2000x128xf32>
    %get3A_23 = arith.constant 0 : index
    %get3A_24 = arith.constant 0 : index
    %get3A_25 = vector.load %arg5[%get3A_23, %get3A_24] : memref<1x128xf32, #tpu.memory_space<vmem>>, vector<1x128xf32>
    %add3A_26 = vector.broadcast %get3A_25 : vector<1x128xf32> to vector<2000x128xf32>
    %add3A_27 = arith.addf %dot_general3A_22, %add3A_26 : vector<2000x128xf32>
    %mul3A_28 = arith.constant 0.999994993 : f32
    %mul3A_29 = vector.broadcast %mul3A_28 : f32 to vector<2000x128xf32>
    %mul3A_30 = arith.mulf %add3A_27, %mul3A_29 : vector<2000x128xf32>
    %max3A = arith.constant 0.000000e+00 : f32
    %max3A_31 = vector.broadcast %max3A : f32 to vector<2000x128xf32>
    %max3A_32 = arith.maximumf %mul3A_30, %max3A_31 : vector<2000x128xf32>
    %get3A_33 = arith.constant 0 : index
    %get3A_34 = arith.constant 0 : index
    %get3A_35 = vector.load %arg6[%get3A_33, %get3A_34] : memref<128x128xf32, #tpu.memory_space<vmem>>, vector<128x128xf32>
    %dot_general3A_36 = arith.constant dense<0.000000e+00> : vector<2000x128xf32>
    %dot_general3A_37 = tpu.matmul %max3A_32, %get3A_35, %dot_general3A_36 {dimension_numbers = #tpu.dot_dimension_numbers<[1], [1], [0], [0], [0, 0, 1, 0], [], []>, transpose_lhs_hint = false} : vector<2000x128xf32>, vector<128x128xf32>, vector<2000x128xf32> -> vector<2000x128xf32>
    %get3A_38 = arith.constant 0 : index
    %get3A_39 = arith.constant 0 : index
    %get3A_40 = vector.load %arg7[%get3A_38, %get3A_39] : memref<1x128xf32, #tpu.memory_space<vmem>>, vector<1x128xf32>
    %add3A_41 = vector.broadcast %get3A_40 : vector<1x128xf32> to vector<2000x128xf32>
    %add3A_42 = arith.addf %dot_general3A_37, %add3A_41 : vector<2000x128xf32>
    %mul3A_43 = arith.constant 0.999994993 : f32
    %mul3A_44 = vector.broadcast %mul3A_43 : f32 to vector<2000x128xf32>
    %mul3A_45 = arith.mulf %add3A_42, %mul3A_44 : vector<2000x128xf32>
    %swap3A = arith.constant 0 : index
    %swap3A_46 = arith.constant 0 : index
    %swap3A_47 = vector.load %arg9[%swap3A, %swap3A_46] : memref<2000x128xf32, #tpu.memory_space<vmem>>, vector<2000x128xf32>
    tpu.vector_store %arg9[%swap3A, %swap3A_46], %mul3A_45 {strides = array<i32>} : memref<2000x128xf32, #tpu.memory_space<vmem>>, vector<2000x128xf32>,
    return
  }
  func.func @transform_0(%arg0: i32) -> (i32, i32) {
    %c0_i32 = arith.constant 0 : i32
    %c0_i32_0 = arith.constant 0 : i32
    return %arg0, %c0_i32 : i32, i32
  }
  func.func @transform_1(%arg0: i32) -> (i32, i32, i32) {
    %c0_i32 = arith.constant 0 : i32
    %c0_i32_0 = arith.constant 0 : i32
    %c0_i32_1 = arith.constant 0 : i32
    return %c0_i32, %arg0, %c0_i32_0 : i32, i32, i32
  }
  func.func @transform_2(%arg0: i32) -> (i32, i32) {
    %c0_i32 = arith.constant 0 : i32
    %c0_i32_0 = arith.constant 0 : i32
    return %arg0, %c0_i32 : i32, i32
  }
  func.func @transform_3(%arg0: i32) -> (i32, i32) {
    %c0_i32 = arith.constant 0 : i32
    %c0_i32_0 = arith.constant 0 : i32
    %c0_i32_1 = arith.constant 0 : i32
    return %c0_i32, %c0_i32_0 : i32, i32
  }
  func.func @transform_4(%arg0: i32) -> (i32, i32) {
    %c0_i32 = arith.constant 0 : i32
    %c0_i32_0 = arith.constant 0 : i32
    %c0_i32_1 = arith.constant 0 : i32
    return %c0_i32, %c0_i32_0 : i32, i32
  }
  func.func @transform_5(%arg0: i32) -> (i32, i32) {
    %c0_i32 = arith.constant 0 : i32
    %c0_i32_0 = arith.constant 0 : i32
    %c0_i32_1 = arith.constant 0 : i32
    return %c0_i32, %c0_i32_0 : i32, i32
  }
  func.func @transform_6(%arg0: i32) -> (i32, i32) {
    %c0_i32 = arith.constant 0 : i32
    %c0_i32_0 = arith.constant 0 : i32
    %c0_i32_1 = arith.constant 0 : i32
    return %c0_i32, %c0_i32_0 : i32, i32
  }
  func.func @transform_7(%arg0: i32) -> (i32, i32) {
    %c0_i32 = arith.constant 0 : i32
    %c0_i32_0 = arith.constant 0 : i32
    %c0_i32_1 = arith.constant 0 : i32
    return %c0_i32, %c0_i32_0 : i32, i32
  }
  func.func @transform_8(%arg0: i32) -> (i32, i32) {
    %c0_i32 = arith.constant 0 : i32
    %c0_i32_0 = arith.constant 0 : i32
    return %arg0, %c0_i32 : i32, i32
  }
}

</mosaic_0001>

<sc_bundles>
// kernel: kernel.12.cloned.1.call-start
scs
__scs_entry_jumppad:
0x0: {  	(pc) =	sbr.rel $0x88, $3  }
0x1: {  	(tag) =	ssettag $0x0;
	lr =	simm.s32 $0x1  }
0x2: {  	[smem:$0x3F91] =	sst lr;
	_ =	strace $0xD0000000  }
0x3: {  	_ = 	snop  }
0x4: {  	_ = 	snop  }
0x5: {  	_ = 	snop  }
0x6: {  	_ = 	snop  }
0x7: {  	_ = 	snop  }
__scs_overlays_trampoline_lowered:
0x8: {  	[smem:$0x3FA0] =	sst s0  }
0x9: {  	[smem:$0x3FA1] =	sst s1  }
0xa: {  	[smem:$0x3FA2] =	sst s2  }
0xb: {  	[smem:$0x3FA3] =	sst s3  }
0xc: {  	[smem:$0x3FA4] =	sst s4  }
0xd: {  	[smem:$0x3FA5] =	sst s5  }
0xe: {  	[smem:$0x3FA6] =	sst s6  }
0xf: {  	[smem:$0x3FA7] =	sst s7  }
0x10: {  	[smem:$0x3FA8] =	sst s8  }
0x11: {  	[smem:$0x3FA9] =	sst s9;
	s0 =	simm.s32 @!p0 $0x0  }
0x12: {  	s1 =	sld [smem:$0x3F8F];
	s0 =	simm.s32 @p0 $0x1  }
0x13: {  	[smem:$0x3FAA] =	sst s0;
	s0 =	simm.s32 @!p1 $0x0  }
0x14: {  	s2 =	sld [smem:$0x3F8E];
	s0 =	simm.s32 @p1 $0x1  }
0x15: {  	[smem:$0x3FAB] =	sst s0;
	s0 =	simm.s32 @!p2 $0x0  }
0x16: {  	s3 =	sld [smem:$0x3FDB];
	s0 =	simm.s32 @p2 $0x1  }
0x17: {  	s4 =	simm.s32 $0x1BF5;
	[smem:$0x3FAD] =	sst s0  }
0x18: {  	s0 =	sld [smem:$0x3F90];
	_ =	swait.ge [sflag:s4], $0x0  }
0x19: {  	s7 =	sld [smem:$0x3F91]  }
0x1a: {  	s8 =	sadd.s32 $0xFFFFE003, lr  }
0x1b: {  	s9 =	sadd.s32 $0xFFFFFEF7, lr;
	s5 =	simm.s32 $0xFFFFFFFF;
	p2 =	slt.u32 s8, $0xFFFFF086  }
0x1c: {  	p1 =	slt.u32 s9, $0xF7A;
	s5 =	simm.s32 @!p2 $0x0  }
0x1d: {  	s5 =	simm.s32 @p1 $0x1;
	p0 =	seq.s32 s7, s2  }
0x1e: {  	s7 =	smul.u32 @!p0 $0xF7A, s2;
	p2 =	seq.s32 @!p0 s5, $0x0  }
0x1f: {  	s9 =	smul.u32 $0xF7A, s1;
	s8 =	simm.s32 @!p0 $0x1BF5;
	p2 =	por !p2, p0  }
0x20: {  	[sflag:s8] =	ssyncset.s32 @!p0 $0xFFFFF086;
	s6 =	sadd.s32 @!p0 s3, s7;
	s7 =	simm.s32 @!p0 $0x108  }
0x21: {  	s3 =	sadd.s32 s3, s9;
	s6 =	sadd.s32 @!p0 $0x88, s6;
	s7 =	simm.s32 @p2 $0x1082  }
0x22: {  	[simem:s7], [sflag:s8] =	dma.local @!p0 [hbm:s6], $0xF7A  }
0x23: {  	s9 =	sor.u32 $0xD0000000, s2;
	s6 =	simm.s32 $0x108;
	_ =	swait.ge @!p0 [sflag:s8], $0x0  }
0x24: {  	s3 =	sadd.s32 $0x88, s3;
	s6 =	simm.s32 @!p1 $0x1082;
	[sflag:s4] =	ssyncset.s32 $0xFFFFF086  }
0x25: {  	[simem:s6], [sflag:s4] =	dma.local [hbm:s3], $0xF7A  }
0x26: {  	[smem:$0x3F91] =	sst s1;
	(tag) =	ssettag s2;
	_ =	strace s9  }
0x27: {  	s1 =	sld [smem:$0x3FA1]  }
0x28: {  	s2 =	sld [smem:$0x3FA2]  }
0x29: {  	s4 =	sld [smem:$0x3FA4]  }
0x2a: {  	p0 =	seq.s32 s5, $0x0;
	s5 =	sld [smem:$0x3FA5]  }
0x2b: {  	s6 =	sld [smem:$0x3FA6]  }
0x2c: {  	s7 =	sld [smem:$0x3FA7]  }
0x2d: {  	s3 =	simm.s32 $0x108;
	s8 =	sld [smem:$0x3FA8]  }
0x2e: {  	s3 =	simm.s32 @!p0 $0x1082;
	s9 =	sld [smem:$0x3FA9]  }
0x2f: {  	lr =	sadd.s32 s0, s3;
	s0 =	sld [smem:$0x3FA0]  }
0x30: {  	s3 =	sld [smem:$0x3FA3]  }
0x31: {  	[smem:$0x3FAC] =	sst s10  }
0x32: {  	s10 =	sld [smem:$0x3FAA];
	_ =	sdelay $0x3  }
0x33: {  	p0 =	seq.s32 s10, $0x1;
	s10 =	sld [smem:$0x3FAC];
	_ =	sdelay $0x3  }
0x34: {  	[smem:$0x3FAC] =	sst s10  }
0x35: {  	s10 =	sld [smem:$0x3FAB];
	_ =	sdelay $0x3  }
0x36: {  	p1 =	seq.s32 s10, $0x1;
	s10 =	sld [smem:$0x3FAC];
	_ =	sdelay $0x3  }
0x37: {  	[smem:$0x3FAC] =	sst s10  }
0x38: {  	s10 =	sld [smem:$0x3FAD]  }
0x39: {  	_ = 	snop;
	(pc) =	sbr.ind lr, $3  }
0x3a: {  	_ = 	snop  }
0x3b: {  	_ = 	snop  }
0x3c: {  	p2 =	seq.s32 s10, $0x1;
	s10 =	sld [smem:$0x3FAC]  }
0x3d: {  	_ =	shalt  }
0x3e: {  	_ =	shalt  }
0x3f: {  	_ =	shalt  }
0x40: {  	_ =	shalt  }
0x41: {  	_ =	shalt  }
0x42: {  	_ =	shalt  }
0x43: {  	_ =	shalt  }
0x44: {  	_ =	shalt  }
0x45: {  	_ =	shalt  }
0x46: {  	_ =	shalt  }
0x47: {  	_ =	shalt  }
0x48: {  	_ =	shalt  }
0x49: {  	_ =	shalt  }
0x4a: {  	_ =	shalt  }
0x4b: {  	_ =	shalt  }
0x4c: {  	_ =	shalt  }
0x4d: {  	_ =	shalt  }
0x4e: {  	_ =	shalt  }
0x4f: {  	_ =	shalt  }
0x50: {  	_ =	shalt  }
0x51: {  	_ =	shalt  }
0x52: {  	_ =	shalt  }
0x53: {  	_ =	shalt  }
0x54: {  	_ =	shalt  }
0x55: {  	_ =	shalt  }
0x56: {  	_ =	shalt  }
0x57: {  	_ =	shalt  }
0x58: {  	_ =	shalt  }
0x59: {  	_ =	shalt  }
0x5a: {  	_ =	shalt  }
0x5b: {  	_ =	shalt  }
0x5c: {  	_ =	shalt  }
0x5d: {  	_ =	shalt  }
0x5e: {  	_ =	shalt  }
0x5f: {  	_ =	shalt  }
0x60: {  	_ =	shalt  }
0x61: {  	_ =	shalt  }
0x62: {  	_ =	shalt  }
0x63: {  	_ =	shalt  }
0x64: {  	_ =	shalt  }
0x65: {  	_ =	shalt  }
0x66: {  	_ =	shalt  }
0x67: {  	_ =	shalt  }
0x68: {  	_ =	shalt  }
0x69: {  	_ =	shalt  }
0x6a: {  	_ =	shalt  }
0x6b: {  	_ =	shalt  }
0x6c: {  	_ =	shalt  }
0x6d: {  	_ =	shalt  }
0x6e: {  	_ =	shalt  }
0x6f: {  	_ =	shalt  }
0x70: {  	_ =	shalt  }
0x71: {  	_ =	shalt  }
0x72: {  	_ =	shalt  }
0x73: {  	_ =	shalt  }
0x74: {  	_ =	shalt  }
0x75: {  	_ =	shalt  }
0x76: {  	_ =	shalt  }
0x77: {  	_ =	shalt  }
0x78: {  	_ =	shalt  }
0x79: {  	_ =	shalt  }
0x7a: {  	_ =	shalt  }
0x7b: {  	_ =	shalt  }
0x7c: {  	_ =	shalt  }
0x7d: {  	_ =	shalt  }
0x7e: {  	_ =	shalt  }
0x7f: {  	_ =	shalt  }
0x80: {  	_ =	shalt  }
0x81: {  	_ =	shalt  }
0x82: {  	_ =	shalt  }
0x83: {  	_ =	shalt  }
0x84: {  	_ =	shalt  }
0x85: {  	_ =	shalt  }
0x86: {  	_ =	shalt  }
0x87: {  	_ =	shalt  }
.Lfunc_end0:
.L_simem_size_0:
called_computation_lowered:
.L_overlay_start_0:
0x88: {  	s2 =	sld [smem:$0x3FD9]  }
0x89: {  	s3 =	sld [smem:$0x3FFE];
	_ =	sdelay $0x1  }
0x8a: {  	s1 =	srdreg.scid  }
0x8b: {  	s0 =	sand.u32 $0x1, s1  }
0x8c: {  	s17 =	sshll.u32 s0, $0xA;
	s2 =	sadd.s32 s3, s2  }
0x8d: {  	s2 =	sadd.s32 s2, s17  }
0x8e: {  	[smem:$0x3FB8] =	sst s2  }
0x8f: {  	_ = 	snop  }
0x90: {  	s2 =	sld [smem:$0x3FD0];
	(tm) =	ssettm $0x1  }
0x91: {  	s18 =	sld [smem:$0x3FFB];
	_ =	sdelay $0x3  }
0x92: {  	_ =	strace s18  }
0x93: {  	s3 =	sld [smem:$0x3FFC];
	_ =	sdelay $0x3  }
0x94: {  	_ =	strace s3  }
0x95: {  	s3 =	sld [smem:$0x3FFD];
	_ =	sdelay $0x3  }
0x96: {  	_ =	strace s3  }
0x97: {  	_ =	strace $0x8FFFFFFF  }
0x98: {  	s19 =	sld [smem:$0x3FDB];
	_ =	sdelay $0x1  }
0x99: {  	s4 =	simm.s32 $_scs_section_size  }
0x9a: {  	s5 =	simm.s32 $_size__tile_overlayer_lowered;
	s6 =	simm.s32 $_tile_overlayer_lowered  }
0x9b: {  	s22 =	simm.s32 $0x1BFF;
	s21 =	sshll.u32 s6, $0x1;
	s3 =	sadd.s32 s4, s19  }
0x9c: {  	s7 =	simm.s32 $0x0;
	s20 =	sshll.u32 s5, $0x1;
	s5 =	sadd.s32 s21, s3  }
0x9d: {  	[timem:s7], [sflag:s22] =	dma.local [hbm:s5], s20  }
0x9e: {  	_ =	swait.ge [sflag:s22], s20  }
0x9f: {  	s4 =	ssub.s32 $0x0, s20;
	[sflag:s22] =	ssyncset.done $0x0  }
0xa0: {  	[sflag:s22] =	ssyncadd.s32 s4;
	_ =	sdelay $0x1  }
0xa1: {  	s23 =	simm.s32 $0x1B8B  }
0xa2: {  	_ =	swait.ge [sflag:s23], $0x1  }
0xa3: {  	[sflag:s23] =	ssyncset.done $0x0  }
0xa4: {  	s25 =	simm.s32 $0x1B8E;
	s24 =	sld [smem:$0x3FFE];
	[sflag:s23] =	ssyncadd.s32 $0xFFFFFFFF  }
0xa5: {  	s26 =	simm.s32 $execute0_lowered;
	[smem:$0x3FD2] =	sst s25  }
0xa6: {  	s5 =	sshll.u32 s26, $0x1;
	_ =	strace $0x80000046;
	[dreg:$0x1] =	wrdreg $0xFFFFFFFF  }
0xa7: {  	s28 =	simm.s32 $_size_execute0_lowered;
	s3 =	sadd.s32 s3, s5;
	[dreg:$0x0] =	wrdreg $0x0  }
0xa8: {  	s5 =	sshll.u32 s28, $0x1;
	[dreg:$0x2] =	wrdreg s3  }
0xa9: {  	[dreg:$0x3] =	wrdreg s5  }
0xaa: {  	[dreg:$0x4] =	wrdreg $0xC0  }
0xab: {  	_ =	task [dreg:s7], $0x5FFFF  }
0xac: {  	[dreg:$0x1] =	wrdreg $0xFFFFFFFF  }
0xad: {  	[dreg:$0x0] =	wrdreg $0x60  }
0xae: {  	[dreg:$0x2] =	wrdreg s24  }
0xaf: {  	[dreg:$0x3] =	wrdreg s2  }
0xb0: {  	[dreg:$0x4] =	wrdreg $0x81800  }
0xb1: {  	[dreg:$0x5] =	wrdreg $0x9  }
0xb2: {  	_ =	task.clear_ibuf [dreg:s7], $0x6FFFF;
	_ =	strace $0x90000046  }
0xb3: {  	s29 =	simm.s32 $0x9;
	_ =	strace $0x80000048  }
0xb4: {  	_ =	swait.ge [sflag:s29], $0x1  }
0xb5: {  	[sflag:s29] =	ssyncadd.s32 $0xFFFFFFFF  }
0xb6: {  	_ =	strace $0x90000048  }
0xb7: {  	_ =	sfence  }
0xb8: {  	s30 =	sld [smem:$0x0];
	_ =	sdelay $0x2  }
0xb9: {  	s31 =	sshll.u32 s1, $0xD;
	s1 =	sshrl.u32 s1, $0x2  }
0xba: {  	s3 =	sand.u32 $0x4000, s31;
	s1 =	sadd.s32 s1, s30  }
0xbb: {  	s0 =	sor.u32 s3, s0;
	s1 =	sshll.u32 s1, $0x11  }
0xbc: {  	s0 =	sor.u32 s1, s0  }
0xbd: {  	s0 =	sadd.s32 $0x8F2B, s0  }
0xbe: {  	[sflag:s0] =	ssyncadd.remote.s32 $0x1  }
0xbf: {  	_ =	sfence.sel $0xFFFF  }
0xc0: {  	[dreg:$0x0] =	wrdreg $0xFFFFFFFF;
	(pc) =	sbr.abs _section_cstart, $3  }
0xc1: {  	[dreg:$0x1] =	wrdreg $0xFFFFFFFF  }
0xc2: {  	_ =	task.clear_ibuf [dreg:s7], $0x2FFFF;
	_ =	strace $0x9FFFFFFF  }
0xc3: {  	(tm) =	ssettm $0x7FFFFFFF  }
tec
execute0_lowered:
.L_overlay_start_1:
0x0: {  	(tag) =	ssettag $0x1  }
0x1: {  	s12 =	rddreg [dreg:$0x0]  }
0x2: {  	s15 =	rddreg [dreg:$0x1]  }
0x3: {  	s1 =	rddreg [dreg:$0x2]  }
0x4: {  	s0 =	rddreg [dreg:$0x3]  }
0x5: {  	s3 =	simm.s32 $0x0;
	s2 =	stileid.u32;
	s6 =	srdreg.scid  }
0x6: {  	s22 =	simm.s32 $0x180;
	s23 =	simm.s32 $0x1;
	s24 =	simm.s32 $0x4180  }
0x7: {  	s25 =	simm.s32 $0x2;
	[smem:$0x7FF] =	sst s3;
	s4 =	sadd.s32 $0x22600, s12  }
0x8: {  	s5 =	sadd.s32 $0x49800, s12;
	s13 =	smul.u32 $0x2700, s2;
	s14 =	sand.u32 $0x1, s6  }
0x9: {  	s6 =	sadd.s32 $0xEA00, s12;
	s10 =	smul.u32 $0x4E000, s2;
	s7 =	sadd.s32 $0x4C00, s12  }
0xa: {  	s8 =	sadd.s32 $0x18800, s12;
	s30 =	sshll.u32 s2, $0x6;
	s19 =	sadd.s32 $0x138000, s1  }
0xb: {  	p0 =	slt.u32 s2, $0x2;
	s21 =	sshll.u32 s2, $0x8;
	s31 =	smul.u32 $0x27100, s14  }
0xc: {  	_ =	strace $0x80000047;
	s9 =	ssub.s32 $0x2, s14;
	s20 =	smul.u32 $0x138800, s14  }
0xd: {  	s14 =	sshll.u32 s14, $0x7;
	s11 =	sshrl.u32 s9, $0x1;
	s16 =	sadd.s32 s13, s12  }
0xe: {  	s29 =	sshrl.u32 s10, $0x2;
	s10 =	sor.u32 $0x1C03, s30;
	s12 =	sadd.s32 $0x80800, s12  }
0xf: {  	s17 =	ssub.s32 s9, s11;
	s18 =	sadd.s32 s29, s1;
	s9 =	sadd.s32 $0x59800, s16  }
0x10: {  	s11 =	simm.s32 $0x4F;
	s16 =	sadd.s32 s13, s31;
	s20 =	sshrl.u32 s20, $0x3  }
0x11: {  	s13 =	sor.u32 s14, s21;
	s21 =	simm.s32 $0x80;
	s11 =	simm.s32 @!p0 $0x4E  }
0x12: {  	s14 =	sadd.s32 s15, s16;
	s15 =	sadd.s32 s15, s20;
	s16 =	smax.u32 s17, $0x1  }
0x13: {  	p0 =	sne.s32 s2, $0xF;
	s17 =	sshrl.u32 s18, $0x3;
	s18 =	simm.s32 $0x3  }
0x14: {  	s20 =	simm.s32 $0x100;
	s15 =	sadd.s32 $0x27000, s15;
	s19 =	sshrl.u32 @!p0 s19, $0x3  }
.LBB2_1:
0x15: {  	[spmem:s17], [sflag:s10] =	dma.local [hbm:s9], $0x2700  }
0x16: {  	_ =	swait.ge [sflag:s18], $0x2700  }
0x17: {  	[sflag:s18] =	ssyncset.done $0x0  }
0x18: {  	s26 =	simm.s32 @!p0 $0x3;
	[sflag:s18] =	ssyncadd.s32 $0xFFFFD900  }
0x19: {  	[spmem:s19], [sflag:s10] =	dma.local @!p0 [hbm:s12], $0x100  }
0x1a: {  	_ =	swait.ge @!p0 [sflag:s26], $0x100  }
0x1b: {  	[sflag:s26] =	ssyncset.done @!p0 $0x0  }
0x1c: {  	[sflag:s26] =	ssyncadd.s32 @!p0 $0xFFFFFF00  }
0x1d: {  	s26 =	simm.s32 $0x0;
	[bflag:$0x0] =	sbarrier.arrive $0xFFFF  }
.LBB2_2:
0x1e: {  	s28 =	sshll.u32 s26, $0xC  }
0x1f: {  	s28 =	sor.u32 s13, s28  }
0x20: {  	s28 =	sshrl.u32 s28, $0x3  }
0x21: {  	s30 =	simm.s32 $0x0;
	s29 =	sadd.s32 s6, s28  }
0x22: {  	[tilespmem:s30], [sflag:$0x3] =	stream.linear.gather [hbm4b:s29+s30], $0x80, $0x38;
	[tilespmem:$0x1BA00] =	vst v63  }
0x23: {  	_ =	swait.ge [sflag:s18], $0x80  }
0x24: {  	[sflag:s18] =	ssyncset.done $0x0  }
0x25: {  	s29 =	sadd.s32 s8, s28;
	[sflag:s18] =	ssyncadd.s32 $0xFFFFFF80  }
0x26: {  	[tilespmem:s20], [sflag:$0x3] =	stream.linear.gather [hbm4b:s29+s30], $0x80, $0x38;
	[tilespmem:$0x1BA00] =	vst v63  }
0x27: {  	_ =	swait.ge [sflag:s18], $0x80  }
0x28: {  	[sflag:s18] =	ssyncset.done $0x0  }
0x29: {  	s28 =	sadd.s32 s7, s28;
	[sflag:s18] =	ssyncadd.s32 $0xFFFFFF80  }
0x2a: {  	[tilespmem:s21], [sflag:$0x3] =	stream.linear.gather [hbm4b:s28+s30], $0x80, $0x38;
	[tilespmem:$0x1BA00] =	vst v63  }
0x2b: {  	_ =	swait.ge [sflag:s18], $0x80  }
0x2c: {  	[sflag:s18] =	ssyncset.done $0x0  }
0x2d: {  	[sflag:s18] =	ssyncadd.s32 $0xFFFFFF80  }
0x2e: {  	[tilespmem:s22], [sflag:$0x1] =	stream.indirect.gather [hbm4b:s4+s21], $0x80, s30, s21, $0xb8;
	[tilespmem:$0x1BA00] =	vst v63  }
0x2f: {  	_ =	swait.ge [sflag:s23], $0x4000  }
0x30: {  	[sflag:s23] =	ssyncset.done $0x0  }
0x31: {  	[sflag:s23] =	ssyncadd.s32 $0xFFFFC000  }
0x32: {  	[tilespmem:s24], [sflag:$0x2] =	stream.indirect.gather [hbm4b:s5+s21], $0x80, s20, s21, $0xb8;
	[tilespmem:$0x1BA00] =	vst v63  }
0x33: {  	_ =	swait.ge [sflag:s25], $0x4000  }
0x34: {  	[sflag:s25] =	ssyncset.done $0x0  }
0x35: {  	s28 =	simm.s32 $0x0;
	[sflag:s25] =	ssyncadd.s32 $0xFFFFC000  }
0x36: {  	v6 =	vld [tilespmem:s28+$0x4180]  }
0x37: {  	v11 =	vld [tilespmem:s28+$0x4190]  }
0x38: {  	v5 =	vld [tilespmem:s28+$0x41A0]  }
0x39: {  	v4 =	vld [tilespmem:s28+$0x41B0]  }
0x3a: {  	v3 =	vld [tilespmem:s28+$0x41C0]  }
0x3b: {  	v2 =	vld [tilespmem:s28+$0x41D0]  }
0x3c: {  	v1 =	vld [tilespmem:s28+$0x41E0]  }
0x3d: {  	v0 =	vld [tilespmem:s28+$0x41F0]  }
0x3e: {  	v12 =	vld [tilespmem:s28+$0x180]  }
0x3f: {  	v13 =	vld [tilespmem:s28+$0x190]  }
0x40: {  	v10 =	vld [tilespmem:s28+$0x1A0]  }
0x41: {  	v9 =	vld [tilespmem:s28+$0x1B0]  }
0x42: {  	v8 =	vld [tilespmem:s28+$0x1C0]  }
0x43: {  	v7 =	vld [tilespmem:s28+$0x1D0];
	v12 =	vadd.f32 v6, v12  }
0x44: {  	s29 =	simm.s32 $0x200;
	v11 =	vadd.f32 v11, v13;
	v6 =	vld [tilespmem:s28+$0x1E0]  }
.LBB2_3:
0x45: {  	s30 =	sshra.s32 s29, $0x2;
	p1 =	sne.s32 s29, $0xFE00;
	v12 =	vmax.f32 v12, $0.0e+00;
	v5 =	vadd.f32 v5, v10;
	v10 =	vld [tilespmem:s28+$0x1F0]  }
0x46: {  	v13 =	vld [tilespmem:s30+$0x4180];
	[tilespmem:s28+$0x180] =	vst v12;
	v11 =	vmax.f32 v11, $0.0e+00;
	v4 =	vadd.f32 v4, v9  }
0x47: {  	v14 =	vld [tilespmem:s30+$0x4190];
	[tilespmem:s28+$0x190] =	vst v11;
	v9 =	vmax.f32 v5, $0.0e+00;
	v3 =	vadd.f32 v3, v8  }
0x48: {  	v5 =	vld [tilespmem:s30+$0x41A0];
	[tilespmem:s28+$0x1A0] =	vst v9;
	v8 =	vmax.f32 v4, $0.0e+00;
	v2 =	vadd.f32 v2, v7  }
0x49: {  	v4 =	vld [tilespmem:s30+$0x41B0];
	[tilespmem:s28+$0x1B0] =	vst v8;
	v7 =	vmax.f32 v3, $0.0e+00;
	v1 =	vadd.f32 v1, v6  }
0x4a: {  	v3 =	vld [tilespmem:s30+$0x41C0];
	[tilespmem:s28+$0x1C0] =	vst v7;
	v6 =	vmax.f32 v2, $0.0e+00;
	v0 =	vadd.f32 v0, v10  }
0x4b: {  	v2 =	vld [tilespmem:s30+$0x41D0];
	[tilespmem:s28+$0x1D0] =	vst v6;
	v6 =	vmax.f32 v1, $0.0e+00  }
0x4c: {  	v1 =	vld [tilespmem:s30+$0x41E0];
	[tilespmem:s28+$0x1E0] =	vst v6;
	v6 =	vmax.f32 v0, $0.0e+00  }
0x4d: {  	v0 =	vld [tilespmem:s30+$0x41F0];
	[tilespmem:s28+$0x1F0] =	vst v6;
	s28 =	smov.u32 s30  }
0x4e: {  	v6 =	vld [tilespmem:s28+$0x180]  }
0x4f: {  	v11 =	vld [tilespmem:s28+$0x190]  }
.Ltmp0:
0x50: {  	v10 =	vld [tilespmem:s28+$0x1A0];
	(pc) =	sbr.rel @p1 .LBB2_3-.Ltmp0, $4  }
0x51: {  	v9 =	vld [tilespmem:s28+$0x1B0]  }
0x52: {  	v8 =	vld [tilespmem:s28+$0x1C0]  }
0x53: {  	v12 =	vadd.f32 v13, v6;
	v7 =	vld [tilespmem:s28+$0x1D0]  }
0x54: {  	s29 =	sadd.s32 $0x200, s29;
	v11 =	vadd.f32 v14, v11;
	v6 =	vld [tilespmem:s28+$0x1E0]  }
0x55: {  	v12 =	vmax.f32 v12, $0.0e+00;
	v5 =	vadd.f32 v5, v10;
	v63 =	vld [tilespmem:s28+$0x1F0]  }
0x56: {  	[tilespmem:s28+$0x180] =	vst v12;
	v11 =	vmax.f32 v11, $0.0e+00;
	v4 =	vadd.f32 v4, v9  }
0x57: {  	[tilespmem:s28+$0x190] =	vst v11;
	v5 =	vmax.f32 v5, $0.0e+00;
	v3 =	vadd.f32 v3, v8  }
0x58: {  	[tilespmem:s28+$0x1A0] =	vst v5;
	v4 =	vmax.f32 v4, $0.0e+00;
	v2 =	vadd.f32 v2, v7  }
0x59: {  	[tilespmem:s28+$0x1B0] =	vst v4;
	v3 =	vmax.f32 v3, $0.0e+00;
	v1 =	vadd.f32 v1, v6  }
0x5a: {  	[tilespmem:s28+$0x1C0] =	vst v3;
	v2 =	vmax.f32 v2, $0.0e+00;
	v0 =	vadd.f32 v0, v63  }
0x5b: {  	s26 =	sadd.s32 $0x1, s26;
	[tilespmem:s28+$0x1D0] =	vst v2;
	v1 =	vmax.f32 v1, $0.0e+00  }
0x5c: {  	p1 =	sne.s32 s26, s11;
	[tilespmem:s28+$0x1E0] =	vst v1;
	v0 =	vmax.f32 v0, $0.0e+00  }
.Ltmp1:
0x5d: {  	[tilespmem:s28+$0x1F0] =	vst v0;
	(pc) =	sbr.rel @p1 .LBB2_2-.Ltmp1, $4  }
0x5e: {  	[spmem:s1] =	stream.indirect.scatter.add.f32 [tilespmem:s22], [sflag:$0x3], $0x80, s21, s21, $0xb8;
	[tilespmem:$0x1BA00] =	vst v63  }
0x5f: {  	_ =	swait.ge [sflag:s18], $0x4000  }
0x60: {  	[sflag:s18] =	ssyncset.done $0x0  }
0x61: {  	[sflag:s18] =	ssyncadd.s32 $0xFFFFC000  }
0x62: {  	[bflag:$0x0] =	sbarrier.arrive $0xFFFF  }
0x63: {  	[hbm:s14], [sflag:s10] =	dma.local [spmem:s17], $0x2700  }
0x64: {  	s3 =	sadd.s32 $0x1, s3;
	_ =	swait.ge [sflag:s18], $0x2700  }
0x65: {  	p1 =	sne.s32 s3, s16;
	[sflag:s18] =	ssyncset.done $0x0  }
.Ltmp2:
0x66: {  	s26 =	simm.s32 @!p0 $0x3;
	[sflag:s18] =	ssyncadd.s32 $0xFFFFD900;
	(pc) =	sbr.rel @p1 .LBB2_1-.Ltmp2, $4  }
0x67: {  	[hbm:s15], [sflag:s10] =	dma.local @!p0 [spmem:s19], $0x100  }
0x68: {  	_ =	swait.ge @!p0 [sflag:s26], $0x100  }
0x69: {  	[sflag:s26] =	ssyncset.done @!p0 $0x0  }
0x6a: {  	[sflag:s26] =	ssyncadd.s32 @!p0 $0xFFFFFF00  }
0x6b: {  	_ =	sfence.sel $0x180000  }
0x6c: {  	[bflag:$0x0] =	sbarrier.arrive $0xFFFF  }
0x6d: {  	p0 =	sne.s32 s2, $0x0;
	_ =	strace $0x90000047  }
0x6e: {  	s0 =	sadd.s32 @!p0 $0x100000, s0;
	[bflag:$0x2] =	sbarrier.arrive $0xFFFF  }
0x6f: {  	[sflag:s0] =	ssyncadd.tile.s32 @!p0 $0x1;
	_ =	shalt  }
.Lfunc_end2:
_tile_overlayer_lowered:
.L_overlay_start_2:
0x70: {  	(tag) =	ssettag $0x2  }
0x71: {  	s0 =	rddreg [dreg:$0x0];
	s2 =	stileid.u32  }
0x72: {  	s1 =	rddreg [dreg:$0x1];
	p0 =	sne.s32 s2, $0x0  }
0x73: {  	s3 =	rddreg [dreg:$0x2];
	[bflag:$0x3] =	sbarrier.arrive $0xFFFF;
	s2 =	simm.s32 @!p0 $0x1C03  }
0x74: {  	[timem:s3], [sflag:s2] =	dma.local @!p0 [hbm:s0], s1  }
0x75: {  	s0 =	simm.s32 @!p0 $0x3  }
0x76: {  	_ =	swait.ge @!p0 [sflag:s0], s1  }
0x77: {  	s1 =	ssub.s32 @!p0 $0x0, s1;
	[sflag:s0] =	ssyncset.done @!p0 $0x0  }
0x78: {  	[sflag:s0] =	ssyncadd.s32 @!p0 s1  }
0x79: {  	[bflag:$0x3] =	sbarrier.arrive $0xFFFF  }
0x7a: {  	_ =	shalt  }

// kernel: kernel.15.cloned.1.call-start
scs
__scs_entry_jumppad:
0x0: {  	(pc) =	sbr.rel $0x88, $3  }
0x1: {  	(tag) =	ssettag $0x0;
	lr =	simm.s32 $0x1  }
0x2: {  	[smem:$0x3F91] =	sst lr;
	_ =	strace $0xD0000000  }
0x3: {  	_ = 	snop  }
0x4: {  	_ = 	snop  }
0x5: {  	_ = 	snop  }
0x6: {  	_ = 	snop  }
0x7: {  	_ = 	snop  }
__scs_overlays_trampoline_lowered:
0x8: {  	[smem:$0x3FA0] =	sst s0  }
0x9: {  	[smem:$0x3FA1] =	sst s1  }
0xa: {  	[smem:$0x3FA2] =	sst s2  }
0xb: {  	[smem:$0x3FA3] =	sst s3  }
0xc: {  	[smem:$0x3FA4] =	sst s4  }
0xd: {  	[smem:$0x3FA5] =	sst s5  }
0xe: {  	[smem:$0x3FA6] =	sst s6  }
0xf: {  	[smem:$0x3FA7] =	sst s7  }
0x10: {  	[smem:$0x3FA8] =	sst s8  }
0x11: {  	[smem:$0x3FA9] =	sst s9;
	s0 =	simm.s32 @!p0 $0x0  }
0x12: {  	s1 =	sld [smem:$0x3F8F];
	s0 =	simm.s32 @p0 $0x1  }
0x13: {  	[smem:$0x3FAA] =	sst s0;
	s0 =	simm.s32 @!p1 $0x0  }
0x14: {  	s2 =	sld [smem:$0x3F8E];
	s0 =	simm.s32 @p1 $0x1  }
0x15: {  	[smem:$0x3FAB] =	sst s0;
	s0 =	simm.s32 @!p2 $0x0  }
0x16: {  	s3 =	sld [smem:$0x3FDB];
	s0 =	simm.s32 @p2 $0x1  }
0x17: {  	s4 =	simm.s32 $0x1BF5;
	[smem:$0x3FAD] =	sst s0  }
0x18: {  	s0 =	sld [smem:$0x3F90];
	_ =	swait.ge [sflag:s4], $0x0  }
0x19: {  	s7 =	sld [smem:$0x3F91]  }
0x1a: {  	s8 =	sadd.s32 $0xFFFFE003, lr  }
0x1b: {  	s9 =	sadd.s32 $0xFFFFFEF7, lr;
	s5 =	simm.s32 $0xFFFFFFFF;
	p2 =	slt.u32 s8, $0xFFFFF086  }
0x1c: {  	p1 =	slt.u32 s9, $0xF7A;
	s5 =	simm.s32 @!p2 $0x0  }
0x1d: {  	s5 =	simm.s32 @p1 $0x1;
	p0 =	seq.s32 s7, s2  }
0x1e: {  	s7 =	smul.u32 @!p0 $0xF7A, s2;
	p2 =	seq.s32 @!p0 s5, $0x0  }
0x1f: {  	s9 =	smul.u32 $0xF7A, s1;
	s8 =	simm.s32 @!p0 $0x1BF5;
	p2 =	por !p2, p0  }
0x20: {  	[sflag:s8] =	ssyncset.s32 @!p0 $0xFFFFF086;
	s6 =	sadd.s32 @!p0 s3, s7;
	s7 =	simm.s32 @!p0 $0x108  }
0x21: {  	s3 =	sadd.s32 s3, s9;
	s6 =	sadd.s32 @!p0 $0x88, s6;
	s7 =	simm.s32 @p2 $0x1082  }
0x22: {  	[simem:s7], [sflag:s8] =	dma.local @!p0 [hbm:s6], $0xF7A  }
0x23: {  	s9 =	sor.u32 $0xD0000000, s2;
	s6 =	simm.s32 $0x108;
	_ =	swait.ge @!p0 [sflag:s8], $0x0  }
0x24: {  	s3 =	sadd.s32 $0x88, s3;
	s6 =	simm.s32 @!p1 $0x1082;
	[sflag:s4] =	ssyncset.s32 $0xFFFFF086  }
0x25: {  	[simem:s6], [sflag:s4] =	dma.local [hbm:s3], $0xF7A  }
0x26: {  	[smem:$0x3F91] =	sst s1;
	(tag) =	ssettag s2;
	_ =	strace s9  }
0x27: {  	s1 =	sld [smem:$0x3FA1]  }
0x28: {  	s2 =	sld [smem:$0x3FA2]  }
0x29: {  	s4 =	sld [smem:$0x3FA4]  }
0x2a: {  	p0 =	seq.s32 s5, $0x0;
	s5 =	sld [smem:$0x3FA5]  }
0x2b: {  	s6 =	sld [smem:$0x3FA6]  }
0x2c: {  	s7 =	sld [smem:$0x3FA7]  }
0x2d: {  	s3 =	simm.s32 $0x108;
	s8 =	sld [smem:$0x3FA8]  }
0x2e: {  	s3 =	simm.s32 @!p0 $0x1082;
	s9 =	sld [smem:$0x3FA9]  }
0x2f: {  	lr =	sadd.s32 s0, s3;
	s0 =	sld [smem:$0x3FA0]  }
0x30: {  	s3 =	sld [smem:$0x3FA3]  }
0x31: {  	[smem:$0x3FAC] =	sst s10  }
0x32: {  	s10 =	sld [smem:$0x3FAA];
	_ =	sdelay $0x3  }
0x33: {  	p0 =	seq.s32 s10, $0x1;
	s10 =	sld [smem:$0x3FAC];
	_ =	sdelay $0x3  }
0x34: {  	[smem:$0x3FAC] =	sst s10  }
0x35: {  	s10 =	sld [smem:$0x3FAB];
	_ =	sdelay $0x3  }
0x36: {  	p1 =	seq.s32 s10, $0x1;
	s10 =	sld [smem:$0x3FAC];
	_ =	sdelay $0x3  }
0x37: {  	[smem:$0x3FAC] =	sst s10  }
0x38: {  	s10 =	sld [smem:$0x3FAD]  }
0x39: {  	_ = 	snop;
	(pc) =	sbr.ind lr, $3  }
0x3a: {  	_ = 	snop  }
0x3b: {  	_ = 	snop  }
0x3c: {  	p2 =	seq.s32 s10, $0x1;
	s10 =	sld [smem:$0x3FAC]  }
0x3d: {  	_ =	shalt  }
0x3e: {  	_ =	shalt  }
0x3f: {  	_ =	shalt  }
0x40: {  	_ =	shalt  }
0x41: {  	_ =	shalt  }
0x42: {  	_ =	shalt  }
0x43: {  	_ =	shalt  }
0x44: {  	_ =	shalt  }
0x45: {  	_ =	shalt  }
0x46: {  	_ =	shalt  }
0x47: {  	_ =	shalt  }
0x48: {  	_ =	shalt  }
0x49: {  	_ =	shalt  }
0x4a: {  	_ =	shalt  }
0x4b: {  	_ =	shalt  }
0x4c: {  	_ =	shalt  }
0x4d: {  	_ =	shalt  }
0x4e: {  	_ =	shalt  }
0x4f: {  	_ =	shalt  }
0x50: {  	_ =	shalt  }
0x51: {  	_ =	shalt  }
0x52: {  	_ =	shalt  }
0x53: {  	_ =	shalt  }
0x54: {  	_ =	shalt  }
0x55: {  	_ =	shalt  }
0x56: {  	_ =	shalt  }
0x57: {  	_ =	shalt  }
0x58: {  	_ =	shalt  }
0x59: {  	_ =	shalt  }
0x5a: {  	_ =	shalt  }
0x5b: {  	_ =	shalt  }
0x5c: {  	_ =	shalt  }
0x5d: {  	_ =	shalt  }
0x5e: {  	_ =	shalt  }
0x5f: {  	_ =	shalt  }
0x60: {  	_ =	shalt  }
0x61: {  	_ =	shalt  }
0x62: {  	_ =	shalt  }
0x63: {  	_ =	shalt  }
0x64: {  	_ =	shalt  }
0x65: {  	_ =	shalt  }
0x66: {  	_ =	shalt  }
0x67: {  	_ =	shalt  }
0x68: {  	_ =	shalt  }
0x69: {  	_ =	shalt  }
0x6a: {  	_ =	shalt  }
0x6b: {  	_ =	shalt  }
0x6c: {  	_ =	shalt  }
0x6d: {  	_ =	shalt  }
0x6e: {  	_ =	shalt  }
0x6f: {  	_ =	shalt  }
0x70: {  	_ =	shalt  }
0x71: {  	_ =	shalt  }
0x72: {  	_ =	shalt  }
0x73: {  	_ =	shalt  }
0x74: {  	_ =	shalt  }
0x75: {  	_ =	shalt  }
0x76: {  	_ =	shalt  }
0x77: {  	_ =	shalt  }
0x78: {  	_ =	shalt  }
0x79: {  	_ =	shalt  }
0x7a: {  	_ =	shalt  }
0x7b: {  	_ =	shalt  }
0x7c: {  	_ =	shalt  }
0x7d: {  	_ =	shalt  }
0x7e: {  	_ =	shalt  }
0x7f: {  	_ =	shalt  }
0x80: {  	_ =	shalt  }
0x81: {  	_ =	shalt  }
0x82: {  	_ =	shalt  }
0x83: {  	_ =	shalt  }
0x84: {  	_ =	shalt  }
0x85: {  	_ =	shalt  }
0x86: {  	_ =	shalt  }
0x87: {  	_ =	shalt  }
.Lfunc_end0:
.L_simem_size_0:
called_computation.1_lowered:
.L_overlay_start_0:
0x88: {  	s2 =	sld [smem:$0x3FD9]  }
0x89: {  	s3 =	sld [smem:$0x3FFE];
	_ =	sdelay $0x1  }
0x8a: {  	s1 =	srdreg.scid  }
0x8b: {  	s0 =	sand.u32 $0x1, s1  }
0x8c: {  	s17 =	sshll.u32 s0, $0xA;
	s2 =	sadd.s32 s3, s2  }
0x8d: {  	s2 =	sadd.s32 s2, s17  }
0x8e: {  	[smem:$0x3FB8] =	sst s2  }
0x8f: {  	_ = 	snop  }
0x90: {  	s2 =	sld [smem:$0x3FD0];
	(tm) =	ssettm $0x1  }
0x91: {  	s18 =	sld [smem:$0x3FFB];
	_ =	sdelay $0x3  }
0x92: {  	_ =	strace s18  }
0x93: {  	s3 =	sld [smem:$0x3FFC];
	_ =	sdelay $0x3  }
0x94: {  	_ =	strace s3  }
0x95: {  	s3 =	sld [smem:$0x3FFD];
	_ =	sdelay $0x3  }
0x96: {  	_ =	strace s3  }
0x97: {  	_ =	strace $0x8FFFFFFF  }
0x98: {  	s19 =	sld [smem:$0x3FDB];
	_ =	sdelay $0x1  }
0x99: {  	s4 =	simm.s32 $_scs_section_size  }
0x9a: {  	s5 =	simm.s32 $_size__tile_overlayer_lowered;
	s6 =	simm.s32 $_tile_overlayer_lowered  }
0x9b: {  	s22 =	simm.s32 $0x1BFF;
	s21 =	sshll.u32 s6, $0x1;
	s3 =	sadd.s32 s4, s19  }
0x9c: {  	s7 =	simm.s32 $0x0;
	s20 =	sshll.u32 s5, $0x1;
	s5 =	sadd.s32 s21, s3  }
0x9d: {  	[timem:s7], [sflag:s22] =	dma.local [hbm:s5], s20  }
0x9e: {  	_ =	swait.ge [sflag:s22], s20  }
0x9f: {  	s4 =	ssub.s32 $0x0, s20;
	[sflag:s22] =	ssyncset.done $0x0  }
0xa0: {  	[sflag:s22] =	ssyncadd.s32 s4;
	_ =	sdelay $0x1  }
0xa1: {  	s23 =	simm.s32 $0x1B8B  }
0xa2: {  	_ =	swait.ge [sflag:s23], $0x1  }
0xa3: {  	[sflag:s23] =	ssyncset.done $0x0  }
0xa4: {  	s25 =	simm.s32 $0x1B8E;
	s24 =	sld [smem:$0x3FFE];
	[sflag:s23] =	ssyncadd.s32 $0xFFFFFFFF  }
0xa5: {  	s26 =	simm.s32 $execute0_lowered;
	[smem:$0x3FD2] =	sst s25  }
0xa6: {  	s5 =	sshll.u32 s26, $0x1;
	_ =	strace $0x80000049;
	[dreg:$0x1] =	wrdreg $0xFFFFFFFF  }
0xa7: {  	s28 =	simm.s32 $_size_execute0_lowered;
	s3 =	sadd.s32 s3, s5;
	[dreg:$0x0] =	wrdreg $0x0  }
0xa8: {  	s5 =	sshll.u32 s28, $0x1;
	[dreg:$0x2] =	wrdreg s3  }
0xa9: {  	[dreg:$0x3] =	wrdreg s5  }
0xaa: {  	[dreg:$0x4] =	wrdreg $0xC0  }
0xab: {  	_ =	task [dreg:s7], $0x5FFFF  }
0xac: {  	[dreg:$0x1] =	wrdreg $0xFFFFFFFF  }
0xad: {  	[dreg:$0x0] =	wrdreg $0x60  }
0xae: {  	[dreg:$0x2] =	wrdreg s24  }
0xaf: {  	[dreg:$0x3] =	wrdreg s2  }
0xb0: {  	[dreg:$0x4] =	wrdreg $0x81800  }
0xb1: {  	[dreg:$0x5] =	wrdreg $0x9  }
0xb2: {  	_ =	task.clear_ibuf [dreg:s7], $0x6FFFF;
	_ =	strace $0x90000049  }
0xb3: {  	s29 =	simm.s32 $0x9;
	_ =	strace $0x8000004B  }
0xb4: {  	_ =	swait.ge [sflag:s29], $0x1  }
0xb5: {  	[sflag:s29] =	ssyncadd.s32 $0xFFFFFFFF  }
0xb6: {  	_ =	strace $0x9000004B  }
0xb7: {  	_ =	sfence  }
0xb8: {  	s30 =	sld [smem:$0x0];
	_ =	sdelay $0x2  }
0xb9: {  	s31 =	sshll.u32 s1, $0xD;
	s1 =	sshrl.u32 s1, $0x2  }
0xba: {  	s3 =	sand.u32 $0x4000, s31;
	s1 =	sadd.s32 s1, s30  }
0xbb: {  	s0 =	sor.u32 s3, s0;
	s1 =	sshll.u32 s1, $0x11  }
0xbc: {  	s0 =	sor.u32 s1, s0  }
0xbd: {  	s0 =	sadd.s32 $0x8F2B, s0  }
0xbe: {  	[sflag:s0] =	ssyncadd.remote.s32 $0x1  }
0xbf: {  	_ =	sfence.sel $0xFFFF  }
0xc0: {  	[dreg:$0x0] =	wrdreg $0xFFFFFFFF;
	(pc) =	sbr.abs _section_cstart, $3  }
0xc1: {  	[dreg:$0x1] =	wrdreg $0xFFFFFFFF  }
0xc2: {  	_ =	task.clear_ibuf [dreg:s7], $0x2FFFF;
	_ =	strace $0x9FFFFFFF  }
0xc3: {  	(tm) =	ssettm $0x7FFFFFFF  }
tec
execute0_lowered:
.L_overlay_start_1:
0x0: {  	(tag) =	ssettag $0x1  }
0x1: {  	s12 =	rddreg [dreg:$0x0]  }
0x2: {  	s15 =	rddreg [dreg:$0x1]  }
0x3: {  	s1 =	rddreg [dreg:$0x2]  }
0x4: {  	s0 =	rddreg [dreg:$0x3]  }
0x5: {  	s3 =	simm.s32 $0x0;
	s2 =	stileid.u32;
	s6 =	srdreg.scid  }
0x6: {  	s22 =	simm.s32 $0x180;
	s23 =	simm.s32 $0x1;
	s24 =	simm.s32 $0x4180  }
0x7: {  	s25 =	simm.s32 $0x2;
	[smem:$0x7FF] =	sst s3;
	s4 =	sadd.s32 $0x22600, s12  }
0x8: {  	s5 =	sadd.s32 $0x49800, s12;
	s13 =	smul.u32 $0x2700, s2;
	s14 =	sand.u32 $0x1, s6  }
0x9: {  	s6 =	sadd.s32 $0xEA00, s12;
	s10 =	smul.u32 $0x4E000, s2;
	s7 =	sadd.s32 $0x4C00, s12  }
0xa: {  	s8 =	sadd.s32 $0x18800, s12;
	s30 =	sshll.u32 s2, $0x6;
	s19 =	sadd.s32 $0x138000, s1  }
0xb: {  	p0 =	slt.u32 s2, $0x2;
	s21 =	sshll.u32 s2, $0x8;
	s31 =	smul.u32 $0x27100, s14  }
0xc: {  	_ =	strace $0x8000004A;
	s9 =	ssub.s32 $0x2, s14;
	s20 =	smul.u32 $0x138800, s14  }
0xd: {  	s14 =	sshll.u32 s14, $0x7;
	s11 =	sshrl.u32 s9, $0x1;
	s16 =	sadd.s32 s13, s12  }
0xe: {  	s29 =	sshrl.u32 s10, $0x2;
	s10 =	sor.u32 $0x1C03, s30;
	s12 =	sadd.s32 $0x80800, s12  }
0xf: {  	s17 =	ssub.s32 s9, s11;
	s18 =	sadd.s32 s29, s1;
	s9 =	sadd.s32 $0x59800, s16  }
0x10: {  	s11 =	simm.s32 $0x4F;
	s16 =	sadd.s32 s13, s31;
	s20 =	sshrl.u32 s20, $0x3  }
0x11: {  	s13 =	sor.u32 s14, s21;
	s21 =	simm.s32 $0x80;
	s11 =	simm.s32 @!p0 $0x4E  }
0x12: {  	s14 =	sadd.s32 s15, s16;
	s15 =	sadd.s32 s15, s20;
	s16 =	smax.u32 s17, $0x1  }
0x13: {  	p0 =	sne.s32 s2, $0xF;
	s17 =	sshrl.u32 s18, $0x3;
	s18 =	simm.s32 $0x3  }
0x14: {  	s20 =	simm.s32 $0x100;
	s15 =	sadd.s32 $0x27000, s15;
	s19 =	sshrl.u32 @!p0 s19, $0x3  }
.LBB2_1:
0x15: {  	[spmem:s17], [sflag:s10] =	dma.local [hbm:s9], $0x2700  }
0x16: {  	_ =	swait.ge [sflag:s18], $0x2700  }
0x17: {  	[sflag:s18] =	ssyncset.done $0x0  }
0x18: {  	s26 =	simm.s32 @!p0 $0x3;
	[sflag:s18] =	ssyncadd.s32 $0xFFFFD900  }
0x19: {  	[spmem:s19], [sflag:s10] =	dma.local @!p0 [hbm:s12], $0x100  }
0x1a: {  	_ =	swait.ge @!p0 [sflag:s26], $0x100  }
0x1b: {  	[sflag:s26] =	ssyncset.done @!p0 $0x0  }
0x1c: {  	[sflag:s26] =	ssyncadd.s32 @!p0 $0xFFFFFF00  }
0x1d: {  	s26 =	simm.s32 $0x0;
	[bflag:$0x0] =	sbarrier.arrive $0xFFFF  }
.LBB2_2:
0x1e: {  	s28 =	sshll.u32 s26, $0xC  }
0x1f: {  	s28 =	sor.u32 s13, s28  }
0x20: {  	s28 =	sshrl.u32 s28, $0x3  }
0x21: {  	s30 =	simm.s32 $0x0;
	s29 =	sadd.s32 s6, s28  }
0x22: {  	[tilespmem:s30], [sflag:$0x3] =	stream.linear.gather [hbm4b:s29+s30], $0x80, $0x38;
	[tilespmem:$0x1BA00] =	vst v63  }
0x23: {  	_ =	swait.ge [sflag:s18], $0x80  }
0x24: {  	[sflag:s18] =	ssyncset.done $0x0  }
0x25: {  	s29 =	sadd.s32 s8, s28;
	[sflag:s18] =	ssyncadd.s32 $0xFFFFFF80  }
0x26: {  	[tilespmem:s20], [sflag:$0x3] =	stream.linear.gather [hbm4b:s29+s30], $0x80, $0x38;
	[tilespmem:$0x1BA00] =	vst v63  }
0x27: {  	_ =	swait.ge [sflag:s18], $0x80  }
0x28: {  	[sflag:s18] =	ssyncset.done $0x0  }
0x29: {  	s28 =	sadd.s32 s7, s28;
	[sflag:s18] =	ssyncadd.s32 $0xFFFFFF80  }
0x2a: {  	[tilespmem:s21], [sflag:$0x3] =	stream.linear.gather [hbm4b:s28+s30], $0x80, $0x38;
	[tilespmem:$0x1BA00] =	vst v63  }
0x2b: {  	_ =	swait.ge [sflag:s18], $0x80  }
0x2c: {  	[sflag:s18] =	ssyncset.done $0x0  }
0x2d: {  	[sflag:s18] =	ssyncadd.s32 $0xFFFFFF80  }
0x2e: {  	[tilespmem:s22], [sflag:$0x1] =	stream.indirect.gather [hbm4b:s4+s21], $0x80, s30, s21, $0xb8;
	[tilespmem:$0x1BA00] =	vst v63  }
0x2f: {  	_ =	swait.ge [sflag:s23], $0x4000  }
0x30: {  	[sflag:s23] =	ssyncset.done $0x0  }
0x31: {  	[sflag:s23] =	ssyncadd.s32 $0xFFFFC000  }
0x32: {  	[tilespmem:s24], [sflag:$0x2] =	stream.indirect.gather [hbm4b:s5+s21], $0x80, s20, s21, $0xb8;
	[tilespmem:$0x1BA00] =	vst v63  }
0x33: {  	_ =	swait.ge [sflag:s25], $0x4000  }
0x34: {  	[sflag:s25] =	ssyncset.done $0x0  }
0x35: {  	s28 =	simm.s32 $0x0;
	[sflag:s25] =	ssyncadd.s32 $0xFFFFC000  }
0x36: {  	v6 =	vld [tilespmem:s28+$0x4180]  }
0x37: {  	v11 =	vld [tilespmem:s28+$0x4190]  }
0x38: {  	v5 =	vld [tilespmem:s28+$0x41A0]  }
0x39: {  	v4 =	vld [tilespmem:s28+$0x41B0]  }
0x3a: {  	v3 =	vld [tilespmem:s28+$0x41C0]  }
0x3b: {  	v2 =	vld [tilespmem:s28+$0x41D0]  }
0x3c: {  	v1 =	vld [tilespmem:s28+$0x41E0]  }
0x3d: {  	v0 =	vld [tilespmem:s28+$0x41F0]  }
0x3e: {  	v12 =	vld [tilespmem:s28+$0x180]  }
0x3f: {  	v13 =	vld [tilespmem:s28+$0x190]  }
0x40: {  	v10 =	vld [tilespmem:s28+$0x1A0]  }
0x41: {  	v9 =	vld [tilespmem:s28+$0x1B0]  }
0x42: {  	v8 =	vld [tilespmem:s28+$0x1C0]  }
0x43: {  	v7 =	vld [tilespmem:s28+$0x1D0];
	v12 =	vadd.f32 v6, v12  }
0x44: {  	s29 =	simm.s32 $0x200;
	v11 =	vadd.f32 v11, v13;
	v6 =	vld [tilespmem:s28+$0x1E0]  }
.LBB2_3:
0x45: {  	s30 =	sshra.s32 s29, $0x2;
	p1 =	sne.s32 s29, $0xFE00;
	v12 =	vmax.f32 v12, $0.0e+00;
	v5 =	vadd.f32 v5, v10;
	v10 =	vld [tilespmem:s28+$0x1F0]  }
0x46: {  	v13 =	vld [tilespmem:s30+$0x4180];
	[tilespmem:s28+$0x180] =	vst v12;
	v11 =	vmax.f32 v11, $0.0e+00;
	v4 =	vadd.f32 v4, v9  }
0x47: {  	v14 =	vld [tilespmem:s30+$0x4190];
	[tilespmem:s28+$0x190] =	vst v11;
	v9 =	vmax.f32 v5, $0.0e+00;
	v3 =	vadd.f32 v3, v8  }
0x48: {  	v5 =	vld [tilespmem:s30+$0x41A0];
	[tilespmem:s28+$0x1A0] =	vst v9;
	v8 =	vmax.f32 v4, $0.0e+00;
	v2 =	vadd.f32 v2, v7  }
0x49: {  	v4 =	vld [tilespmem:s30+$0x41B0];
	[tilespmem:s28+$0x1B0] =	vst v8;
	v7 =	vmax.f32 v3, $0.0e+00;
	v1 =	vadd.f32 v1, v6  }
0x4a: {  	v3 =	vld [tilespmem:s30+$0x41C0];
	[tilespmem:s28+$0x1C0] =	vst v7;
	v6 =	vmax.f32 v2, $0.0e+00;
	v0 =	vadd.f32 v0, v10  }
0x4b: {  	v2 =	vld [tilespmem:s30+$0x41D0];
	[tilespmem:s28+$0x1D0] =	vst v6;
	v6 =	vmax.f32 v1, $0.0e+00  }
0x4c: {  	v1 =	vld [tilespmem:s30+$0x41E0];
	[tilespmem:s28+$0x1E0] =	vst v6;
	v6 =	vmax.f32 v0, $0.0e+00  }
0x4d: {  	v0 =	vld [tilespmem:s30+$0x41F0];
	[tilespmem:s28+$0x1F0] =	vst v6;
	s28 =	smov.u32 s30  }
0x4e: {  	v6 =	vld [tilespmem:s28+$0x180]  }
0x4f: {  	v11 =	vld [tilespmem:s28+$0x190]  }
.Ltmp0:
0x50: {  	v10 =	vld [tilespmem:s28+$0x1A0];
	(pc) =	sbr.rel @p1 .LBB2_3-.Ltmp0, $4  }
0x51: {  	v9 =	vld [tilespmem:s28+$0x1B0]  }
0x52: {  	v8 =	vld [tilespmem:s28+$0x1C0]  }
0x53: {  	v12 =	vadd.f32 v13, v6;
	v7 =	vld [tilespmem:s28+$0x1D0]  }
0x54: {  	s29 =	sadd.s32 $0x200, s29;
	v11 =	vadd.f32 v14, v11;
	v6 =	vld [tilespmem:s28+$0x1E0]  }
0x55: {  	v12 =	vmax.f32 v12, $0.0e+00;
	v5 =	vadd.f32 v5, v10;
	v63 =	vld [tilespmem:s28+$0x1F0]  }
0x56: {  	[tilespmem:s28+$0x180] =	vst v12;
	v11 =	vmax.f32 v11, $0.0e+00;
	v4 =	vadd.f32 v4, v9  }
0x57: {  	[tilespmem:s28+$0x190] =	vst v11;
	v5 =	vmax.f32 v5, $0.0e+00;
	v3 =	vadd.f32 v3, v8  }
0x58: {  	[tilespmem:s28+$0x1A0] =	vst v5;
	v4 =	vmax.f32 v4, $0.0e+00;
	v2 =	vadd.f32 v2, v7  }
0x59: {  	[tilespmem:s28+$0x1B0] =	vst v4;
	v3 =	vmax.f32 v3, $0.0e+00;
	v1 =	vadd.f32 v1, v6  }
0x5a: {  	[tilespmem:s28+$0x1C0] =	vst v3;
	v2 =	vmax.f32 v2, $0.0e+00;
	v0 =	vadd.f32 v0, v63  }
0x5b: {  	s26 =	sadd.s32 $0x1, s26;
	[tilespmem:s28+$0x1D0] =	vst v2;
	v1 =	vmax.f32 v1, $0.0e+00  }
0x5c: {  	p1 =	sne.s32 s26, s11;
	[tilespmem:s28+$0x1E0] =	vst v1;
	v0 =	vmax.f32 v0, $0.0e+00  }
.Ltmp1:
0x5d: {  	[tilespmem:s28+$0x1F0] =	vst v0;
	(pc) =	sbr.rel @p1 .LBB2_2-.Ltmp1, $4  }
0x5e: {  	[spmem:s1] =	stream.indirect.scatter.add.f32 [tilespmem:s22], [sflag:$0x3], $0x80, s21, s21, $0xb8;
	[tilespmem:$0x1BA00] =	vst v63  }
0x5f: {  	_ =	swait.ge [sflag:s18], $0x4000  }
0x60: {  	[sflag:s18] =	ssyncset.done $0x0  }
0x61: {  	[sflag:s18] =	ssyncadd.s32 $0xFFFFC000  }
0x62: {  	[bflag:$0x0] =	sbarrier.arrive $0xFFFF  }
0x63: {  	[hbm:s14], [sflag:s10] =	dma.local [spmem:s17], $0x2700  }
0x64: {  	s3 =	sadd.s32 $0x1, s3;
	_ =	swait.ge [sflag:s18], $0x2700  }
0x65: {  	p1 =	sne.s32 s3, s16;
	[sflag:s18] =	ssyncset.done $0x0  }
.Ltmp2:
0x66: {  	s26 =	simm.s32 @!p0 $0x3;
	[sflag:s18] =	ssyncadd.s32 $0xFFFFD900;
	(pc) =	sbr.rel @p1 .LBB2_1-.Ltmp2, $4  }
0x67: {  	[hbm:s15], [sflag:s10] =	dma.local @!p0 [spmem:s19], $0x100  }
0x68: {  	_ =	swait.ge @!p0 [sflag:s26], $0x100  }
0x69: {  	[sflag:s26] =	ssyncset.done @!p0 $0x0  }
0x6a: {  	[sflag:s26] =	ssyncadd.s32 @!p0 $0xFFFFFF00  }
0x6b: {  	_ =	sfence.sel $0x180000  }
0x6c: {  	[bflag:$0x0] =	sbarrier.arrive $0xFFFF  }
0x6d: {  	p0 =	sne.s32 s2, $0x0;
	_ =	strace $0x9000004A  }
0x6e: {  	s0 =	sadd.s32 @!p0 $0x100000, s0;
	[bflag:$0x2] =	sbarrier.arrive $0xFFFF  }
0x6f: {  	[sflag:s0] =	ssyncadd.tile.s32 @!p0 $0x1;
	_ =	shalt  }
.Lfunc_end2:
_tile_overlayer_lowered:
.L_overlay_start_2:
0x70: {  	(tag) =	ssettag $0x2  }
0x71: {  	s0 =	rddreg [dreg:$0x0];
	s2 =	stileid.u32  }
0x72: {  	s1 =	rddreg [dreg:$0x1];
	p0 =	sne.s32 s2, $0x0  }
0x73: {  	s3 =	rddreg [dreg:$0x2];
	[bflag:$0x3] =	sbarrier.arrive $0xFFFF;
	s2 =	simm.s32 @!p0 $0x1C03  }
0x74: {  	[timem:s3], [sflag:s2] =	dma.local @!p0 [hbm:s0], s1  }
0x75: {  	s0 =	simm.s32 @!p0 $0x3  }
0x76: {  	_ =	swait.ge @!p0 [sflag:s0], s1  }
0x77: {  	s1 =	ssub.s32 @!p0 $0x0, s1;
	[sflag:s0] =	ssyncset.done @!p0 $0x0  }
0x78: {  	[sflag:s0] =	ssyncadd.s32 @!p0 s1  }
0x79: {  	[bflag:$0x3] =	sbarrier.arrive $0xFFFF  }
0x7a: {  	_ =	shalt  }

// kernel: kernel.18.cloned.1.call-start
scs
__scs_entry_jumppad:
0x0: {  	(pc) =	sbr.rel $0x88, $3  }
0x1: {  	(tag) =	ssettag $0x0;
	lr =	simm.s32 $0x1  }
0x2: {  	[smem:$0x3F91] =	sst lr;
	_ =	strace $0xD0000000  }
0x3: {  	_ = 	snop  }
0x4: {  	_ = 	snop  }
0x5: {  	_ = 	snop  }
0x6: {  	_ = 	snop  }
0x7: {  	_ = 	snop  }
__scs_overlays_trampoline_lowered:
0x8: {  	[smem:$0x3FA0] =	sst s0  }
0x9: {  	[smem:$0x3FA1] =	sst s1  }
0xa: {  	[smem:$0x3FA2] =	sst s2  }
0xb: {  	[smem:$0x3FA3] =	sst s3  }
0xc: {  	[smem:$0x3FA4] =	sst s4  }
0xd: {  	[smem:$0x3FA5] =	sst s5  }
0xe: {  	[smem:$0x3FA6] =	sst s6  }
0xf: {  	[smem:$0x3FA7] =	sst s7  }
0x10: {  	[smem:$0x3FA8] =	sst s8  }
0x11: {  	[smem:$0x3FA9] =	sst s9;
	s0 =	simm.s32 @!p0 $0x0  }
0x12: {  	s1 =	sld [smem:$0x3F8F];
	s0 =	simm.s32 @p0 $0x1  }
0x13: {  	[smem:$0x3FAA] =	sst s0;
	s0 =	simm.s32 @!p1 $0x0  }
0x14: {  	s2 =	sld [smem:$0x3F8E];
	s0 =	simm.s32 @p1 $0x1  }
0x15: {  	[smem:$0x3FAB] =	sst s0;
	s0 =	simm.s32 @!p2 $0x0  }
0x16: {  	s3 =	sld [smem:$0x3FDB];
	s0 =	simm.s32 @p2 $0x1  }
0x17: {  	s4 =	simm.s32 $0x1BF5;
	[smem:$0x3FAD] =	sst s0  }
0x18: {  	s0 =	sld [smem:$0x3F90];
	_ =	swait.ge [sflag:s4], $0x0  }
0x19: {  	s7 =	sld [smem:$0x3F91]  }
0x1a: {  	s8 =	sadd.s32 $0xFFFFE003, lr  }
0x1b: {  	s9 =	sadd.s32 $0xFFFFFEF7, lr;
	s5 =	simm.s32 $0xFFFFFFFF;
	p2 =	slt.u32 s8, $0xFFFFF086  }
0x1c: {  	p1 =	slt.u32 s9, $0xF7A;
	s5 =	simm.s32 @!p2 $0x0  }
0x1d: {  	s5 =	simm.s32 @p1 $0x1;
	p0 =	seq.s32 s7, s2  }
0x1e: {  	s7 =	smul.u32 @!p0 $0xF7A, s2;
	p2 =	seq.s32 @!p0 s5, $0x0  }
0x1f: {  	s9 =	smul.u32 $0xF7A, s1;
	s8 =	simm.s32 @!p0 $0x1BF5;
	p2 =	por !p2, p0  }
0x20: {  	[sflag:s8] =	ssyncset.s32 @!p0 $0xFFFFF086;
	s6 =	sadd.s32 @!p0 s3, s7;
	s7 =	simm.s32 @!p0 $0x108  }
0x21: {  	s3 =	sadd.s32 s3, s9;
	s6 =	sadd.s32 @!p0 $0x88, s6;
	s7 =	simm.s32 @p2 $0x1082  }
0x22: {  	[simem:s7], [sflag:s8] =	dma.local @!p0 [hbm:s6], $0xF7A  }
0x23: {  	s9 =	sor.u32 $0xD0000000, s2;
	s6 =	simm.s32 $0x108;
	_ =	swait.ge @!p0 [sflag:s8], $0x0  }
0x24: {  	s3 =	sadd.s32 $0x88, s3;
	s6 =	simm.s32 @!p1 $0x1082;
	[sflag:s4] =	ssyncset.s32 $0xFFFFF086  }
0x25: {  	[simem:s6], [sflag:s4] =	dma.local [hbm:s3], $0xF7A  }
0x26: {  	[smem:$0x3F91] =	sst s1;
	(tag) =	ssettag s2;
	_ =	strace s9  }
0x27: {  	s1 =	sld [smem:$0x3FA1]  }
0x28: {  	s2 =	sld [smem:$0x3FA2]  }
0x29: {  	s4 =	sld [smem:$0x3FA4]  }
0x2a: {  	p0 =	seq.s32 s5, $0x0;
	s5 =	sld [smem:$0x3FA5]  }
0x2b: {  	s6 =	sld [smem:$0x3FA6]  }
0x2c: {  	s7 =	sld [smem:$0x3FA7]  }
0x2d: {  	s3 =	simm.s32 $0x108;
	s8 =	sld [smem:$0x3FA8]  }
0x2e: {  	s3 =	simm.s32 @!p0 $0x1082;
	s9 =	sld [smem:$0x3FA9]  }
0x2f: {  	lr =	sadd.s32 s0, s3;
	s0 =	sld [smem:$0x3FA0]  }
0x30: {  	s3 =	sld [smem:$0x3FA3]  }
0x31: {  	[smem:$0x3FAC] =	sst s10  }
0x32: {  	s10 =	sld [smem:$0x3FAA];
	_ =	sdelay $0x3  }
0x33: {  	p0 =	seq.s32 s10, $0x1;
	s10 =	sld [smem:$0x3FAC];
	_ =	sdelay $0x3  }
0x34: {  	[smem:$0x3FAC] =	sst s10  }
0x35: {  	s10 =	sld [smem:$0x3FAB];
	_ =	sdelay $0x3  }
0x36: {  	p1 =	seq.s32 s10, $0x1;
	s10 =	sld [smem:$0x3FAC];
	_ =	sdelay $0x3  }
0x37: {  	[smem:$0x3FAC] =	sst s10  }
0x38: {  	s10 =	sld [smem:$0x3FAD]  }
0x39: {  	_ = 	snop;
	(pc) =	sbr.ind lr, $3  }
0x3a: {  	_ = 	snop  }
0x3b: {  	_ = 	snop  }
0x3c: {  	p2 =	seq.s32 s10, $0x1;
	s10 =	sld [smem:$0x3FAC]  }
0x3d: {  	_ =	shalt  }
0x3e: {  	_ =	shalt  }
0x3f: {  	_ =	shalt  }
0x40: {  	_ =	shalt  }
0x41: {  	_ =	shalt  }
0x42: {  	_ =	shalt  }
0x43: {  	_ =	shalt  }
0x44: {  	_ =	shalt  }
0x45: {  	_ =	shalt  }
0x46: {  	_ =	shalt  }
0x47: {  	_ =	shalt  }
0x48: {  	_ =	shalt  }
0x49: {  	_ =	shalt  }
0x4a: {  	_ =	shalt  }
0x4b: {  	_ =	shalt  }
0x4c: {  	_ =	shalt  }
0x4d: {  	_ =	shalt  }
0x4e: {  	_ =	shalt  }
0x4f: {  	_ =	shalt  }
0x50: {  	_ =	shalt  }
0x51: {  	_ =	shalt  }
0x52: {  	_ =	shalt  }
0x53: {  	_ =	shalt  }
0x54: {  	_ =	shalt  }
0x55: {  	_ =	shalt  }
0x56: {  	_ =	shalt  }
0x57: {  	_ =	shalt  }
0x58: {  	_ =	shalt  }
0x59: {  	_ =	shalt  }
0x5a: {  	_ =	shalt  }
0x5b: {  	_ =	shalt  }
0x5c: {  	_ =	shalt  }
0x5d: {  	_ =	shalt  }
0x5e: {  	_ =	shalt  }
0x5f: {  	_ =	shalt  }
0x60: {  	_ =	shalt  }
0x61: {  	_ =	shalt  }
0x62: {  	_ =	shalt  }
0x63: {  	_ =	shalt  }
0x64: {  	_ =	shalt  }
0x65: {  	_ =	shalt  }
0x66: {  	_ =	shalt  }
0x67: {  	_ =	shalt  }
0x68: {  	_ =	shalt  }
0x69: {  	_ =	shalt  }
0x6a: {  	_ =	shalt  }
0x6b: {  	_ =	shalt  }
0x6c: {  	_ =	shalt  }
0x6d: {  	_ =	shalt  }
0x6e: {  	_ =	shalt  }
0x6f: {  	_ =	shalt  }
0x70: {  	_ =	shalt  }
0x71: {  	_ =	shalt  }
0x72: {  	_ =	shalt  }
0x73: {  	_ =	shalt  }
0x74: {  	_ =	shalt  }
0x75: {  	_ =	shalt  }
0x76: {  	_ =	shalt  }
0x77: {  	_ =	shalt  }
0x78: {  	_ =	shalt  }
0x79: {  	_ =	shalt  }
0x7a: {  	_ =	shalt  }
0x7b: {  	_ =	shalt  }
0x7c: {  	_ =	shalt  }
0x7d: {  	_ =	shalt  }
0x7e: {  	_ =	shalt  }
0x7f: {  	_ =	shalt  }
0x80: {  	_ =	shalt  }
0x81: {  	_ =	shalt  }
0x82: {  	_ =	shalt  }
0x83: {  	_ =	shalt  }
0x84: {  	_ =	shalt  }
0x85: {  	_ =	shalt  }
0x86: {  	_ =	shalt  }
0x87: {  	_ =	shalt  }
.Lfunc_end0:
.L_simem_size_0:
called_computation.2_lowered:
.L_overlay_start_0:
0x88: {  	s2 =	sld [smem:$0x3FD9]  }
0x89: {  	s3 =	sld [smem:$0x3FFE];
	_ =	sdelay $0x1  }
0x8a: {  	s1 =	srdreg.scid  }
0x8b: {  	s0 =	sand.u32 $0x1, s1  }
0x8c: {  	s17 =	sshll.u32 s0, $0xA;
	s2 =	sadd.s32 s3, s2  }
0x8d: {  	s2 =	sadd.s32 s2, s17  }
0x8e: {  	[smem:$0x3FB8] =	sst s2  }
0x8f: {  	_ = 	snop  }
0x90: {  	s2 =	sld [smem:$0x3FD0];
	(tm) =	ssettm $0x1  }
0x91: {  	s18 =	sld [smem:$0x3FFB];
	_ =	sdelay $0x3  }
0x92: {  	_ =	strace s18  }
0x93: {  	s3 =	sld [smem:$0x3FFC];
	_ =	sdelay $0x3  }
0x94: {  	_ =	strace s3  }
0x95: {  	s3 =	sld [smem:$0x3FFD];
	_ =	sdelay $0x3  }
0x96: {  	_ =	strace s3  }
0x97: {  	_ =	strace $0x8FFFFFFF  }
0x98: {  	s19 =	sld [smem:$0x3FDB];
	_ =	sdelay $0x1  }
0x99: {  	s4 =	simm.s32 $_scs_section_size  }
0x9a: {  	s5 =	simm.s32 $_size__tile_overlayer_lowered;
	s6 =	simm.s32 $_tile_overlayer_lowered  }
0x9b: {  	s22 =	simm.s32 $0x1BFF;
	s21 =	sshll.u32 s6, $0x1;
	s3 =	sadd.s32 s4, s19  }
0x9c: {  	s7 =	simm.s32 $0x0;
	s20 =	sshll.u32 s5, $0x1;
	s5 =	sadd.s32 s21, s3  }
0x9d: {  	[timem:s7], [sflag:s22] =	dma.local [hbm:s5], s20  }
0x9e: {  	_ =	swait.ge [sflag:s22], s20  }
0x9f: {  	s4 =	ssub.s32 $0x0, s20;
	[sflag:s22] =	ssyncset.done $0x0  }
0xa0: {  	[sflag:s22] =	ssyncadd.s32 s4;
	_ =	sdelay $0x1  }
0xa1: {  	s23 =	simm.s32 $0x1B8B  }
0xa2: {  	_ =	swait.ge [sflag:s23], $0x1  }
0xa3: {  	[sflag:s23] =	ssyncset.done $0x0  }
0xa4: {  	s25 =	simm.s32 $0x1B8E;
	s24 =	sld [smem:$0x3FFE];
	[sflag:s23] =	ssyncadd.s32 $0xFFFFFFFF  }
0xa5: {  	s26 =	simm.s32 $execute0_lowered;
	[smem:$0x3FD2] =	sst s25  }
0xa6: {  	s5 =	sshll.u32 s26, $0x1;
	_ =	strace $0x8000004C;
	[dreg:$0x1] =	wrdreg $0xFFFFFFFF  }
0xa7: {  	s28 =	simm.s32 $_size_execute0_lowered;
	s3 =	sadd.s32 s3, s5;
	[dreg:$0x0] =	wrdreg $0x0  }
0xa8: {  	s5 =	sshll.u32 s28, $0x1;
	[dreg:$0x2] =	wrdreg s3  }
0xa9: {  	[dreg:$0x3] =	wrdreg s5  }
0xaa: {  	[dreg:$0x4] =	wrdreg $0xC0  }
0xab: {  	_ =	task [dreg:s7], $0x5FFFF  }
0xac: {  	[dreg:$0x1] =	wrdreg $0xFFFFFFFF  }
0xad: {  	[dreg:$0x0] =	wrdreg $0x60  }
0xae: {  	[dreg:$0x2] =	wrdreg s24  }
0xaf: {  	[dreg:$0x3] =	wrdreg s2  }
0xb0: {  	[dreg:$0x4] =	wrdreg $0x81800  }
0xb1: {  	[dreg:$0x5] =	wrdreg $0x9  }
0xb2: {  	_ =	task.clear_ibuf [dreg:s7], $0x6FFFF;
	_ =	strace $0x9000004C  }
0xb3: {  	s29 =	simm.s32 $0x9;
	_ =	strace $0x8000004E  }
0xb4: {  	_ =	swait.ge [sflag:s29], $0x1  }
0xb5: {  	[sflag:s29] =	ssyncadd.s32 $0xFFFFFFFF  }
0xb6: {  	_ =	strace $0x9000004E  }
0xb7: {  	_ =	sfence  }
0xb8: {  	s30 =	sld [smem:$0x0];
	_ =	sdelay $0x2  }
0xb9: {  	s31 =	sshll.u32 s1, $0xD;
	s1 =	sshrl.u32 s1, $0x2  }
0xba: {  	s3 =	sand.u32 $0x4000, s31;
	s1 =	sadd.s32 s1, s30  }
0xbb: {  	s0 =	sor.u32 s3, s0;
	s1 =	sshll.u32 s1, $0x11  }
0xbc: {  	s0 =	sor.u32 s1, s0  }
0xbd: {  	s0 =	sadd.s32 $0x8F2B, s0  }
0xbe: {  	[sflag:s0] =	ssyncadd.remote.s32 $0x1  }
0xbf: {  	_ =	sfence.sel $0xFFFF  }
0xc0: {  	[dreg:$0x0] =	wrdreg $0xFFFFFFFF;
	(pc) =	sbr.abs _section_cstart, $3  }
0xc1: {  	[dreg:$0x1] =	wrdreg $0xFFFFFFFF  }
0xc2: {  	_ =	task.clear_ibuf [dreg:s7], $0x2FFFF;
	_ =	strace $0x9FFFFFFF  }
0xc3: {  	(tm) =	ssettm $0x7FFFFFFF  }
tec
execute0_lowered:
.L_overlay_start_1:
0x0: {  	(tag) =	ssettag $0x1  }
0x1: {  	s12 =	rddreg [dreg:$0x0]  }
0x2: {  	s15 =	rddreg [dreg:$0x1]  }
0x3: {  	s1 =	rddreg [dreg:$0x2]  }
0x4: {  	s0 =	rddreg [dreg:$0x3]  }
0x5: {  	s3 =	simm.s32 $0x0;
	s2 =	stileid.u32;
	s6 =	srdreg.scid  }
0x6: {  	s22 =	simm.s32 $0x180;
	s23 =	simm.s32 $0x1;
	s24 =	simm.s32 $0x4180  }
0x7: {  	s25 =	simm.s32 $0x2;
	[smem:$0x7FF] =	sst s3;
	s4 =	sadd.s32 $0x22600, s12  }
0x8: {  	s5 =	sadd.s32 $0x49800, s12;
	s13 =	smul.u32 $0x2700, s2;
	s14 =	sand.u32 $0x1, s6  }
0x9: {  	s6 =	sadd.s32 $0xEA00, s12;
	s10 =	smul.u32 $0x4E000, s2;
	s7 =	sadd.s32 $0x4C00, s12  }
0xa: {  	s8 =	sadd.s32 $0x18800, s12;
	s30 =	sshll.u32 s2, $0x6;
	s19 =	sadd.s32 $0x138000, s1  }
0xb: {  	p0 =	slt.u32 s2, $0x2;
	s21 =	sshll.u32 s2, $0x8;
	s31 =	smul.u32 $0x27100, s14  }
0xc: {  	_ =	strace $0x8000004D;
	s9 =	ssub.s32 $0x2, s14;
	s20 =	smul.u32 $0x138800, s14  }
0xd: {  	s14 =	sshll.u32 s14, $0x7;
	s11 =	sshrl.u32 s9, $0x1;
	s16 =	sadd.s32 s13, s12  }
0xe: {  	s29 =	sshrl.u32 s10, $0x2;
	s10 =	sor.u32 $0x1C03, s30;
	s12 =	sadd.s32 $0x80800, s12  }
0xf: {  	s17 =	ssub.s32 s9, s11;
	s18 =	sadd.s32 s29, s1;
	s9 =	sadd.s32 $0x59800, s16  }
0x10: {  	s11 =	simm.s32 $0x4F;
	s16 =	sadd.s32 s13, s31;
	s20 =	sshrl.u32 s20, $0x3  }
0x11: {  	s13 =	sor.u32 s14, s21;
	s21 =	simm.s32 $0x80;
	s11 =	simm.s32 @!p0 $0x4E  }
0x12: {  	s14 =	sadd.s32 s15, s16;
	s15 =	sadd.s32 s15, s20;
	s16 =	smax.u32 s17, $0x1  }
0x13: {  	p0 =	sne.s32 s2, $0xF;
	s17 =	sshrl.u32 s18, $0x3;
	s18 =	simm.s32 $0x3  }
0x14: {  	s20 =	simm.s32 $0x100;
	s15 =	sadd.s32 $0x27000, s15;
	s19 =	sshrl.u32 @!p0 s19, $0x3  }
.LBB2_1:
0x15: {  	[spmem:s17], [sflag:s10] =	dma.local [hbm:s9], $0x2700  }
0x16: {  	_ =	swait.ge [sflag:s18], $0x2700  }
0x17: {  	[sflag:s18] =	ssyncset.done $0x0  }
0x18: {  	s26 =	simm.s32 @!p0 $0x3;
	[sflag:s18] =	ssyncadd.s32 $0xFFFFD900  }
0x19: {  	[spmem:s19], [sflag:s10] =	dma.local @!p0 [hbm:s12], $0x100  }
0x1a: {  	_ =	swait.ge @!p0 [sflag:s26], $0x100  }
0x1b: {  	[sflag:s26] =	ssyncset.done @!p0 $0x0  }
0x1c: {  	[sflag:s26] =	ssyncadd.s32 @!p0 $0xFFFFFF00  }
0x1d: {  	s26 =	simm.s32 $0x0;
	[bflag:$0x0] =	sbarrier.arrive $0xFFFF  }
.LBB2_2:
0x1e: {  	s28 =	sshll.u32 s26, $0xC  }
0x1f: {  	s28 =	sor.u32 s13, s28  }
0x20: {  	s28 =	sshrl.u32 s28, $0x3  }
0x21: {  	s30 =	simm.s32 $0x0;
	s29 =	sadd.s32 s6, s28  }
0x22: {  	[tilespmem:s30], [sflag:$0x3] =	stream.linear.gather [hbm4b:s29+s30], $0x80, $0x38;
	[tilespmem:$0x1BA00] =	vst v63  }
0x23: {  	_ =	swait.ge [sflag:s18], $0x80  }
0x24: {  	[sflag:s18] =	ssyncset.done $0x0  }
0x25: {  	s29 =	sadd.s32 s8, s28;
	[sflag:s18] =	ssyncadd.s32 $0xFFFFFF80  }
0x26: {  	[tilespmem:s20], [sflag:$0x3] =	stream.linear.gather [hbm4b:s29+s30], $0x80, $0x38;
	[tilespmem:$0x1BA00] =	vst v63  }
0x27: {  	_ =	swait.ge [sflag:s18], $0x80  }
0x28: {  	[sflag:s18] =	ssyncset.done $0x0  }
0x29: {  	s28 =	sadd.s32 s7, s28;
	[sflag:s18] =	ssyncadd.s32 $0xFFFFFF80  }
0x2a: {  	[tilespmem:s21], [sflag:$0x3] =	stream.linear.gather [hbm4b:s28+s30], $0x80, $0x38;
	[tilespmem:$0x1BA00] =	vst v63  }
0x2b: {  	_ =	swait.ge [sflag:s18], $0x80  }
0x2c: {  	[sflag:s18] =	ssyncset.done $0x0  }
0x2d: {  	[sflag:s18] =	ssyncadd.s32 $0xFFFFFF80  }
0x2e: {  	[tilespmem:s22], [sflag:$0x1] =	stream.indirect.gather [hbm4b:s4+s21], $0x80, s30, s21, $0xb8;
	[tilespmem:$0x1BA00] =	vst v63  }
0x2f: {  	_ =	swait.ge [sflag:s23], $0x4000  }
0x30: {  	[sflag:s23] =	ssyncset.done $0x0  }
0x31: {  	[sflag:s23] =	ssyncadd.s32 $0xFFFFC000  }
0x32: {  	[tilespmem:s24], [sflag:$0x2] =	stream.indirect.gather [hbm4b:s5+s21], $0x80, s20, s21, $0xb8;
	[tilespmem:$0x1BA00] =	vst v63  }
0x33: {  	_ =	swait.ge [sflag:s25], $0x4000  }
0x34: {  	[sflag:s25] =	ssyncset.done $0x0  }
0x35: {  	s28 =	simm.s32 $0x0;
	[sflag:s25] =	ssyncadd.s32 $0xFFFFC000  }
0x36: {  	v6 =	vld [tilespmem:s28+$0x4180]  }
0x37: {  	v11 =	vld [tilespmem:s28+$0x4190]  }
0x38: {  	v5 =	vld [tilespmem:s28+$0x41A0]  }
0x39: {  	v4 =	vld [tilespmem:s28+$0x41B0]  }
0x3a: {  	v3 =	vld [tilespmem:s28+$0x41C0]  }
0x3b: {  	v2 =	vld [tilespmem:s28+$0x41D0]  }
0x3c: {  	v1 =	vld [tilespmem:s28+$0x41E0]  }
0x3d: {  	v0 =	vld [tilespmem:s28+$0x41F0]  }
0x3e: {  	v12 =	vld [tilespmem:s28+$0x180]  }
0x3f: {  	v13 =	vld [tilespmem:s28+$0x190]  }
0x40: {  	v10 =	vld [tilespmem:s28+$0x1A0]  }
0x41: {  	v9 =	vld [tilespmem:s28+$0x1B0]  }
0x42: {  	v8 =	vld [tilespmem:s28+$0x1C0]  }
0x43: {  	v7 =	vld [tilespmem:s28+$0x1D0];
	v12 =	vadd.f32 v6, v12  }
0x44: {  	s29 =	simm.s32 $0x200;
	v11 =	vadd.f32 v11, v13;
	v6 =	vld [tilespmem:s28+$0x1E0]  }
.LBB2_3:
0x45: {  	s30 =	sshra.s32 s29, $0x2;
	p1 =	sne.s32 s29, $0xFE00;
	v12 =	vmax.f32 v12, $0.0e+00;
	v5 =	vadd.f32 v5, v10;
	v10 =	vld [tilespmem:s28+$0x1F0]  }
0x46: {  	v13 =	vld [tilespmem:s30+$0x4180];
	[tilespmem:s28+$0x180] =	vst v12;
	v11 =	vmax.f32 v11, $0.0e+00;
	v4 =	vadd.f32 v4, v9  }
0x47: {  	v14 =	vld [tilespmem:s30+$0x4190];
	[tilespmem:s28+$0x190] =	vst v11;
	v9 =	vmax.f32 v5, $0.0e+00;
	v3 =	vadd.f32 v3, v8  }
0x48: {  	v5 =	vld [tilespmem:s30+$0x41A0];
	[tilespmem:s28+$0x1A0] =	vst v9;
	v8 =	vmax.f32 v4, $0.0e+00;
	v2 =	vadd.f32 v2, v7  }
0x49: {  	v4 =	vld [tilespmem:s30+$0x41B0];
	[tilespmem:s28+$0x1B0] =	vst v8;
	v7 =	vmax.f32 v3, $0.0e+00;
	v1 =	vadd.f32 v1, v6  }
0x4a: {  	v3 =	vld [tilespmem:s30+$0x41C0];
	[tilespmem:s28+$0x1C0] =	vst v7;
	v6 =	vmax.f32 v2, $0.0e+00;
	v0 =	vadd.f32 v0, v10  }
0x4b: {  	v2 =	vld [tilespmem:s30+$0x41D0];
	[tilespmem:s28+$0x1D0] =	vst v6;
	v6 =	vmax.f32 v1, $0.0e+00  }
0x4c: {  	v1 =	vld [tilespmem:s30+$0x41E0];
	[tilespmem:s28+$0x1E0] =	vst v6;
	v6 =	vmax.f32 v0, $0.0e+00  }
0x4d: {  	v0 =	vld [tilespmem:s30+$0x41F0];
	[tilespmem:s28+$0x1F0] =	vst v6;
	s28 =	smov.u32 s30  }
0x4e: {  	v6 =	vld [tilespmem:s28+$0x180]  }
0x4f: {  	v11 =	vld [tilespmem:s28+$0x190]  }
.Ltmp0:
0x50: {  	v10 =	vld [tilespmem:s28+$0x1A0];
	(pc) =	sbr.rel @p1 .LBB2_3-.Ltmp0, $4  }
0x51: {  	v9 =	vld [tilespmem:s28+$0x1B0]  }
0x52: {  	v8 =	vld [tilespmem:s28+$0x1C0]  }
0x53: {  	v12 =	vadd.f32 v13, v6;
	v7 =	vld [tilespmem:s28+$0x1D0]  }
0x54: {  	s29 =	sadd.s32 $0x200, s29;
	v11 =	vadd.f32 v14, v11;
	v6 =	vld [tilespmem:s28+$0x1E0]  }
0x55: {  	v12 =	vmax.f32 v12, $0.0e+00;
	v5 =	vadd.f32 v5, v10;
	v63 =	vld [tilespmem:s28+$0x1F0]  }
0x56: {  	[tilespmem:s28+$0x180] =	vst v12;
	v11 =	vmax.f32 v11, $0.0e+00;
	v4 =	vadd.f32 v4, v9  }
0x57: {  	[tilespmem:s28+$0x190] =	vst v11;
	v5 =	vmax.f32 v5, $0.0e+00;
	v3 =	vadd.f32 v3, v8  }
0x58: {  	[tilespmem:s28+$0x1A0] =	vst v5;
	v4 =	vmax.f32 v4, $0.0e+00;
	v2 =	vadd.f32 v2, v7  }
0x59: {  	[tilespmem:s28+$0x1B0] =	vst v4;
	v3 =	vmax.f32 v3, $0.0e+00;
	v1 =	vadd.f32 v1, v6  }
0x5a: {  	[tilespmem:s28+$0x1C0] =	vst v3;
	v2 =	vmax.f32 v2, $0.0e+00;
	v0 =	vadd.f32 v0, v63  }
0x5b: {  	s26 =	sadd.s32 $0x1, s26;
	[tilespmem:s28+$0x1D0] =	vst v2;
	v1 =	vmax.f32 v1, $0.0e+00  }
0x5c: {  	p1 =	sne.s32 s26, s11;
	[tilespmem:s28+$0x1E0] =	vst v1;
	v0 =	vmax.f32 v0, $0.0e+00  }
.Ltmp1:
0x5d: {  	[tilespmem:s28+$0x1F0] =	vst v0;
	(pc) =	sbr.rel @p1 .LBB2_2-.Ltmp1, $4  }
0x5e: {  	[spmem:s1] =	stream.indirect.scatter.add.f32 [tilespmem:s22], [sflag:$0x3], $0x80, s21, s21, $0xb8;
	[tilespmem:$0x1BA00] =	vst v63  }
0x5f: {  	_ =	swait.ge [sflag:s18], $0x4000  }
0x60: {  	[sflag:s18] =	ssyncset.done $0x0  }
0x61: {  	[sflag:s18] =	ssyncadd.s32 $0xFFFFC000  }
0x62: {  	[bflag:$0x0] =	sbarrier.arrive $0xFFFF  }
0x63: {  	[hbm:s14], [sflag:s10] =	dma.local [spmem:s17], $0x2700  }
0x64: {  	s3 =	sadd.s32 $0x1, s3;
	_ =	swait.ge [sflag:s18], $0x2700  }
0x65: {  	p1 =	sne.s32 s3, s16;
	[sflag:s18] =	ssyncset.done $0x0  }
.Ltmp2:
0x66: {  	s26 =	simm.s32 @!p0 $0x3;
	[sflag:s18] =	ssyncadd.s32 $0xFFFFD900;
	(pc) =	sbr.rel @p1 .LBB2_1-.Ltmp2, $4  }
0x67: {  	[hbm:s15], [sflag:s10] =	dma.local @!p0 [spmem:s19], $0x100  }
0x68: {  	_ =	swait.ge @!p0 [sflag:s26], $0x100  }
0x69: {  	[sflag:s26] =	ssyncset.done @!p0 $0x0  }
0x6a: {  	[sflag:s26] =	ssyncadd.s32 @!p0 $0xFFFFFF00  }
0x6b: {  	_ =	sfence.sel $0x180000  }
0x6c: {  	[bflag:$0x0] =	sbarrier.arrive $0xFFFF  }
0x6d: {  	p0 =	sne.s32 s2, $0x0;
	_ =	strace $0x9000004D  }
0x6e: {  	s0 =	sadd.s32 @!p0 $0x100000, s0;
	[bflag:$0x2] =	sbarrier.arrive $0xFFFF  }
0x6f: {  	[sflag:s0] =	ssyncadd.tile.s32 @!p0 $0x1;
	_ =	shalt  }
.Lfunc_end2:
_tile_overlayer_lowered:
.L_overlay_start_2:
0x70: {  	(tag) =	ssettag $0x2  }
0x71: {  	s0 =	rddreg [dreg:$0x0];
	s2 =	stileid.u32  }
0x72: {  	s1 =	rddreg [dreg:$0x1];
	p0 =	sne.s32 s2, $0x0  }
0x73: {  	s3 =	rddreg [dreg:$0x2];
	[bflag:$0x3] =	sbarrier.arrive $0xFFFF;
	s2 =	simm.s32 @!p0 $0x1C03  }
0x74: {  	[timem:s3], [sflag:s2] =	dma.local @!p0 [hbm:s0], s1  }
0x75: {  	s0 =	simm.s32 @!p0 $0x3  }
0x76: {  	_ =	swait.ge @!p0 [sflag:s0], s1  }
0x77: {  	s1 =	ssub.s32 @!p0 $0x0, s1;
	[sflag:s0] =	ssyncset.done @!p0 $0x0  }
0x78: {  	[sflag:s0] =	ssyncadd.s32 @!p0 s1  }
0x79: {  	[bflag:$0x3] =	sbarrier.arrive $0xFFFF  }
0x7a: {  	_ =	shalt  }

</sc_bundles>
